<compile_context>
chip_gen: v7x
topology: tpu7x:2x2x1
jax: 0.10.2.dev20260603
libtpu: 0.0.44.dev20260713+nightly
codegen_flags: <defaults>
</compile_context>

<pallas_src>
import functools

import jax
import jax.numpy as jnp
from jax import lax
from jax.experimental import pallas as pl
from jax.experimental.pallas import tpu as pltpu
from jax.experimental.pallas import tpu_sc as plsc

N = 10000
E = 320000
DIN = 128
H = 64
G = 64
DOUT = 128

NC = 2
NS = 16
NW = NC * NS
K = 128
EPW = 10240
E_PAD = NW * EPW
C = EPW // K
N_PAD = 10240
RPS = N_PAD // NS
NB = 2
ZB = 32


def _dotT(a, w):
    return lax.dot_general(a, w, (((1,), (1,)), ((), ())),
                           preferred_element_type=jnp.float32)



def _tc_first_body(x_ref, wr_ref, wq_ref, b_ref, xw_ref, xr_ref):
    X = x_ref[...]
    xw_ref[pl.ds(0, N), :] = _dotT(X, wr_ref[...]).astype(jnp.bfloat16)
    xw_ref[pl.ds(N, N_PAD - N), :] = jnp.zeros((N_PAD - N, H), jnp.bfloat16)
    xr_ref[...] = _dotT(X, wq_ref[...]) + b_ref[...]


def _tc_first(x, w_rel, w_root, b):
    return pl.pallas_call(
        _tc_first_body,
        out_shape=(jax.ShapeDtypeStruct((N_PAD, H), jnp.bfloat16),
                   jax.ShapeDtypeStruct((N, H), jnp.float32)),
    )(x, w_rel, w_root, b)


def _tc_mid_body(p_ref, xr_ref, wr_ref, wq_ref, b_ref, xw_ref, xro_ref):
    agg = p_ref[0, :N].astype(jnp.float32) + p_ref[1, :N].astype(jnp.float32)
    h = jnp.maximum(agg + xr_ref[...], 0.0)
    xw_ref[pl.ds(0, N), :] = _dotT(h, wr_ref[...]).astype(jnp.bfloat16)
    xw_ref[pl.ds(N, N_PAD - N), :] = jnp.zeros((N_PAD - N, H), jnp.bfloat16)
    xro_ref[...] = _dotT(h, wq_ref[...]) + b_ref[...]


def _tc_mid(parts, xr, w_rel, w_root, b):
    return pl.pallas_call(
        _tc_mid_body,
        out_shape=(jax.ShapeDtypeStruct((N_PAD, H), jnp.bfloat16),
                   jax.ShapeDtypeStruct((N, H), jnp.float32)),
    )(parts, xr, w_rel, w_root, b)


def _tc_final_body(p_ref, xr_ref, bt_ref, wl_ref, bl_ref, out_ref):
    h = (p_ref[0, :N].astype(jnp.float32) + p_ref[1, :N].astype(jnp.float32)
         + xr_ref[...])
    gi = lax.broadcasted_iota(jnp.int32, (G, N), 0)
    A = (bt_ref[...] == gi).astype(jnp.float32)
    sums = jnp.dot(A, h, preferred_element_type=jnp.float32)
    counts = jnp.sum(A, axis=1, keepdims=True)
    pooled = sums / jnp.maximum(counts, 1.0)
    out_ref[...] = _dotT(pooled, wl_ref[...]) + bl_ref[...]


def _tc_final(parts, xr, batch2d, w_lin, b_lin):
    return pl.pallas_call(
        _tc_final_body,
        out_shape=jax.ShapeDtypeStruct((G, DOUT), jnp.float32),
    )(parts, xr, batch2d, w_lin, b_lin)



def _sc_seg_body(xw_hbm, src_hbm, dst_hbm, out_hbm,
                 src_v, dst_v, rows_v, zbuf, xw_sh, acc_sh, gsem, ssem):
    c = lax.axis_index("c")
    s = lax.axis_index("s")
    wid = s * NC + c

    pltpu.async_copy(xw_hbm.at[pl.ds(s * RPS, RPS)],
                     xw_sh.at[pl.ds(s * RPS, RPS)], gsem.at[0])
    zv = jnp.zeros((32,), jnp.bfloat16)

    def zrow(i, carry):
        for j in range(H // 32):
            zbuf[i, pl.ds(j * 32, 32)] = zv
        return carry
    lax.fori_loop(0, ZB, zrow, 0)

    def zcopy(t, carry):
        pltpu.async_copy(zbuf, acc_sh.at[pl.ds(s * RPS + t * ZB, ZB)],
                         ssem.at[0])
        return carry
    lax.fori_loop(0, RPS // ZB, zcopy, 0)

    r0 = wid * C
    pltpu.async_copy(src_hbm.at[pl.ds(r0, C)], src_v, gsem.at[1])
    pltpu.sync_copy(dst_hbm.at[pl.ds(r0, C)], dst_v)
    pltpu.make_async_copy(src_hbm.at[pl.ds(r0, C)], src_v, gsem.at[1]).wait()
    pltpu.make_async_copy(xw_hbm.at[pl.ds(s * RPS, RPS)],
                          xw_sh.at[pl.ds(s * RPS, RPS)], gsem.at[0]).wait()

    def zdrain(t, carry):
        pltpu.make_async_copy(zbuf, acc_sh.at[pl.ds(s * RPS + t * ZB, ZB)],
                              ssem.at[0]).wait()
        return carry
    lax.fori_loop(0, RPS // ZB, zdrain, 0)
    plsc.subcore_barrier()

    for b in range(NB):
        pltpu.async_copy(xw_sh.at[src_v.at[b]], rows_v.at[b], gsem.at[b])

    @pl.loop(0, C, step=NB)
    def _chunks(i):
        for b in range(NB):
            ch = i + b
            pltpu.make_async_copy(xw_sh.at[src_v.at[ch]], rows_v.at[b],
                                  gsem.at[b]).wait()
            pltpu.async_copy(rows_v.at[b], acc_sh.at[dst_v.at[ch]],
                             ssem.at[b], add=True)
        for b in range(NB):
            ch = i + b
            pltpu.make_async_copy(rows_v.at[b], acc_sh.at[dst_v.at[ch]],
                                  ssem.at[b]).wait()

            @pl.when(i + NB < C)
            def _():
                pltpu.async_copy(xw_sh.at[src_v.at[ch + NB]], rows_v.at[b],
                                 gsem.at[b])

    plsc.subcore_barrier()
    pltpu.sync_copy(acc_sh.at[pl.ds(s * RPS, RPS)],
                    out_hbm.at[c, pl.ds(s * RPS, RPS)])


@functools.cache
def _sc_seg_kernel():
    return pl.kernel(
        _sc_seg_body,
        out_type=jax.ShapeDtypeStruct((NC, N_PAD, H), jnp.bfloat16),
        mesh=plsc.VectorSubcoreMesh(core_axis_name="c", subcore_axis_name="s",
                                    num_cores=NC, num_subcores=NS),
        scratch_types=[
            pltpu.VMEM((C, K), jnp.int32),
            pltpu.VMEM((C, K), jnp.int32),
            pltpu.VMEM((NB, K, H), jnp.bfloat16),
            pltpu.VMEM((ZB, H), jnp.bfloat16),
            pltpu.VMEM_SHARED((N_PAD, H), jnp.bfloat16),
            pltpu.VMEM_SHARED((N_PAD, H), jnp.bfloat16),
            pltpu.SemaphoreType.DMA((NB,)),
            pltpu.SemaphoreType.DMA((NB,)),
        ],
        compiler_params=pltpu.CompilerParams(use_tc_tiling_on_sc=False),
    )


def _sc_seg(xw, src2d, dst2d):
    return _sc_seg_kernel()(xw, src2d, dst2d)



def kernel(x, edge_index, edge_attr, batch,
           W1_rel, b1, W1_root, W2_rel, b2, W2_root,
           W3_rel, b3, W3_root, W_lin, b_lin):
    del edge_attr
    npad = E_PAD - E
    src = jnp.concatenate([edge_index[0], jnp.zeros((npad,), jnp.int32)])
    dst = jnp.concatenate([edge_index[1],
                           N + (jnp.arange(npad, dtype=jnp.int32) % (N_PAD - N))])
    src2d = src.reshape(E_PAD // K, K)
    dst2d = dst.reshape(E_PAD // K, K)
    batch2d = batch.reshape(1, N)
    b1r = b1.reshape(1, H)
    b2r = b2.reshape(1, H)
    b3r = b3.reshape(1, H)
    blr = b_lin.reshape(1, DOUT)

    xw1, xr1 = _tc_first(x, W1_rel, W1_root, b1r)
    p1 = _sc_seg(xw1, src2d, dst2d)
    xw2, xr2 = _tc_mid(p1, xr1, W2_rel, W2_root, b2r)
    p2 = _sc_seg(xw2, src2d, dst2d)
    xw3, xr3 = _tc_mid(p2, xr2, W3_rel, W3_root, b3r)
    p3 = _sc_seg(xw3, src2d, dst2d)
    return _tc_final(p3, xr3, batch2d, W_lin, b_lin)

# --- scband reference (transcript-rebuilt; emitter-appended) ---
"""Pipeline reference for scband-net2-20993800143103 (READ-ONLY COPY).

The authoritative reference and input builder live on the scoring server;
editing this copy changes nothing except your own understanding.
"""

import jax, jax.numpy as jnp
import numpy as np

N_NODES = 10000
N_EDGES = 320000
D_IN = 128
HIDDEN = 64
D_OUT = 128
N_GRAPHS = 64


def setup_inputs(seed: int = 0) -> dict:
    key = jax.random.key(seed)
    ks = jax.random.split(key, 16)
    x = jax.random.normal(ks[0], (N_NODES, D_IN), dtype=jnp.float32)
    edge_index = jax.random.randint(ks[1], (2, N_EDGES), 0, N_NODES, dtype=jnp.int32)
    edge_attr = jax.random.normal(ks[2], (N_EDGES, 4), dtype=jnp.float32)
    batch = jnp.sort(jax.random.randint(ks[3], (N_NODES,), 0, N_GRAPHS, dtype=jnp.int32))
    s = 0.05
    params = {
        'W1_rel': jax.random.normal(ks[4], (HIDDEN, D_IN), dtype=jnp.float32) * s,
        'b1': jnp.zeros((HIDDEN,), dtype=jnp.float32),
        'W1_root': jax.random.normal(ks[5], (HIDDEN, D_IN), dtype=jnp.float32) * s,
        'W2_rel': jax.random.normal(ks[6], (HIDDEN, HIDDEN), dtype=jnp.float32) * s,
        'b2': jnp.zeros((HIDDEN,), dtype=jnp.float32),
        'W2_root': jax.random.normal(ks[7], (HIDDEN, HIDDEN), dtype=jnp.float32) * s,
        'W3_rel': jax.random.normal(ks[8], (HIDDEN, HIDDEN), dtype=jnp.float32) * s,
        'b3': jnp.zeros((HIDDEN,), dtype=jnp.float32),
        'W3_root': jax.random.normal(ks[9], (HIDDEN, HIDDEN), dtype=jnp.float32) * s,
        'W_lin': jax.random.normal(ks[10], (D_OUT, HIDDEN), dtype=jnp.float32) * s,
        'b_lin': jnp.zeros((D_OUT,), dtype=jnp.float32),
    }
    inp = {'x': x, 'edge_index': edge_index, 'edge_attr': edge_attr, 'batch': batch}
    inp.update(params)
    return inp


def _graph_conv(x, edge_index, W_rel, b_rel, W_root):
    # PyG GraphConv (aggr='add'): out_i = W_rel @ (sum_{j in N(i)} x_j) + b_rel + W_root @ x_i
    src = edge_index[0]
    dst = edge_index[1]
    msgs = jnp.take(x, src, axis=0)
    agg = jax.ops.segment_sum(msgs, dst, num_segments=x.shape[0])
    return agg @ W_rel.T + b_rel + x @ W_root.T


def _global_mean_pool(x, batch, num_graphs):
    sums = jax.ops.segment_sum(x, batch, num_segments=num_graphs)
    counts = jax.ops.segment_sum(jnp.ones((x.shape[0],), dtype=x.dtype), batch, num_segments=num_graphs)
    counts = jnp.clip(counts, 1.0, None)
    return sums / counts[:, None]


def reference(x, edge_index, edge_attr, batch, W1_rel, b1, W1_root, W2_rel, b2, W2_root, W3_rel, b3, W3_root, W_lin, b_lin):
    # edge_attr is unpacked from data in the torch module but never used by GraphConv here
    h = _graph_conv(x, edge_index, W1_rel, b1, W1_root)
    h = jax.nn.relu(h)
    h = _graph_conv(h, edge_index, W2_rel, b2, W2_root)
    h = jax.nn.relu(h)
    h = _graph_conv(h, edge_index, W3_rel, b3, W3_root)
    pooled = _global_mean_pool(h, batch, N_GRAPHS)
    # dropout p=0.5 is identity in eval mode (training=False)
    out = pooled @ W_lin.T + b_lin
    return out

if __name__ == "__main__":
    import jax
    _d = setup_inputs()
    print(jax.jit(kernel)(*tuple(_d.values())))

</pallas_src>

<mosaic_0001>
#map = affine_map<(d0, d1) -> (0, 0)>
#map1 = affine_map<(d0, d1) -> (0, 0, 0)>
module attributes {stable_mosaic.version = 14 : i64} {
  func.func @_sc_seg_body(%arg0: i32, %arg1: i32, %arg2: memref<10240x64xbf16, #tpu.memory_space<hbm>>, %arg3: memref<2560x128xi32, #tpu.memory_space<hbm>>, %arg4: memref<2560x128xi32, #tpu.memory_space<hbm>>, %arg5: memref<2x10240x64xbf16, #tpu.memory_space<hbm>>, %arg6: memref<80x128xi32, #tpu.memory_space<vmem>>, %arg7: memref<80x128xi32, #tpu.memory_space<vmem>>, %arg8: memref<2x128x64xbf16, #tpu.memory_space<vmem>>, %arg9: memref<32x64xbf16, #tpu.memory_space<vmem>>, %arg10: memref<10240x64xbf16, #tpu.memory_space<vmem_shared>>, %arg11: memref<10240x64xbf16, #tpu.memory_space<vmem_shared>>, %arg12: memref<2x!tpu.dma_semaphore, #tpu.memory_space<semaphore_mem>>, %arg13: memref<2x!tpu.dma_semaphore, #tpu.memory_space<semaphore_mem>>) attributes {dimension_semantics = [#tpu.dimension_semantics<core_parallel>, #tpu.dimension_semantics<subcore_parallel>], iteration_bounds = array<i64: 2, 16>, scalar_prefetch = 0 : i64, scratch_operands = 8 : i64, tpu.core_type = #tpu.core_type<sc_vector_subcore>, window_params = [{transform_indices = #map}, {transform_indices = #map}, {transform_indices = #map}, {transform_indices = #map1}]} {
    %mul3A = arith.constant 2 : i32
    %mul3A_0 = arith.muli %arg1, %mul3A : i32
    %add3A = arith.addi %mul3A_0, %arg0 : i32
    %mul3A_1 = arith.constant 640 : i32
    %mul3A_2 = arith.muli %arg1, %mul3A_1 : i32
    %mul3A_3 = arith.constant 640 : i32
    %mul3A_4 = arith.muli %arg1, %mul3A_3 : i32
    %dma_start3A = arith.constant 0 : i32
    %dma_start3A_5 = tpu.memref_slice %arg12[%dma_start3A] : memref<2x!tpu.dma_semaphore, #tpu.memory_space<semaphore_mem>> -> memref<1x!tpu.dma_semaphore, #tpu.memory_space<semaphore_mem>>
    %dma_start3A_6 = tpu.memref_squeeze %dma_start3A_5 : memref<1x!tpu.dma_semaphore, #tpu.memory_space<semaphore_mem>> -> memref<!tpu.dma_semaphore, #tpu.memory_space<semaphore_mem>>
    %dma_start3A_7 = arith.constant 0 : i32
    %dma_start3A_8 = tpu.memref_slice %arg10[%mul3A_4, %dma_start3A_7] : memref<10240x64xbf16, #tpu.memory_space<vmem_shared>> -> memref<640x64xbf16, #tpu.memory_space<vmem_shared>>
    %dma_start3A_9 = arith.constant 0 : i32
    %dma_start3A_10 = tpu.memref_slice %arg2[%mul3A_2, %dma_start3A_9] : memref<10240x64xbf16, #tpu.memory_space<hbm>> -> memref<640x64xbf16, #tpu.memory_space<hbm>>
    tpu.enqueue_dma source(%dma_start3A_10 : memref<640x64xbf16, #tpu.memory_space<hbm>>) target(%dma_start3A_8 : memref<640x64xbf16, #tpu.memory_space<vmem_shared>>) target_semaphore(%dma_start3A_6 : memref<!tpu.dma_semaphore, #tpu.memory_space<semaphore_mem>>)
    %broadcast_in_dim3A = arith.constant 0.000000e+00 : bf16
    %broadcast_in_dim3A_11 = vector.broadcast %broadcast_in_dim3A : bf16 to vector<32xbf16>
    %scan3A = arith.constant 0 : i32
    %scan3A_12 = arith.constant 0 : i32
    %scan3A_13 = arith.constant 32 : i32
    %scan3A_14 = arith.addi %scan3A_12, %scan3A_13 : i32
    %scan3A_15 = arith.constant 1 : i32
    scf.for %scan3A_95 = %scan3A_12 to %scan3A_14 step %scan3A_15  : i32 {
      %swap3A = arith.index_cast %scan3A_95 : i32 to index
      %swap3A_96 = arith.constant 0 : index
      %swap3A_97 = tpu.vector_load %arg9[%swap3A, %swap3A_96] {strides = array<i32>} : memref<32x64xbf16, #tpu.memory_space<vmem>>, vector<1x32xbf16>,
      %swap3A_98 = vector.shape_cast %swap3A_97 : vector<1x32xbf16> to vector<32xbf16>
      %swap3A_99 = vector.shape_cast %broadcast_in_dim3A_11 : vector<32xbf16> to vector<1x32xbf16>
      tpu.vector_store %arg9[%swap3A, %swap3A_96], %swap3A_99 {strides = array<i32>} : memref<32x64xbf16, #tpu.memory_space<vmem>>, vector<1x32xbf16>,
      %swap3A_100 = arith.index_cast %scan3A_95 : i32 to index
      %swap3A_101 = arith.constant 32 : index
      %swap3A_102 = tpu.vector_load %arg9[%swap3A_100, %swap3A_101] {strides = array<i32>} : memref<32x64xbf16, #tpu.memory_space<vmem>>, vector<1x32xbf16>,
      %swap3A_103 = vector.shape_cast %swap3A_102 : vector<1x32xbf16> to vector<32xbf16>
      %swap3A_104 = vector.shape_cast %broadcast_in_dim3A_11 : vector<32xbf16> to vector<1x32xbf16>
      tpu.vector_store %arg9[%swap3A_100, %swap3A_101], %swap3A_104 {strides = array<i32>} : memref<32x64xbf16, #tpu.memory_space<vmem>>, vector<1x32xbf16>,
    }
    %scan3A_16 = arith.constant 32 : i32
    %scan3A_17 = arith.constant 0 : i32
    %scan3A_18 = arith.constant 0 : i32
    %scan3A_19 = arith.constant 20 : i32
    %scan3A_20 = arith.addi %scan3A_18, %scan3A_19 : i32
    %scan3A_21 = arith.constant 1 : i32
    scf.for %scan3A_95 = %scan3A_18 to %scan3A_20 step %scan3A_21  : i32 {
      %mul3A_96 = arith.constant 640 : i32
      %mul3A_97 = arith.muli %arg1, %mul3A_96 : i32
      %mul3A_98 = arith.constant 32 : i32
      %mul3A_99 = arith.muli %scan3A_95, %mul3A_98 : i32
      %add3A_100 = arith.addi %mul3A_97, %mul3A_99 : i32
      %dma_start3A_101 = arith.constant 0 : i32
      %dma_start3A_102 = arith.constant 0 : i32
      %dma_start3A_103 = tpu.memref_slice %arg11[%add3A_100, %dma_start3A_102] : memref<10240x64xbf16, #tpu.memory_space<vmem_shared>> -> memref<32x64xbf16, #tpu.memory_space<vmem_shared>>
      %dma_start3A_104 = tpu.memref_slice %arg13[%dma_start3A_101] : memref<2x!tpu.dma_semaphore, #tpu.memory_space<semaphore_mem>> -> memref<1x!tpu.dma_semaphore, #tpu.memory_space<semaphore_mem>>
      %dma_start3A_105 = tpu.memref_squeeze %dma_start3A_104 : memref<1x!tpu.dma_semaphore, #tpu.memory_space<semaphore_mem>> -> memref<!tpu.dma_semaphore, #tpu.memory_space<semaphore_mem>>
      %dma_start3A_106 = arith.constant 0 : i32
      %dma_start3A_107 = tpu.memref_slice %arg11[%add3A_100, %dma_start3A_106] : memref<10240x64xbf16, #tpu.memory_space<vmem_shared>> -> memref<32x64xbf16, #tpu.memory_space<vmem_shared>>
      tpu.enqueue_dma source(%arg9 : memref<32x64xbf16, #tpu.memory_space<vmem>>) target(%dma_start3A_107 : memref<32x64xbf16, #tpu.memory_space<vmem_shared>>) target_semaphore(%dma_start3A_105 : memref<!tpu.dma_semaphore, #tpu.memory_space<semaphore_mem>>)
    }
    %scan3A_22 = arith.constant 20 : i32
    %mul3A_23 = arith.constant 80 : i32
    %mul3A_24 = arith.muli %add3A, %mul3A_23 : i32
    %dma_start3A_25 = arith.constant 1 : i32
    %dma_start3A_26 = arith.constant 0 : i32
    %dma_start3A_27 = tpu.memref_slice %arg3[%mul3A_24, %dma_start3A_26] : memref<2560x128xi32, #tpu.memory_space<hbm>> -> memref<80x128xi32, #tpu.memory_space<hbm>>
    %dma_start3A_28 = tpu.memref_slice %arg12[%dma_start3A_25] : memref<2x!tpu.dma_semaphore, #tpu.memory_space<semaphore_mem>> -> memref<1x!tpu.dma_semaphore, #tpu.memory_space<semaphore_mem>>
    %dma_start3A_29 = tpu.memref_squeeze %dma_start3A_28 : memref<1x!tpu.dma_semaphore, #tpu.memory_space<semaphore_mem>> -> memref<!tpu.dma_semaphore, #tpu.memory_space<semaphore_mem>>
    %dma_start3A_30 = arith.constant 0 : i32
    %dma_start3A_31 = tpu.memref_slice %arg3[%mul3A_24, %dma_start3A_30] : memref<2560x128xi32, #tpu.memory_space<hbm>> -> memref<80x128xi32, #tpu.memory_space<hbm>>
    tpu.enqueue_dma source(%dma_start3A_31 : memref<80x128xi32, #tpu.memory_space<hbm>>) target(%arg6 : memref<80x128xi32, #tpu.memory_space<vmem>>) target_semaphore(%dma_start3A_29 : memref<!tpu.dma_semaphore, #tpu.memory_space<semaphore_mem>>)
    "tpu.region"() ({
      %run_scoped3A = tpu.sem_alloc : memref<!tpu.dma_semaphore, #tpu.memory_space<semaphore_mem>>
      %dma_start3A_95 = arith.constant 0 : i32
      %dma_start3A_96 = tpu.memref_slice %arg4[%mul3A_24, %dma_start3A_95] : memref<2560x128xi32, #tpu.memory_space<hbm>> -> memref<80x128xi32, #tpu.memory_space<hbm>>
      %dma_start3A_97 = arith.constant 0 : i32
      %dma_start3A_98 = tpu.memref_slice %arg4[%mul3A_24, %dma_start3A_97] : memref<2560x128xi32, #tpu.memory_space<hbm>> -> memref<80x128xi32, #tpu.memory_space<hbm>>
      tpu.enqueue_dma source(%dma_start3A_98 : memref<80x128xi32, #tpu.memory_space<hbm>>) target(%arg7 : memref<80x128xi32, #tpu.memory_space<vmem>>) target_semaphore(%run_scoped3A : memref<!tpu.dma_semaphore, #tpu.memory_space<semaphore_mem>>)
      %dma_wait3A_99 = arith.constant 0 : i32
      %dma_wait3A_100 = tpu.memref_slice %arg4[%mul3A_24, %dma_wait3A_99] : memref<2560x128xi32, #tpu.memory_space<hbm>> -> memref<80x128xi32, #tpu.memory_space<hbm>>
      %dma_wait3A_101 = arith.constant 0 : i32
      %dma_wait3A_102 = tpu.memref_slice %arg4[%mul3A_24, %dma_wait3A_101] : memref<2560x128xi32, #tpu.memory_space<hbm>> -> memref<80x128xi32, #tpu.memory_space<hbm>>
      tpu.wait_dma2 semaphore(%run_scoped3A : memref<!tpu.dma_semaphore, #tpu.memory_space<semaphore_mem>>) src(%dma_wait3A_102 : memref<80x128xi32, #tpu.memory_space<hbm>>) dst(%arg7 : memref<80x128xi32, #tpu.memory_space<vmem>>)
      tpu.yield
    }) : () -> ()
    %dma_wait3A = arith.constant 1 : i32
    %dma_wait3A_32 = arith.constant 0 : i32
    %dma_wait3A_33 = tpu.memref_slice %arg3[%mul3A_24, %dma_wait3A_32] : memref<2560x128xi32, #tpu.memory_space<hbm>> -> memref<80x128xi32, #tpu.memory_space<hbm>>
    %dma_wait3A_34 = tpu.memref_slice %arg12[%dma_wait3A] : memref<2x!tpu.dma_semaphore, #tpu.memory_space<semaphore_mem>> -> memref<1x!tpu.dma_semaphore, #tpu.memory_space<semaphore_mem>>
    %dma_wait3A_35 = tpu.memref_squeeze %dma_wait3A_34 : memref<1x!tpu.dma_semaphore, #tpu.memory_space<semaphore_mem>> -> memref<!tpu.dma_semaphore, #tpu.memory_space<semaphore_mem>>
    %dma_wait3A_36 = arith.constant 0 : i32
    %dma_wait3A_37 = tpu.memref_slice %arg3[%mul3A_24, %dma_wait3A_36] : memref<2560x128xi32, #tpu.memory_space<hbm>> -> memref<80x128xi32, #tpu.memory_space<hbm>>
    tpu.wait_dma2 semaphore(%dma_wait3A_35 : memref<!tpu.dma_semaphore, #tpu.memory_space<semaphore_mem>>) src(%dma_wait3A_37 : memref<80x128xi32, #tpu.memory_space<hbm>>) dst(%arg6 : memref<80x128xi32, #tpu.memory_space<vmem>>)
    %mul3A_38 = arith.constant 640 : i32
    %mul3A_39 = arith.muli %arg1, %mul3A_38 : i32
    %mul3A_40 = arith.constant 640 : i32
    %mul3A_41 = arith.muli %arg1, %mul3A_40 : i32
    %dma_wait3A_42 = arith.constant 0 : i32
    %dma_wait3A_43 = tpu.memref_slice %arg12[%dma_wait3A_42] : memref<2x!tpu.dma_semaphore, #tpu.memory_space<semaphore_mem>> -> memref<1x!tpu.dma_semaphore, #tpu.memory_space<semaphore_mem>>
    %dma_wait3A_44 = tpu.memref_squeeze %dma_wait3A_43 : memref<1x!tpu.dma_semaphore, #tpu.memory_space<semaphore_mem>> -> memref<!tpu.dma_semaphore, #tpu.memory_space<semaphore_mem>>
    %dma_wait3A_45 = arith.constant 0 : i32
    %dma_wait3A_46 = tpu.memref_slice %arg10[%mul3A_41, %dma_wait3A_45] : memref<10240x64xbf16, #tpu.memory_space<vmem_shared>> -> memref<640x64xbf16, #tpu.memory_space<vmem_shared>>
    %dma_wait3A_47 = arith.constant 0 : i32
    %dma_wait3A_48 = tpu.memref_slice %arg2[%mul3A_39, %dma_wait3A_47] : memref<10240x64xbf16, #tpu.memory_space<hbm>> -> memref<640x64xbf16, #tpu.memory_space<hbm>>
    tpu.wait_dma2 semaphore(%dma_wait3A_44 : memref<!tpu.dma_semaphore, #tpu.memory_space<semaphore_mem>>) src(%dma_wait3A_48 : memref<640x64xbf16, #tpu.memory_space<hbm>>) dst(%dma_wait3A_46 : memref<640x64xbf16, #tpu.memory_space<vmem_shared>>)
    %scan3A_49 = arith.constant 0 : i32
    %scan3A_50 = arith.constant 0 : i32
    %scan3A_51 = arith.constant 20 : i32
    %scan3A_52 = arith.addi %scan3A_50, %scan3A_51 : i32
    %scan3A_53 = arith.constant 1 : i32
    scf.for %scan3A_95 = %scan3A_50 to %scan3A_52 step %scan3A_53  : i32 {
      %mul3A_96 = arith.constant 640 : i32
      %mul3A_97 = arith.muli %arg1, %mul3A_96 : i32
      %mul3A_98 = arith.constant 32 : i32
      %mul3A_99 = arith.muli %scan3A_95, %mul3A_98 : i32
      %add3A_100 = arith.addi %mul3A_97, %mul3A_99 : i32
      %dma_wait3A_101 = arith.constant 0 : i32
      %dma_wait3A_102 = arith.constant 0 : i32
      %dma_wait3A_103 = tpu.memref_slice %arg11[%add3A_100, %dma_wait3A_102] : memref<10240x64xbf16, #tpu.memory_space<vmem_shared>> -> memref<32x64xbf16, #tpu.memory_space<vmem_shared>>
      %dma_wait3A_104 = tpu.memref_slice %arg13[%dma_wait3A_101] : memref<2x!tpu.dma_semaphore, #tpu.memory_space<semaphore_mem>> -> memref<1x!tpu.dma_semaphore, #tpu.memory_space<semaphore_mem>>
      %dma_wait3A_105 = tpu.memref_squeeze %dma_wait3A_104 : memref<1x!tpu.dma_semaphore, #tpu.memory_space<semaphore_mem>> -> memref<!tpu.dma_semaphore, #tpu.memory_space<semaphore_mem>>
      %dma_wait3A_106 = arith.constant 0 : i32
      %dma_wait3A_107 = tpu.memref_slice %arg11[%add3A_100, %dma_wait3A_106] : memref<10240x64xbf16, #tpu.memory_space<vmem_shared>> -> memref<32x64xbf16, #tpu.memory_space<vmem_shared>>
      tpu.wait_dma2 semaphore(%dma_wait3A_105 : memref<!tpu.dma_semaphore, #tpu.memory_space<semaphore_mem>>) src(%arg9 : memref<32x64xbf16, #tpu.memory_space<vmem>>) dst(%dma_wait3A_107 : memref<32x64xbf16, #tpu.memory_space<vmem_shared>>)
    }
    %scan3A_54 = arith.constant 20 : i32
    %barrier3A = arith.constant 0 : index
    tpu.barrier barrier_id(%barrier3A)
    %dma_start3A_55 = arith.constant 0 : i32
    %dma_start3A_56 = arith.constant 0 : i32
    %dma_start3A_57 = arith.constant 0 : i32
    %dma_start3A_58 = arith.constant 0 : i32
    %dma_start3A_59 = arith.constant 0 : i32
    %dma_start3A_60 = tpu.memref_slice %arg8[%dma_start3A_56, %dma_start3A_58, %dma_start3A_59] : memref<2x128x64xbf16, #tpu.memory_space<vmem>> -> memref<1x128x64xbf16, #tpu.memory_space<vmem>>
    %dma_start3A_61 = tpu.memref_squeeze %dma_start3A_60 : memref<1x128x64xbf16, #tpu.memory_space<vmem>> -> memref<128x64xbf16, #tpu.memory_space<vmem>>
    %dma_start3A_62 = arith.constant 0 : i32
    %dma_start3A_63 = tpu.memref_slice %arg6[%dma_start3A_55, %dma_start3A_62] : memref<80x128xi32, #tpu.memory_space<vmem>> -> memref<1x128xi32, #tpu.memory_space<vmem>>
    %dma_start3A_64 = tpu.memref_squeeze %dma_start3A_63 : memref<1x128xi32, #tpu.memory_space<vmem>> -> memref<128xi32, #tpu.memory_space<vmem>>
    %dma_start3A_65 = arith.constant 0 : i32
    %dma_start3A_66 = arith.constant 0 : i32
    %dma_start3A_67 = tpu.memref_slice %arg10[%dma_start3A_65, %dma_start3A_66] : memref<10240x64xbf16, #tpu.memory_space<vmem_shared>> -> memref<10240x64xbf16, #tpu.memory_space<vmem_shared>>
    %dma_start3A_68 = tpu.memref_slice %arg12[%dma_start3A_57] : memref<2x!tpu.dma_semaphore, #tpu.memory_space<semaphore_mem>> -> memref<1x!tpu.dma_semaphore, #tpu.memory_space<semaphore_mem>>
    %dma_start3A_69 = tpu.memref_squeeze %dma_start3A_68 : memref<1x!tpu.dma_semaphore, #tpu.memory_space<semaphore_mem>> -> memref<!tpu.dma_semaphore, #tpu.memory_space<semaphore_mem>>
    tpu.enqueue_indirect_dma source(%dma_start3A_67 : memref<10240x64xbf16, #tpu.memory_space<vmem_shared>>) target(%dma_start3A_61 : memref<128x64xbf16, #tpu.memory_space<vmem>>) offsets(%dma_start3A_64 : memref<128xi32, #tpu.memory_space<vmem>>) semaphore(%dma_start3A_69 : memref<!tpu.dma_semaphore, #tpu.memory_space<semaphore_mem>>)
    %dma_start3A_70 = arith.constant 1 : i32
    %dma_start3A_71 = arith.constant 1 : i32
    %dma_start3A_72 = arith.constant 1 : i32
    %dma_start3A_73 = arith.constant 0 : i32
    %dma_start3A_74 = arith.constant 0 : i32
    %dma_start3A_75 = tpu.memref_slice %arg8[%dma_start3A_71, %dma_start3A_73, %dma_start3A_74] : memref<2x128x64xbf16, #tpu.memory_space<vmem>> -> memref<1x128x64xbf16, #tpu.memory_space<vmem>>
    %dma_start3A_76 = tpu.memref_squeeze %dma_start3A_75 : memref<1x128x64xbf16, #tpu.memory_space<vmem>> -> memref<128x64xbf16, #tpu.memory_space<vmem>>
    %dma_start3A_77 = arith.constant 0 : i32
    %dma_start3A_78 = tpu.memref_slice %arg6[%dma_start3A_70, %dma_start3A_77] : memref<80x128xi32, #tpu.memory_space<vmem>> -> memref<1x128xi32, #tpu.memory_space<vmem>>
    %dma_start3A_79 = tpu.memref_squeeze %dma_start3A_78 : memref<1x128xi32, #tpu.memory_space<vmem>> -> memref<128xi32, #tpu.memory_space<vmem>>
    %dma_start3A_80 = arith.constant 0 : i32
    %dma_start3A_81 = arith.constant 0 : i32
    %dma_start3A_82 = tpu.memref_slice %arg10[%dma_start3A_80, %dma_start3A_81] : memref<10240x64xbf16, #tpu.memory_space<vmem_shared>> -> memref<10240x64xbf16, #tpu.memory_space<vmem_shared>>
    %dma_start3A_83 = tpu.memref_slice %arg12[%dma_start3A_72] : memref<2x!tpu.dma_semaphore, #tpu.memory_space<semaphore_mem>> -> memref<1x!tpu.dma_semaphore, #tpu.memory_space<semaphore_mem>>
    %dma_start3A_84 = tpu.memref_squeeze %dma_start3A_83 : memref<1x!tpu.dma_semaphore, #tpu.memory_space<semaphore_mem>> -> memref<!tpu.dma_semaphore, #tpu.memory_space<semaphore_mem>>
    tpu.enqueue_indirect_dma source(%dma_start3A_82 : memref<10240x64xbf16, #tpu.memory_space<vmem_shared>>) target(%dma_start3A_76 : memref<128x64xbf16, #tpu.memory_space<vmem>>) offsets(%dma_start3A_79 : memref<128xi32, #tpu.memory_space<vmem>>) semaphore(%dma_start3A_84 : memref<!tpu.dma_semaphore, #tpu.memory_space<semaphore_mem>>)
    %scan3A_85 = arith.constant 0 : i32
    %scan3A_86 = arith.constant 40 : i32
    %scan3A_87 = arith.addi %scan3A_85, %scan3A_86 : i32
    %scan3A_88 = arith.constant 1 : i32
    scf.for %scan3A_95 = %scan3A_85 to %scan3A_87 step %scan3A_88  : i32 {
      %mul3A_96 = arith.constant 2 : i32
      %mul3A_97 = arith.muli %scan3A_95, %mul3A_96 : i32
      %add3A_98 = arith.constant 0 : i32
      %add3A_99 = arith.addi %add3A_98, %mul3A_97 : i32
      %add3A_100 = arith.constant 0 : i32
      %add3A_101 = arith.addi %add3A_99, %add3A_100 : i32
      %dma_wait3A_102 = arith.constant 0 : i32
      %dma_wait3A_103 = arith.constant 0 : i32
      %dma_wait3A_104 = arith.constant 0 : i32
      %dma_wait3A_105 = arith.constant 0 : i32
      %dma_wait3A_106 = tpu.memref_slice %arg8[%dma_wait3A_102, %dma_wait3A_104, %dma_wait3A_105] : memref<2x128x64xbf16, #tpu.memory_space<vmem>> -> memref<1x128x64xbf16, #tpu.memory_space<vmem>>
      %dma_wait3A_107 = tpu.memref_squeeze %dma_wait3A_106 : memref<1x128x64xbf16, #tpu.memory_space<vmem>> -> memref<128x64xbf16, #tpu.memory_space<vmem>>
      %dma_wait3A_108 = arith.constant 0 : i32
      %dma_wait3A_109 = tpu.memref_slice %arg6[%add3A_101, %dma_wait3A_108] : memref<80x128xi32, #tpu.memory_space<vmem>> -> memref<1x128xi32, #tpu.memory_space<vmem>>
      %dma_wait3A_110 = tpu.memref_squeeze %dma_wait3A_109 : memref<1x128xi32, #tpu.memory_space<vmem>> -> memref<128xi32, #tpu.memory_space<vmem>>
      %dma_wait3A_111 = arith.constant 0 : i32
      %dma_wait3A_112 = arith.constant 0 : i32
      %dma_wait3A_113 = tpu.memref_slice %arg10[%dma_wait3A_111, %dma_wait3A_112] : memref<10240x64xbf16, #tpu.memory_space<vmem_shared>> -> memref<10240x64xbf16, #tpu.memory_space<vmem_shared>>
      %dma_wait3A_114 = tpu.memref_slice %arg12[%dma_wait3A_103] : memref<2x!tpu.dma_semaphore, #tpu.memory_space<semaphore_mem>> -> memref<1x!tpu.dma_semaphore, #tpu.memory_space<semaphore_mem>>
      %dma_wait3A_115 = tpu.memref_squeeze %dma_wait3A_114 : memref<1x!tpu.dma_semaphore, #tpu.memory_space<semaphore_mem>> -> memref<!tpu.dma_semaphore, #tpu.memory_space<semaphore_mem>>
      tpu.wait_indirect_dma semaphore(%dma_wait3A_115 : memref<!tpu.dma_semaphore, #tpu.memory_space<semaphore_mem>>) src(%dma_wait3A_113 : memref<10240x64xbf16, #tpu.memory_space<vmem_shared>>) dst(%dma_wait3A_107 : memref<128x64xbf16, #tpu.memory_space<vmem>>)
      %dma_start3A_116 = arith.constant 0 : i32
      %dma_start3A_117 = arith.constant 0 : i32
      %dma_start3A_118 = arith.constant 0 : i32
      %dma_start3A_119 = arith.constant 0 : i32
      %dma_start3A_120 = tpu.memref_slice %arg8[%dma_start3A_116, %dma_start3A_118, %dma_start3A_119] : memref<2x128x64xbf16, #tpu.memory_space<vmem>> -> memref<1x128x64xbf16, #tpu.memory_space<vmem>>
      %dma_start3A_121 = tpu.memref_squeeze %dma_start3A_120 : memref<1x128x64xbf16, #tpu.memory_space<vmem>> -> memref<128x64xbf16, #tpu.memory_space<vmem>>
      %dma_start3A_122 = arith.constant 0 : i32
      %dma_start3A_123 = tpu.memref_slice %arg7[%add3A_101, %dma_start3A_122] : memref<80x128xi32, #tpu.memory_space<vmem>> -> memref<1x128xi32, #tpu.memory_space<vmem>>
      %dma_start3A_124 = tpu.memref_squeeze %dma_start3A_123 : memref<1x128xi32, #tpu.memory_space<vmem>> -> memref<128xi32, #tpu.memory_space<vmem>>
      %dma_start3A_125 = arith.constant 0 : i32
      %dma_start3A_126 = arith.constant 0 : i32
      %dma_start3A_127 = tpu.memref_slice %arg11[%dma_start3A_125, %dma_start3A_126] : memref<10240x64xbf16, #tpu.memory_space<vmem_shared>> -> memref<10240x64xbf16, #tpu.memory_space<vmem_shared>>
      %dma_start3A_128 = tpu.memref_slice %arg13[%dma_start3A_117] : memref<2x!tpu.dma_semaphore, #tpu.memory_space<semaphore_mem>> -> memref<1x!tpu.dma_semaphore, #tpu.memory_space<semaphore_mem>>
      %dma_start3A_129 = tpu.memref_squeeze %dma_start3A_128 : memref<1x!tpu.dma_semaphore, #tpu.memory_space<semaphore_mem>> -> memref<!tpu.dma_semaphore, #tpu.memory_space<semaphore_mem>>
      tpu.enqueue_indirect_dma source(%dma_start3A_121 : memref<128x64xbf16, #tpu.memory_space<vmem>>) target(%dma_start3A_127 : memref<10240x64xbf16, #tpu.memory_space<vmem_shared>>) offsets(%dma_start3A_124 : memref<128xi32, #tpu.memory_space<vmem>>) semaphore(%dma_start3A_129 : memref<!tpu.dma_semaphore, #tpu.memory_space<semaphore_mem>>) {add = true}
      %add3A_130 = arith.constant 1 : i32
      %add3A_131 = arith.addi %add3A_99, %add3A_130 : i32
      %dma_wait3A_132 = arith.constant 1 : i32
      %dma_wait3A_133 = arith.constant 1 : i32
      %dma_wait3A_134 = arith.constant 0 : i32
      %dma_wait3A_135 = arith.constant 0 : i32
      %dma_wait3A_136 = tpu.memref_slice %arg8[%dma_wait3A_132, %dma_wait3A_134, %dma_wait3A_135] : memref<2x128x64xbf16, #tpu.memory_space<vmem>> -> memref<1x128x64xbf16, #tpu.memory_space<vmem>>
      %dma_wait3A_137 = tpu.memref_squeeze %dma_wait3A_136 : memref<1x128x64xbf16, #tpu.memory_space<vmem>> -> memref<128x64xbf16, #tpu.memory_space<vmem>>
      %dma_wait3A_138 = arith.constant 0 : i32
      %dma_wait3A_139 = tpu.memref_slice %arg6[%add3A_131, %dma_wait3A_138] : memref<80x128xi32, #tpu.memory_space<vmem>> -> memref<1x128xi32, #tpu.memory_space<vmem>>
      %dma_wait3A_140 = tpu.memref_squeeze %dma_wait3A_139 : memref<1x128xi32, #tpu.memory_space<vmem>> -> memref<128xi32, #tpu.memory_space<vmem>>
      %dma_wait3A_141 = arith.constant 0 : i32
      %dma_wait3A_142 = arith.constant 0 : i32
      %dma_wait3A_143 = tpu.memref_slice %arg10[%dma_wait3A_141, %dma_wait3A_142] : memref<10240x64xbf16, #tpu.memory_space<vmem_shared>> -> memref<10240x64xbf16, #tpu.memory_space<vmem_shared>>
      %dma_wait3A_144 = tpu.memref_slice %arg12[%dma_wait3A_133] : memref<2x!tpu.dma_semaphore, #tpu.memory_space<semaphore_mem>> -> memref<1x!tpu.dma_semaphore, #tpu.memory_space<semaphore_mem>>
      %dma_wait3A_145 = tpu.memref_squeeze %dma_wait3A_144 : memref<1x!tpu.dma_semaphore, #tpu.memory_space<semaphore_mem>> -> memref<!tpu.dma_semaphore, #tpu.memory_space<semaphore_mem>>
      tpu.wait_indirect_dma semaphore(%dma_wait3A_145 : memref<!tpu.dma_semaphore, #tpu.memory_space<semaphore_mem>>) src(%dma_wait3A_143 : memref<10240x64xbf16, #tpu.memory_space<vmem_shared>>) dst(%dma_wait3A_137 : memref<128x64xbf16, #tpu.memory_space<vmem>>)
      %dma_start3A_146 = arith.constant 1 : i32
      %dma_start3A_147 = arith.constant 1 : i32
      %dma_start3A_148 = arith.constant 0 : i32
      %dma_start3A_149 = arith.constant 0 : i32
      %dma_start3A_150 = tpu.memref_slice %arg8[%dma_start3A_146, %dma_start3A_148, %dma_start3A_149] : memref<2x128x64xbf16, #tpu.memory_space<vmem>> -> memref<1x128x64xbf16, #tpu.memory_space<vmem>>
      %dma_start3A_151 = tpu.memref_squeeze %dma_start3A_150 : memref<1x128x64xbf16, #tpu.memory_space<vmem>> -> memref<128x64xbf16, #tpu.memory_space<vmem>>
      %dma_start3A_152 = arith.constant 0 : i32
      %dma_start3A_153 = tpu.memref_slice %arg7[%add3A_131, %dma_start3A_152] : memref<80x128xi32, #tpu.memory_space<vmem>> -> memref<1x128xi32, #tpu.memory_space<vmem>>
      %dma_start3A_154 = tpu.memref_squeeze %dma_start3A_153 : memref<1x128xi32, #tpu.memory_space<vmem>> -> memref<128xi32, #tpu.memory_space<vmem>>
      %dma_start3A_155 = arith.constant 0 : i32
      %dma_start3A_156 = arith.constant 0 : i32
      %dma_start3A_157 = tpu.memref_slice %arg11[%dma_start3A_155, %dma_start3A_156] : memref<10240x64xbf16, #tpu.memory_space<vmem_shared>> -> memref<10240x64xbf16, #tpu.memory_space<vmem_shared>>
      %dma_start3A_158 = tpu.memref_slice %arg13[%dma_start3A_147] : memref<2x!tpu.dma_semaphore, #tpu.memory_space<semaphore_mem>> -> memref<1x!tpu.dma_semaphore, #tpu.memory_space<semaphore_mem>>
      %dma_start3A_159 = tpu.memref_squeeze %dma_start3A_158 : memref<1x!tpu.dma_semaphore, #tpu.memory_space<semaphore_mem>> -> memref<!tpu.dma_semaphore, #tpu.memory_space<semaphore_mem>>
      tpu.enqueue_indirect_dma source(%dma_start3A_151 : memref<128x64xbf16, #tpu.memory_space<vmem>>) target(%dma_start3A_157 : memref<10240x64xbf16, #tpu.memory_space<vmem_shared>>) offsets(%dma_start3A_154 : memref<128xi32, #tpu.memory_space<vmem>>) semaphore(%dma_start3A_159 : memref<!tpu.dma_semaphore, #tpu.memory_space<semaphore_mem>>) {add = true}
      %add3A_160 = arith.constant 0 : i32
      %add3A_161 = arith.addi %add3A_99, %add3A_160 : i32
      %dma_wait3A_162 = arith.constant 0 : i32
      %dma_wait3A_163 = arith.constant 0 : i32
      %dma_wait3A_164 = arith.constant 0 : i32
      %dma_wait3A_165 = arith.constant 0 : i32
      %dma_wait3A_166 = tpu.memref_slice %arg8[%dma_wait3A_162, %dma_wait3A_164, %dma_wait3A_165] : memref<2x128x64xbf16, #tpu.memory_space<vmem>> -> memref<1x128x64xbf16, #tpu.memory_space<vmem>>
      %dma_wait3A_167 = tpu.memref_squeeze %dma_wait3A_166 : memref<1x128x64xbf16, #tpu.memory_space<vmem>> -> memref<128x64xbf16, #tpu.memory_space<vmem>>
      %dma_wait3A_168 = arith.constant 0 : i32
      %dma_wait3A_169 = tpu.memref_slice %arg7[%add3A_161, %dma_wait3A_168] : memref<80x128xi32, #tpu.memory_space<vmem>> -> memref<1x128xi32, #tpu.memory_space<vmem>>
      %dma_wait3A_170 = tpu.memref_squeeze %dma_wait3A_169 : memref<1x128xi32, #tpu.memory_space<vmem>> -> memref<128xi32, #tpu.memory_space<vmem>>
      %dma_wait3A_171 = arith.constant 0 : i32
      %dma_wait3A_172 = arith.constant 0 : i32
      %dma_wait3A_173 = tpu.memref_slice %arg11[%dma_wait3A_171, %dma_wait3A_172] : memref<10240x64xbf16, #tpu.memory_space<vmem_shared>> -> memref<10240x64xbf16, #tpu.memory_space<vmem_shared>>
      %dma_wait3A_174 = tpu.memref_slice %arg13[%dma_wait3A_163] : memref<2x!tpu.dma_semaphore, #tpu.memory_space<semaphore_mem>> -> memref<1x!tpu.dma_semaphore, #tpu.memory_space<semaphore_mem>>
      %dma_wait3A_175 = tpu.memref_squeeze %dma_wait3A_174 : memref<1x!tpu.dma_semaphore, #tpu.memory_space<semaphore_mem>> -> memref<!tpu.dma_semaphore, #tpu.memory_space<semaphore_mem>>
      tpu.wait_indirect_dma semaphore(%dma_wait3A_175 : memref<!tpu.dma_semaphore, #tpu.memory_space<semaphore_mem>>) src(%dma_wait3A_167 : memref<128x64xbf16, #tpu.memory_space<vmem>>) dst(%dma_wait3A_173 : memref<10240x64xbf16, #tpu.memory_space<vmem_shared>>)
      %add3A_176 = arith.constant 2 : i32
      %add3A_177 = arith.addi %add3A_99, %add3A_176 : i32
      %lt3A = arith.constant 80 : i32
      %lt3A_178 = arith.cmpi slt, %add3A_177, %lt3A : i32
      %convert_element_type3A = arith.extui %lt3A_178 : i1 to i32
      %cond3A = arith.constant 0 : i32
      %cond3A_179 = arith.cmpi ne, %convert_element_type3A, %cond3A : i32
      scf.if %cond3A_179 {
        %add3A_203 = arith.constant 2 : i32
        %add3A_204 = arith.addi %add3A_161, %add3A_203 : i32
        %dma_start3A_205 = arith.constant 0 : i32
        %dma_start3A_206 = arith.constant 0 : i32
        %dma_start3A_207 = arith.constant 0 : i32
        %dma_start3A_208 = arith.constant 0 : i32
        %dma_start3A_209 = tpu.memref_slice %arg8[%dma_start3A_205, %dma_start3A_207, %dma_start3A_208] : memref<2x128x64xbf16, #tpu.memory_space<vmem>> -> memref<1x128x64xbf16, #tpu.memory_space<vmem>>
        %dma_start3A_210 = tpu.memref_squeeze %dma_start3A_209 : memref<1x128x64xbf16, #tpu.memory_space<vmem>> -> memref<128x64xbf16, #tpu.memory_space<vmem>>
        %dma_start3A_211 = arith.constant 0 : i32
        %dma_start3A_212 = tpu.memref_slice %arg6[%add3A_204, %dma_start3A_211] : memref<80x128xi32, #tpu.memory_space<vmem>> -> memref<1x128xi32, #tpu.memory_space<vmem>>
        %dma_start3A_213 = tpu.memref_squeeze %dma_start3A_212 : memref<1x128xi32, #tpu.memory_space<vmem>> -> memref<128xi32, #tpu.memory_space<vmem>>
        %dma_start3A_214 = arith.constant 0 : i32
        %dma_start3A_215 = arith.constant 0 : i32
        %dma_start3A_216 = tpu.memref_slice %arg10[%dma_start3A_214, %dma_start3A_215] : memref<10240x64xbf16, #tpu.memory_space<vmem_shared>> -> memref<10240x64xbf16, #tpu.memory_space<vmem_shared>>
        %dma_start3A_217 = tpu.memref_slice %arg12[%dma_start3A_206] : memref<2x!tpu.dma_semaphore, #tpu.memory_space<semaphore_mem>> -> memref<1x!tpu.dma_semaphore, #tpu.memory_space<semaphore_mem>>
        %dma_start3A_218 = tpu.memref_squeeze %dma_start3A_217 : memref<1x!tpu.dma_semaphore, #tpu.memory_space<semaphore_mem>> -> memref<!tpu.dma_semaphore, #tpu.memory_space<semaphore_mem>>
        tpu.enqueue_indirect_dma source(%dma_start3A_216 : memref<10240x64xbf16, #tpu.memory_space<vmem_shared>>) target(%dma_start3A_210 : memref<128x64xbf16, #tpu.memory_space<vmem>>) offsets(%dma_start3A_213 : memref<128xi32, #tpu.memory_space<vmem>>) semaphore(%dma_start3A_218 : memref<!tpu.dma_semaphore, #tpu.memory_space<semaphore_mem>>)
      } else {
      }
      %add3A_180 = arith.constant 1 : i32
      %add3A_181 = arith.addi %add3A_99, %add3A_180 : i32
      %dma_wait3A_182 = arith.constant 1 : i32
      %dma_wait3A_183 = arith.constant 1 : i32
      %dma_wait3A_184 = arith.constant 0 : i32
      %dma_wait3A_185 = arith.constant 0 : i32
      %dma_wait3A_186 = tpu.memref_slice %arg8[%dma_wait3A_182, %dma_wait3A_184, %dma_wait3A_185] : memref<2x128x64xbf16, #tpu.memory_space<vmem>> -> memref<1x128x64xbf16, #tpu.memory_space<vmem>>
      %dma_wait3A_187 = tpu.memref_squeeze %dma_wait3A_186 : memref<1x128x64xbf16, #tpu.memory_space<vmem>> -> memref<128x64xbf16, #tpu.memory_space<vmem>>
      %dma_wait3A_188 = arith.constant 0 : i32
      %dma_wait3A_189 = tpu.memref_slice %arg7[%add3A_181, %dma_wait3A_188] : memref<80x128xi32, #tpu.memory_space<vmem>> -> memref<1x128xi32, #tpu.memory_space<vmem>>
      %dma_wait3A_190 = tpu.memref_squeeze %dma_wait3A_189 : memref<1x128xi32, #tpu.memory_space<vmem>> -> memref<128xi32, #tpu.memory_space<vmem>>
      %dma_wait3A_191 = arith.constant 0 : i32
      %dma_wait3A_192 = arith.constant 0 : i32
      %dma_wait3A_193 = tpu.memref_slice %arg11[%dma_wait3A_191, %dma_wait3A_192] : memref<10240x64xbf16, #tpu.memory_space<vmem_shared>> -> memref<10240x64xbf16, #tpu.memory_space<vmem_shared>>
      %dma_wait3A_194 = tpu.memref_slice %arg13[%dma_wait3A_183] : memref<2x!tpu.dma_semaphore, #tpu.memory_space<semaphore_mem>> -> memref<1x!tpu.dma_semaphore, #tpu.memory_space<semaphore_mem>>
      %dma_wait3A_195 = tpu.memref_squeeze %dma_wait3A_194 : memref<1x!tpu.dma_semaphore, #tpu.memory_space<semaphore_mem>> -> memref<!tpu.dma_semaphore, #tpu.memory_space<semaphore_mem>>
      tpu.wait_indirect_dma semaphore(%dma_wait3A_195 : memref<!tpu.dma_semaphore, #tpu.memory_space<semaphore_mem>>) src(%dma_wait3A_187 : memref<128x64xbf16, #tpu.memory_space<vmem>>) dst(%dma_wait3A_193 : memref<10240x64xbf16, #tpu.memory_space<vmem_shared>>)
      %add3A_196 = arith.constant 2 : i32
      %add3A_197 = arith.addi %add3A_99, %add3A_196 : i32
      %lt3A_198 = arith.constant 80 : i32
      %lt3A_199 = arith.cmpi slt, %add3A_197, %lt3A_198 : i32
      %convert_element_type3A_200 = arith.extui %lt3A_199 : i1 to i32
      %cond3A_201 = arith.constant 0 : i32
      %cond3A_202 = arith.cmpi ne, %convert_element_type3A_200, %cond3A_201 : i32
      scf.if %cond3A_202 {
        %add3A_203 = arith.constant 2 : i32
        %add3A_204 = arith.addi %add3A_181, %add3A_203 : i32
        %dma_start3A_205 = arith.constant 1 : i32
        %dma_start3A_206 = arith.constant 1 : i32
        %dma_start3A_207 = arith.constant 0 : i32
        %dma_start3A_208 = arith.constant 0 : i32
        %dma_start3A_209 = tpu.memref_slice %arg8[%dma_start3A_205, %dma_start3A_207, %dma_start3A_208] : memref<2x128x64xbf16, #tpu.memory_space<vmem>> -> memref<1x128x64xbf16, #tpu.memory_space<vmem>>
        %dma_start3A_210 = tpu.memref_squeeze %dma_start3A_209 : memref<1x128x64xbf16, #tpu.memory_space<vmem>> -> memref<128x64xbf16, #tpu.memory_space<vmem>>
        %dma_start3A_211 = arith.constant 0 : i32
        %dma_start3A_212 = tpu.memref_slice %arg6[%add3A_204, %dma_start3A_211] : memref<80x128xi32, #tpu.memory_space<vmem>> -> memref<1x128xi32, #tpu.memory_space<vmem>>
        %dma_start3A_213 = tpu.memref_squeeze %dma_start3A_212 : memref<1x128xi32, #tpu.memory_space<vmem>> -> memref<128xi32, #tpu.memory_space<vmem>>
        %dma_start3A_214 = arith.constant 0 : i32
        %dma_start3A_215 = arith.constant 0 : i32
        %dma_start3A_216 = tpu.memref_slice %arg10[%dma_start3A_214, %dma_start3A_215] : memref<10240x64xbf16, #tpu.memory_space<vmem_shared>> -> memref<10240x64xbf16, #tpu.memory_space<vmem_shared>>
        %dma_start3A_217 = tpu.memref_slice %arg12[%dma_start3A_206] : memref<2x!tpu.dma_semaphore, #tpu.memory_space<semaphore_mem>> -> memref<1x!tpu.dma_semaphore, #tpu.memory_space<semaphore_mem>>
        %dma_start3A_218 = tpu.memref_squeeze %dma_start3A_217 : memref<1x!tpu.dma_semaphore, #tpu.memory_space<semaphore_mem>> -> memref<!tpu.dma_semaphore, #tpu.memory_space<semaphore_mem>>
        tpu.enqueue_indirect_dma source(%dma_start3A_216 : memref<10240x64xbf16, #tpu.memory_space<vmem_shared>>) target(%dma_start3A_210 : memref<128x64xbf16, #tpu.memory_space<vmem>>) offsets(%dma_start3A_213 : memref<128xi32, #tpu.memory_space<vmem>>) semaphore(%dma_start3A_218 : memref<!tpu.dma_semaphore, #tpu.memory_space<semaphore_mem>>)
      } else {
      }
    }
    %scan3A_89 = arith.constant 40 : i32
    %barrier3A_90 = arith.constant 0 : index
    tpu.barrier barrier_id(%barrier3A_90)
    %mul3A_91 = arith.constant 640 : i32
    %mul3A_92 = arith.muli %arg1, %mul3A_91 : i32
    %mul3A_93 = arith.constant 640 : i32
    %mul3A_94 = arith.muli %arg1, %mul3A_93 : i32
    "tpu.region"() ({
      %run_scoped3A = tpu.sem_alloc : memref<!tpu.dma_semaphore, #tpu.memory_space<semaphore_mem>>
      %dma_start3A_95 = arith.constant 0 : i32
      %dma_start3A_96 = tpu.memref_slice %arg5[%arg0, %mul3A_94, %dma_start3A_95] : memref<2x10240x64xbf16, #tpu.memory_space<hbm>> -> memref<1x640x64xbf16, #tpu.memory_space<hbm>>
      %dma_start3A_97 = tpu.memref_squeeze %dma_start3A_96 : memref<1x640x64xbf16, #tpu.memory_space<hbm>> -> memref<640x64xbf16, #tpu.memory_space<hbm>>
      %dma_start3A_98 = arith.constant 0 : i32
      %dma_start3A_99 = tpu.memref_slice %arg11[%mul3A_92, %dma_start3A_98] : memref<10240x64xbf16, #tpu.memory_space<vmem_shared>> -> memref<640x64xbf16, #tpu.memory_space<vmem_shared>>
      tpu.enqueue_dma source(%dma_start3A_99 : memref<640x64xbf16, #tpu.memory_space<vmem_shared>>) target(%dma_start3A_97 : memref<640x64xbf16, #tpu.memory_space<hbm>>) target_semaphore(%run_scoped3A : memref<!tpu.dma_semaphore, #tpu.memory_space<semaphore_mem>>)
      %dma_wait3A_100 = arith.constant 0 : i32
      %dma_wait3A_101 = tpu.memref_slice %arg5[%arg0, %mul3A_94, %dma_wait3A_100] : memref<2x10240x64xbf16, #tpu.memory_space<hbm>> -> memref<1x640x64xbf16, #tpu.memory_space<hbm>>
      %dma_wait3A_102 = tpu.memref_squeeze %dma_wait3A_101 : memref<1x640x64xbf16, #tpu.memory_space<hbm>> -> memref<640x64xbf16, #tpu.memory_space<hbm>>
      %dma_wait3A_103 = arith.constant 0 : i32
      %dma_wait3A_104 = tpu.memref_slice %arg11[%mul3A_92, %dma_wait3A_103] : memref<10240x64xbf16, #tpu.memory_space<vmem_shared>> -> memref<640x64xbf16, #tpu.memory_space<vmem_shared>>
      tpu.wait_dma2 semaphore(%run_scoped3A : memref<!tpu.dma_semaphore, #tpu.memory_space<semaphore_mem>>) src(%dma_wait3A_104 : memref<640x64xbf16, #tpu.memory_space<vmem_shared>>) dst(%dma_wait3A_102 : memref<640x64xbf16, #tpu.memory_space<hbm>>)
      tpu.yield
    }) : () -> ()
    return
  }
}

#map = affine_map<(d0, d1) -> (0, 0)>
#map1 = affine_map<(d0, d1) -> (0, 0, 0)>
module attributes {stable_mosaic.version = 14 : i64} {
  func.func @_sc_seg_body(%arg0: i32, %arg1: i32, %arg2: memref<10240x64xbf16, #tpu.memory_space<hbm>>, %arg3: memref<2560x128xi32, #tpu.memory_space<hbm>>, %arg4: memref<2560x128xi32, #tpu.memory_space<hbm>>, %arg5: memref<2x10240x64xbf16, #tpu.memory_space<hbm>>, %arg6: memref<80x128xi32, #tpu.memory_space<vmem>>, %arg7: memref<80x128xi32, #tpu.memory_space<vmem>>, %arg8: memref<2x128x64xbf16, #tpu.memory_space<vmem>>, %arg9: memref<32x64xbf16, #tpu.memory_space<vmem>>, %arg10: memref<10240x64xbf16, #tpu.memory_space<vmem_shared>>, %arg11: memref<10240x64xbf16, #tpu.memory_space<vmem_shared>>, %arg12: memref<2x!tpu.dma_semaphore, #tpu.memory_space<semaphore_mem>>, %arg13: memref<2x!tpu.dma_semaphore, #tpu.memory_space<semaphore_mem>>) attributes {dimension_semantics = [#tpu.dimension_semantics<core_parallel>, #tpu.dimension_semantics<subcore_parallel>], iteration_bounds = array<i64: 2, 16>, scalar_prefetch = 0 : i64, scratch_operands = 8 : i64, tpu.core_type = #tpu.core_type<sc_vector_subcore>, window_params = [{transform_indices = #map}, {transform_indices = #map}, {transform_indices = #map}, {transform_indices = #map1}]} {
    %mul3A = arith.constant 2 : i32
    %mul3A_0 = arith.muli %arg1, %mul3A : i32
    %add3A = arith.addi %mul3A_0, %arg0 : i32
    %mul3A_1 = arith.constant 640 : i32
    %mul3A_2 = arith.muli %arg1, %mul3A_1 : i32
    %mul3A_3 = arith.constant 640 : i32
    %mul3A_4 = arith.muli %arg1, %mul3A_3 : i32
    %dma_start3A = arith.constant 0 : i32
    %dma_start3A_5 = tpu.memref_slice %arg12[%dma_start3A] : memref<2x!tpu.dma_semaphore, #tpu.memory_space<semaphore_mem>> -> memref<1x!tpu.dma_semaphore, #tpu.memory_space<semaphore_mem>>
    %dma_start3A_6 = tpu.memref_squeeze %dma_start3A_5 : memref<1x!tpu.dma_semaphore, #tpu.memory_space<semaphore_mem>> -> memref<!tpu.dma_semaphore, #tpu.memory_space<semaphore_mem>>
    %dma_start3A_7 = arith.constant 0 : i32
    %dma_start3A_8 = tpu.memref_slice %arg10[%mul3A_4, %dma_start3A_7] : memref<10240x64xbf16, #tpu.memory_space<vmem_shared>> -> memref<640x64xbf16, #tpu.memory_space<vmem_shared>>
    %dma_start3A_9 = arith.constant 0 : i32
    %dma_start3A_10 = tpu.memref_slice %arg2[%mul3A_2, %dma_start3A_9] : memref<10240x64xbf16, #tpu.memory_space<hbm>> -> memref<640x64xbf16, #tpu.memory_space<hbm>>
    tpu.enqueue_dma source(%dma_start3A_10 : memref<640x64xbf16, #tpu.memory_space<hbm>>) target(%dma_start3A_8 : memref<640x64xbf16, #tpu.memory_space<vmem_shared>>) target_semaphore(%dma_start3A_6 : memref<!tpu.dma_semaphore, #tpu.memory_space<semaphore_mem>>)
    %broadcast_in_dim3A = arith.constant 0.000000e+00 : bf16
    %broadcast_in_dim3A_11 = vector.broadcast %broadcast_in_dim3A : bf16 to vector<32xbf16>
    %scan3A = arith.constant 0 : i32
    %scan3A_12 = arith.constant 0 : i32
    %scan3A_13 = arith.constant 32 : i32
    %scan3A_14 = arith.addi %scan3A_12, %scan3A_13 : i32
    %scan3A_15 = arith.constant 1 : i32
    scf.for %scan3A_95 = %scan3A_12 to %scan3A_14 step %scan3A_15  : i32 {
      %swap3A = arith.index_cast %scan3A_95 : i32 to index
      %swap3A_96 = arith.constant 0 : index
      %swap3A_97 = tpu.vector_load %arg9[%swap3A, %swap3A_96] {strides = array<i32>} : memref<32x64xbf16, #tpu.memory_space<vmem>>, vector<1x32xbf16>,
      %swap3A_98 = vector.shape_cast %swap3A_97 : vector<1x32xbf16> to vector<32xbf16>
      %swap3A_99 = vector.shape_cast %broadcast_in_dim3A_11 : vector<32xbf16> to vector<1x32xbf16>
      tpu.vector_store %arg9[%swap3A, %swap3A_96], %swap3A_99 {strides = array<i32>} : memref<32x64xbf16, #tpu.memory_space<vmem>>, vector<1x32xbf16>,
      %swap3A_100 = arith.index_cast %scan3A_95 : i32 to index
      %swap3A_101 = arith.constant 32 : index
      %swap3A_102 = tpu.vector_load %arg9[%swap3A_100, %swap3A_101] {strides = array<i32>} : memref<32x64xbf16, #tpu.memory_space<vmem>>, vector<1x32xbf16>,
      %swap3A_103 = vector.shape_cast %swap3A_102 : vector<1x32xbf16> to vector<32xbf16>
      %swap3A_104 = vector.shape_cast %broadcast_in_dim3A_11 : vector<32xbf16> to vector<1x32xbf16>
      tpu.vector_store %arg9[%swap3A_100, %swap3A_101], %swap3A_104 {strides = array<i32>} : memref<32x64xbf16, #tpu.memory_space<vmem>>, vector<1x32xbf16>,
    }
    %scan3A_16 = arith.constant 32 : i32
    %scan3A_17 = arith.constant 0 : i32
    %scan3A_18 = arith.constant 0 : i32
    %scan3A_19 = arith.constant 20 : i32
    %scan3A_20 = arith.addi %scan3A_18, %scan3A_19 : i32
    %scan3A_21 = arith.constant 1 : i32
    scf.for %scan3A_95 = %scan3A_18 to %scan3A_20 step %scan3A_21  : i32 {
      %mul3A_96 = arith.constant 640 : i32
      %mul3A_97 = arith.muli %arg1, %mul3A_96 : i32
      %mul3A_98 = arith.constant 32 : i32
      %mul3A_99 = arith.muli %scan3A_95, %mul3A_98 : i32
      %add3A_100 = arith.addi %mul3A_97, %mul3A_99 : i32
      %dma_start3A_101 = arith.constant 0 : i32
      %dma_start3A_102 = arith.constant 0 : i32
      %dma_start3A_103 = tpu.memref_slice %arg11[%add3A_100, %dma_start3A_102] : memref<10240x64xbf16, #tpu.memory_space<vmem_shared>> -> memref<32x64xbf16, #tpu.memory_space<vmem_shared>>
      %dma_start3A_104 = tpu.memref_slice %arg13[%dma_start3A_101] : memref<2x!tpu.dma_semaphore, #tpu.memory_space<semaphore_mem>> -> memref<1x!tpu.dma_semaphore, #tpu.memory_space<semaphore_mem>>
      %dma_start3A_105 = tpu.memref_squeeze %dma_start3A_104 : memref<1x!tpu.dma_semaphore, #tpu.memory_space<semaphore_mem>> -> memref<!tpu.dma_semaphore, #tpu.memory_space<semaphore_mem>>
      %dma_start3A_106 = arith.constant 0 : i32
      %dma_start3A_107 = tpu.memref_slice %arg11[%add3A_100, %dma_start3A_106] : memref<10240x64xbf16, #tpu.memory_space<vmem_shared>> -> memref<32x64xbf16, #tpu.memory_space<vmem_shared>>
      tpu.enqueue_dma source(%arg9 : memref<32x64xbf16, #tpu.memory_space<vmem>>) target(%dma_start3A_107 : memref<32x64xbf16, #tpu.memory_space<vmem_shared>>) target_semaphore(%dma_start3A_105 : memref<!tpu.dma_semaphore, #tpu.memory_space<semaphore_mem>>)
    }
    %scan3A_22 = arith.constant 20 : i32
    %mul3A_23 = arith.constant 80 : i32
    %mul3A_24 = arith.muli %add3A, %mul3A_23 : i32
    %dma_start3A_25 = arith.constant 1 : i32
    %dma_start3A_26 = arith.constant 0 : i32
    %dma_start3A_27 = tpu.memref_slice %arg3[%mul3A_24, %dma_start3A_26] : memref<2560x128xi32, #tpu.memory_space<hbm>> -> memref<80x128xi32, #tpu.memory_space<hbm>>
    %dma_start3A_28 = tpu.memref_slice %arg12[%dma_start3A_25] : memref<2x!tpu.dma_semaphore, #tpu.memory_space<semaphore_mem>> -> memref<1x!tpu.dma_semaphore, #tpu.memory_space<semaphore_mem>>
    %dma_start3A_29 = tpu.memref_squeeze %dma_start3A_28 : memref<1x!tpu.dma_semaphore, #tpu.memory_space<semaphore_mem>> -> memref<!tpu.dma_semaphore, #tpu.memory_space<semaphore_mem>>
    %dma_start3A_30 = arith.constant 0 : i32
    %dma_start3A_31 = tpu.memref_slice %arg3[%mul3A_24, %dma_start3A_30] : memref<2560x128xi32, #tpu.memory_space<hbm>> -> memref<80x128xi32, #tpu.memory_space<hbm>>
    tpu.enqueue_dma source(%dma_start3A_31 : memref<80x128xi32, #tpu.memory_space<hbm>>) target(%arg6 : memref<80x128xi32, #tpu.memory_space<vmem>>) target_semaphore(%dma_start3A_29 : memref<!tpu.dma_semaphore, #tpu.memory_space<semaphore_mem>>)
    "tpu.region"() ({
      %run_scoped3A = tpu.sem_alloc : memref<!tpu.dma_semaphore, #tpu.memory_space<semaphore_mem>>
      %dma_start3A_95 = arith.constant 0 : i32
      %dma_start3A_96 = tpu.memref_slice %arg4[%mul3A_24, %dma_start3A_95] : memref<2560x128xi32, #tpu.memory_space<hbm>> -> memref<80x128xi32, #tpu.memory_space<hbm>>
      %dma_start3A_97 = arith.constant 0 : i32
      %dma_start3A_98 = tpu.memref_slice %arg4[%mul3A_24, %dma_start3A_97] : memref<2560x128xi32, #tpu.memory_space<hbm>> -> memref<80x128xi32, #tpu.memory_space<hbm>>
      tpu.enqueue_dma source(%dma_start3A_98 : memref<80x128xi32, #tpu.memory_space<hbm>>) target(%arg7 : memref<80x128xi32, #tpu.memory_space<vmem>>) target_semaphore(%run_scoped3A : memref<!tpu.dma_semaphore, #tpu.memory_space<semaphore_mem>>)
      %dma_wait3A_99 = arith.constant 0 : i32
      %dma_wait3A_100 = tpu.memref_slice %arg4[%mul3A_24, %dma_wait3A_99] : memref<2560x128xi32, #tpu.memory_space<hbm>> -> memref<80x128xi32, #tpu.memory_space<hbm>>
      %dma_wait3A_101 = arith.constant 0 : i32
      %dma_wait3A_102 = tpu.memref_slice %arg4[%mul3A_24, %dma_wait3A_101] : memref<2560x128xi32, #tpu.memory_space<hbm>> -> memref<80x128xi32, #tpu.memory_space<hbm>>
      tpu.wait_dma2 semaphore(%run_scoped3A : memref<!tpu.dma_semaphore, #tpu.memory_space<semaphore_mem>>) src(%dma_wait3A_102 : memref<80x128xi32, #tpu.memory_space<hbm>>) dst(%arg7 : memref<80x128xi32, #tpu.memory_space<vmem>>)
      tpu.yield
    }) : () -> ()
    %dma_wait3A = arith.constant 1 : i32
    %dma_wait3A_32 = arith.constant 0 : i32
    %dma_wait3A_33 = tpu.memref_slice %arg3[%mul3A_24, %dma_wait3A_32] : memref<2560x128xi32, #tpu.memory_space<hbm>> -> memref<80x128xi32, #tpu.memory_space<hbm>>
    %dma_wait3A_34 = tpu.memref_slice %arg12[%dma_wait3A] : memref<2x!tpu.dma_semaphore, #tpu.memory_space<semaphore_mem>> -> memref<1x!tpu.dma_semaphore, #tpu.memory_space<semaphore_mem>>
    %dma_wait3A_35 = tpu.memref_squeeze %dma_wait3A_34 : memref<1x!tpu.dma_semaphore, #tpu.memory_space<semaphore_mem>> -> memref<!tpu.dma_semaphore, #tpu.memory_space<semaphore_mem>>
    %dma_wait3A_36 = arith.constant 0 : i32
    %dma_wait3A_37 = tpu.memref_slice %arg3[%mul3A_24, %dma_wait3A_36] : memref<2560x128xi32, #tpu.memory_space<hbm>> -> memref<80x128xi32, #tpu.memory_space<hbm>>
    tpu.wait_dma2 semaphore(%dma_wait3A_35 : memref<!tpu.dma_semaphore, #tpu.memory_space<semaphore_mem>>) src(%dma_wait3A_37 : memref<80x128xi32, #tpu.memory_space<hbm>>) dst(%arg6 : memref<80x128xi32, #tpu.memory_space<vmem>>)
    %mul3A_38 = arith.constant 640 : i32
    %mul3A_39 = arith.muli %arg1, %mul3A_38 : i32
    %mul3A_40 = arith.constant 640 : i32
    %mul3A_41 = arith.muli %arg1, %mul3A_40 : i32
    %dma_wait3A_42 = arith.constant 0 : i32
    %dma_wait3A_43 = tpu.memref_slice %arg12[%dma_wait3A_42] : memref<2x!tpu.dma_semaphore, #tpu.memory_space<semaphore_mem>> -> memref<1x!tpu.dma_semaphore, #tpu.memory_space<semaphore_mem>>
    %dma_wait3A_44 = tpu.memref_squeeze %dma_wait3A_43 : memref<1x!tpu.dma_semaphore, #tpu.memory_space<semaphore_mem>> -> memref<!tpu.dma_semaphore, #tpu.memory_space<semaphore_mem>>
    %dma_wait3A_45 = arith.constant 0 : i32
    %dma_wait3A_46 = tpu.memref_slice %arg10[%mul3A_41, %dma_wait3A_45] : memref<10240x64xbf16, #tpu.memory_space<vmem_shared>> -> memref<640x64xbf16, #tpu.memory_space<vmem_shared>>
    %dma_wait3A_47 = arith.constant 0 : i32
    %dma_wait3A_48 = tpu.memref_slice %arg2[%mul3A_39, %dma_wait3A_47] : memref<10240x64xbf16, #tpu.memory_space<hbm>> -> memref<640x64xbf16, #tpu.memory_space<hbm>>
    tpu.wait_dma2 semaphore(%dma_wait3A_44 : memref<!tpu.dma_semaphore, #tpu.memory_space<semaphore_mem>>) src(%dma_wait3A_48 : memref<640x64xbf16, #tpu.memory_space<hbm>>) dst(%dma_wait3A_46 : memref<640x64xbf16, #tpu.memory_space<vmem_shared>>)
    %scan3A_49 = arith.constant 0 : i32
    %scan3A_50 = arith.constant 0 : i32
    %scan3A_51 = arith.constant 20 : i32
    %scan3A_52 = arith.addi %scan3A_50, %scan3A_51 : i32
    %scan3A_53 = arith.constant 1 : i32
    scf.for %scan3A_95 = %scan3A_50 to %scan3A_52 step %scan3A_53  : i32 {
      %mul3A_96 = arith.constant 640 : i32
      %mul3A_97 = arith.muli %arg1, %mul3A_96 : i32
      %mul3A_98 = arith.constant 32 : i32
      %mul3A_99 = arith.muli %scan3A_95, %mul3A_98 : i32
      %add3A_100 = arith.addi %mul3A_97, %mul3A_99 : i32
      %dma_wait3A_101 = arith.constant 0 : i32
      %dma_wait3A_102 = arith.constant 0 : i32
      %dma_wait3A_103 = tpu.memref_slice %arg11[%add3A_100, %dma_wait3A_102] : memref<10240x64xbf16, #tpu.memory_space<vmem_shared>> -> memref<32x64xbf16, #tpu.memory_space<vmem_shared>>
      %dma_wait3A_104 = tpu.memref_slice %arg13[%dma_wait3A_101] : memref<2x!tpu.dma_semaphore, #tpu.memory_space<semaphore_mem>> -> memref<1x!tpu.dma_semaphore, #tpu.memory_space<semaphore_mem>>
      %dma_wait3A_105 = tpu.memref_squeeze %dma_wait3A_104 : memref<1x!tpu.dma_semaphore, #tpu.memory_space<semaphore_mem>> -> memref<!tpu.dma_semaphore, #tpu.memory_space<semaphore_mem>>
      %dma_wait3A_106 = arith.constant 0 : i32
      %dma_wait3A_107 = tpu.memref_slice %arg11[%add3A_100, %dma_wait3A_106] : memref<10240x64xbf16, #tpu.memory_space<vmem_shared>> -> memref<32x64xbf16, #tpu.memory_space<vmem_shared>>
      tpu.wait_dma2 semaphore(%dma_wait3A_105 : memref<!tpu.dma_semaphore, #tpu.memory_space<semaphore_mem>>) src(%arg9 : memref<32x64xbf16, #tpu.memory_space<vmem>>) dst(%dma_wait3A_107 : memref<32x64xbf16, #tpu.memory_space<vmem_shared>>)
    }
    %scan3A_54 = arith.constant 20 : i32
    %barrier3A = arith.constant 0 : index
    tpu.barrier barrier_id(%barrier3A)
    %dma_start3A_55 = arith.constant 0 : i32
    %dma_start3A_56 = arith.constant 0 : i32
    %dma_start3A_57 = arith.constant 0 : i32
    %dma_start3A_58 = arith.constant 0 : i32
    %dma_start3A_59 = arith.constant 0 : i32
    %dma_start3A_60 = tpu.memref_slice %arg8[%dma_start3A_56, %dma_start3A_58, %dma_start3A_59] : memref<2x128x64xbf16, #tpu.memory_space<vmem>> -> memref<1x128x64xbf16, #tpu.memory_space<vmem>>
    %dma_start3A_61 = tpu.memref_squeeze %dma_start3A_60 : memref<1x128x64xbf16, #tpu.memory_space<vmem>> -> memref<128x64xbf16, #tpu.memory_space<vmem>>
    %dma_start3A_62 = arith.constant 0 : i32
    %dma_start3A_63 = tpu.memref_slice %arg6[%dma_start3A_55, %dma_start3A_62] : memref<80x128xi32, #tpu.memory_space<vmem>> -> memref<1x128xi32, #tpu.memory_space<vmem>>
    %dma_start3A_64 = tpu.memref_squeeze %dma_start3A_63 : memref<1x128xi32, #tpu.memory_space<vmem>> -> memref<128xi32, #tpu.memory_space<vmem>>
    %dma_start3A_65 = arith.constant 0 : i32
    %dma_start3A_66 = arith.constant 0 : i32
    %dma_start3A_67 = tpu.memref_slice %arg10[%dma_start3A_65, %dma_start3A_66] : memref<10240x64xbf16, #tpu.memory_space<vmem_shared>> -> memref<10240x64xbf16, #tpu.memory_space<vmem_shared>>
    %dma_start3A_68 = tpu.memref_slice %arg12[%dma_start3A_57] : memref<2x!tpu.dma_semaphore, #tpu.memory_space<semaphore_mem>> -> memref<1x!tpu.dma_semaphore, #tpu.memory_space<semaphore_mem>>
    %dma_start3A_69 = tpu.memref_squeeze %dma_start3A_68 : memref<1x!tpu.dma_semaphore, #tpu.memory_space<semaphore_mem>> -> memref<!tpu.dma_semaphore, #tpu.memory_space<semaphore_mem>>
    tpu.enqueue_indirect_dma source(%dma_start3A_67 : memref<10240x64xbf16, #tpu.memory_space<vmem_shared>>) target(%dma_start3A_61 : memref<128x64xbf16, #tpu.memory_space<vmem>>) offsets(%dma_start3A_64 : memref<128xi32, #tpu.memory_space<vmem>>) semaphore(%dma_start3A_69 : memref<!tpu.dma_semaphore, #tpu.memory_space<semaphore_mem>>)
    %dma_start3A_70 = arith.constant 1 : i32
    %dma_start3A_71 = arith.constant 1 : i32
    %dma_start3A_72 = arith.constant 1 : i32
    %dma_start3A_73 = arith.constant 0 : i32
    %dma_start3A_74 = arith.constant 0 : i32
    %dma_start3A_75 = tpu.memref_slice %arg8[%dma_start3A_71, %dma_start3A_73, %dma_start3A_74] : memref<2x128x64xbf16, #tpu.memory_space<vmem>> -> memref<1x128x64xbf16, #tpu.memory_space<vmem>>
    %dma_start3A_76 = tpu.memref_squeeze %dma_start3A_75 : memref<1x128x64xbf16, #tpu.memory_space<vmem>> -> memref<128x64xbf16, #tpu.memory_space<vmem>>
    %dma_start3A_77 = arith.constant 0 : i32
    %dma_start3A_78 = tpu.memref_slice %arg6[%dma_start3A_70, %dma_start3A_77] : memref<80x128xi32, #tpu.memory_space<vmem>> -> memref<1x128xi32, #tpu.memory_space<vmem>>
    %dma_start3A_79 = tpu.memref_squeeze %dma_start3A_78 : memref<1x128xi32, #tpu.memory_space<vmem>> -> memref<128xi32, #tpu.memory_space<vmem>>
    %dma_start3A_80 = arith.constant 0 : i32
    %dma_start3A_81 = arith.constant 0 : i32
    %dma_start3A_82 = tpu.memref_slice %arg10[%dma_start3A_80, %dma_start3A_81] : memref<10240x64xbf16, #tpu.memory_space<vmem_shared>> -> memref<10240x64xbf16, #tpu.memory_space<vmem_shared>>
    %dma_start3A_83 = tpu.memref_slice %arg12[%dma_start3A_72] : memref<2x!tpu.dma_semaphore, #tpu.memory_space<semaphore_mem>> -> memref<1x!tpu.dma_semaphore, #tpu.memory_space<semaphore_mem>>
    %dma_start3A_84 = tpu.memref_squeeze %dma_start3A_83 : memref<1x!tpu.dma_semaphore, #tpu.memory_space<semaphore_mem>> -> memref<!tpu.dma_semaphore, #tpu.memory_space<semaphore_mem>>
    tpu.enqueue_indirect_dma source(%dma_start3A_82 : memref<10240x64xbf16, #tpu.memory_space<vmem_shared>>) target(%dma_start3A_76 : memref<128x64xbf16, #tpu.memory_space<vmem>>) offsets(%dma_start3A_79 : memref<128xi32, #tpu.memory_space<vmem>>) semaphore(%dma_start3A_84 : memref<!tpu.dma_semaphore, #tpu.memory_space<semaphore_mem>>)
    %scan3A_85 = arith.constant 0 : i32
    %scan3A_86 = arith.constant 40 : i32
    %scan3A_87 = arith.addi %scan3A_85, %scan3A_86 : i32
    %scan3A_88 = arith.constant 1 : i32
    scf.for %scan3A_95 = %scan3A_85 to %scan3A_87 step %scan3A_88  : i32 {
      %mul3A_96 = arith.constant 2 : i32
      %mul3A_97 = arith.muli %scan3A_95, %mul3A_96 : i32
      %add3A_98 = arith.constant 0 : i32
      %add3A_99 = arith.addi %add3A_98, %mul3A_97 : i32
      %add3A_100 = arith.constant 0 : i32
      %add3A_101 = arith.addi %add3A_99, %add3A_100 : i32
      %dma_wait3A_102 = arith.constant 0 : i32
      %dma_wait3A_103 = arith.constant 0 : i32
      %dma_wait3A_104 = arith.constant 0 : i32
      %dma_wait3A_105 = arith.constant 0 : i32
      %dma_wait3A_106 = tpu.memref_slice %arg8[%dma_wait3A_102, %dma_wait3A_104, %dma_wait3A_105] : memref<2x128x64xbf16, #tpu.memory_space<vmem>> -> memref<1x128x64xbf16, #tpu.memory_space<vmem>>
      %dma_wait3A_107 = tpu.memref_squeeze %dma_wait3A_106 : memref<1x128x64xbf16, #tpu.memory_space<vmem>> -> memref<128x64xbf16, #tpu.memory_space<vmem>>
      %dma_wait3A_108 = arith.constant 0 : i32
      %dma_wait3A_109 = tpu.memref_slice %arg6[%add3A_101, %dma_wait3A_108] : memref<80x128xi32, #tpu.memory_space<vmem>> -> memref<1x128xi32, #tpu.memory_space<vmem>>
      %dma_wait3A_110 = tpu.memref_squeeze %dma_wait3A_109 : memref<1x128xi32, #tpu.memory_space<vmem>> -> memref<128xi32, #tpu.memory_space<vmem>>
      %dma_wait3A_111 = arith.constant 0 : i32
      %dma_wait3A_112 = arith.constant 0 : i32
      %dma_wait3A_113 = tpu.memref_slice %arg10[%dma_wait3A_111, %dma_wait3A_112] : memref<10240x64xbf16, #tpu.memory_space<vmem_shared>> -> memref<10240x64xbf16, #tpu.memory_space<vmem_shared>>
      %dma_wait3A_114 = tpu.memref_slice %arg12[%dma_wait3A_103] : memref<2x!tpu.dma_semaphore, #tpu.memory_space<semaphore_mem>> -> memref<1x!tpu.dma_semaphore, #tpu.memory_space<semaphore_mem>>
      %dma_wait3A_115 = tpu.memref_squeeze %dma_wait3A_114 : memref<1x!tpu.dma_semaphore, #tpu.memory_space<semaphore_mem>> -> memref<!tpu.dma_semaphore, #tpu.memory_space<semaphore_mem>>
      tpu.wait_indirect_dma semaphore(%dma_wait3A_115 : memref<!tpu.dma_semaphore, #tpu.memory_space<semaphore_mem>>) src(%dma_wait3A_113 : memref<10240x64xbf16, #tpu.memory_space<vmem_shared>>) dst(%dma_wait3A_107 : memref<128x64xbf16, #tpu.memory_space<vmem>>)
      %dma_start3A_116 = arith.constant 0 : i32
      %dma_start3A_117 = arith.constant 0 : i32
      %dma_start3A_118 = arith.constant 0 : i32
      %dma_start3A_119 = arith.constant 0 : i32
      %dma_start3A_120 = tpu.memref_slice %arg8[%dma_start3A_116, %dma_start3A_118, %dma_start3A_119] : memref<2x128x64xbf16, #tpu.memory_space<vmem>> -> memref<1x128x64xbf16, #tpu.memory_space<vmem>>
      %dma_start3A_121 = tpu.memref_squeeze %dma_start3A_120 : memref<1x128x64xbf16, #tpu.memory_space<vmem>> -> memref<128x64xbf16, #tpu.memory_space<vmem>>
      %dma_start3A_122 = arith.constant 0 : i32
      %dma_start3A_123 = tpu.memref_slice %arg7[%add3A_101, %dma_start3A_122] : memref<80x128xi32, #tpu.memory_space<vmem>> -> memref<1x128xi32, #tpu.memory_space<vmem>>
      %dma_start3A_124 = tpu.memref_squeeze %dma_start3A_123 : memref<1x128xi32, #tpu.memory_space<vmem>> -> memref<128xi32, #tpu.memory_space<vmem>>
      %dma_start3A_125 = arith.constant 0 : i32
      %dma_start3A_126 = arith.constant 0 : i32
      %dma_start3A_127 = tpu.memref_slice %arg11[%dma_start3A_125, %dma_start3A_126] : memref<10240x64xbf16, #tpu.memory_space<vmem_shared>> -> memref<10240x64xbf16, #tpu.memory_space<vmem_shared>>
      %dma_start3A_128 = tpu.memref_slice %arg13[%dma_start3A_117] : memref<2x!tpu.dma_semaphore, #tpu.memory_space<semaphore_mem>> -> memref<1x!tpu.dma_semaphore, #tpu.memory_space<semaphore_mem>>
      %dma_start3A_129 = tpu.memref_squeeze %dma_start3A_128 : memref<1x!tpu.dma_semaphore, #tpu.memory_space<semaphore_mem>> -> memref<!tpu.dma_semaphore, #tpu.memory_space<semaphore_mem>>
      tpu.enqueue_indirect_dma source(%dma_start3A_121 : memref<128x64xbf16, #tpu.memory_space<vmem>>) target(%dma_start3A_127 : memref<10240x64xbf16, #tpu.memory_space<vmem_shared>>) offsets(%dma_start3A_124 : memref<128xi32, #tpu.memory_space<vmem>>) semaphore(%dma_start3A_129 : memref<!tpu.dma_semaphore, #tpu.memory_space<semaphore_mem>>) {add = true}
      %add3A_130 = arith.constant 1 : i32
      %add3A_131 = arith.addi %add3A_99, %add3A_130 : i32
      %dma_wait3A_132 = arith.constant 1 : i32
      %dma_wait3A_133 = arith.constant 1 : i32
      %dma_wait3A_134 = arith.constant 0 : i32
      %dma_wait3A_135 = arith.constant 0 : i32
      %dma_wait3A_136 = tpu.memref_slice %arg8[%dma_wait3A_132, %dma_wait3A_134, %dma_wait3A_135] : memref<2x128x64xbf16, #tpu.memory_space<vmem>> -> memref<1x128x64xbf16, #tpu.memory_space<vmem>>
      %dma_wait3A_137 = tpu.memref_squeeze %dma_wait3A_136 : memref<1x128x64xbf16, #tpu.memory_space<vmem>> -> memref<128x64xbf16, #tpu.memory_space<vmem>>
      %dma_wait3A_138 = arith.constant 0 : i32
      %dma_wait3A_139 = tpu.memref_slice %arg6[%add3A_131, %dma_wait3A_138] : memref<80x128xi32, #tpu.memory_space<vmem>> -> memref<1x128xi32, #tpu.memory_space<vmem>>
      %dma_wait3A_140 = tpu.memref_squeeze %dma_wait3A_139 : memref<1x128xi32, #tpu.memory_space<vmem>> -> memref<128xi32, #tpu.memory_space<vmem>>
      %dma_wait3A_141 = arith.constant 0 : i32
      %dma_wait3A_142 = arith.constant 0 : i32
      %dma_wait3A_143 = tpu.memref_slice %arg10[%dma_wait3A_141, %dma_wait3A_142] : memref<10240x64xbf16, #tpu.memory_space<vmem_shared>> -> memref<10240x64xbf16, #tpu.memory_space<vmem_shared>>
      %dma_wait3A_144 = tpu.memref_slice %arg12[%dma_wait3A_133] : memref<2x!tpu.dma_semaphore, #tpu.memory_space<semaphore_mem>> -> memref<1x!tpu.dma_semaphore, #tpu.memory_space<semaphore_mem>>
      %dma_wait3A_145 = tpu.memref_squeeze %dma_wait3A_144 : memref<1x!tpu.dma_semaphore, #tpu.memory_space<semaphore_mem>> -> memref<!tpu.dma_semaphore, #tpu.memory_space<semaphore_mem>>
      tpu.wait_indirect_dma semaphore(%dma_wait3A_145 : memref<!tpu.dma_semaphore, #tpu.memory_space<semaphore_mem>>) src(%dma_wait3A_143 : memref<10240x64xbf16, #tpu.memory_space<vmem_shared>>) dst(%dma_wait3A_137 : memref<128x64xbf16, #tpu.memory_space<vmem>>)
      %dma_start3A_146 = arith.constant 1 : i32
      %dma_start3A_147 = arith.constant 1 : i32
      %dma_start3A_148 = arith.constant 0 : i32
      %dma_start3A_149 = arith.constant 0 : i32
      %dma_start3A_150 = tpu.memref_slice %arg8[%dma_start3A_146, %dma_start3A_148, %dma_start3A_149] : memref<2x128x64xbf16, #tpu.memory_space<vmem>> -> memref<1x128x64xbf16, #tpu.memory_space<vmem>>
      %dma_start3A_151 = tpu.memref_squeeze %dma_start3A_150 : memref<1x128x64xbf16, #tpu.memory_space<vmem>> -> memref<128x64xbf16, #tpu.memory_space<vmem>>
      %dma_start3A_152 = arith.constant 0 : i32
      %dma_start3A_153 = tpu.memref_slice %arg7[%add3A_131, %dma_start3A_152] : memref<80x128xi32, #tpu.memory_space<vmem>> -> memref<1x128xi32, #tpu.memory_space<vmem>>
      %dma_start3A_154 = tpu.memref_squeeze %dma_start3A_153 : memref<1x128xi32, #tpu.memory_space<vmem>> -> memref<128xi32, #tpu.memory_space<vmem>>
      %dma_start3A_155 = arith.constant 0 : i32
      %dma_start3A_156 = arith.constant 0 : i32
      %dma_start3A_157 = tpu.memref_slice %arg11[%dma_start3A_155, %dma_start3A_156] : memref<10240x64xbf16, #tpu.memory_space<vmem_shared>> -> memref<10240x64xbf16, #tpu.memory_space<vmem_shared>>
      %dma_start3A_158 = tpu.memref_slice %arg13[%dma_start3A_147] : memref<2x!tpu.dma_semaphore, #tpu.memory_space<semaphore_mem>> -> memref<1x!tpu.dma_semaphore, #tpu.memory_space<semaphore_mem>>
      %dma_start3A_159 = tpu.memref_squeeze %dma_start3A_158 : memref<1x!tpu.dma_semaphore, #tpu.memory_space<semaphore_mem>> -> memref<!tpu.dma_semaphore, #tpu.memory_space<semaphore_mem>>
      tpu.enqueue_indirect_dma source(%dma_start3A_151 : memref<128x64xbf16, #tpu.memory_space<vmem>>) target(%dma_start3A_157 : memref<10240x64xbf16, #tpu.memory_space<vmem_shared>>) offsets(%dma_start3A_154 : memref<128xi32, #tpu.memory_space<vmem>>) semaphore(%dma_start3A_159 : memref<!tpu.dma_semaphore, #tpu.memory_space<semaphore_mem>>) {add = true}
      %add3A_160 = arith.constant 0 : i32
      %add3A_161 = arith.addi %add3A_99, %add3A_160 : i32
      %dma_wait3A_162 = arith.constant 0 : i32
      %dma_wait3A_163 = arith.constant 0 : i32
      %dma_wait3A_164 = arith.constant 0 : i32
      %dma_wait3A_165 = arith.constant 0 : i32
      %dma_wait3A_166 = tpu.memref_slice %arg8[%dma_wait3A_162, %dma_wait3A_164, %dma_wait3A_165] : memref<2x128x64xbf16, #tpu.memory_space<vmem>> -> memref<1x128x64xbf16, #tpu.memory_space<vmem>>
      %dma_wait3A_167 = tpu.memref_squeeze %dma_wait3A_166 : memref<1x128x64xbf16, #tpu.memory_space<vmem>> -> memref<128x64xbf16, #tpu.memory_space<vmem>>
      %dma_wait3A_168 = arith.constant 0 : i32
      %dma_wait3A_169 = tpu.memref_slice %arg7[%add3A_161, %dma_wait3A_168] : memref<80x128xi32, #tpu.memory_space<vmem>> -> memref<1x128xi32, #tpu.memory_space<vmem>>
      %dma_wait3A_170 = tpu.memref_squeeze %dma_wait3A_169 : memref<1x128xi32, #tpu.memory_space<vmem>> -> memref<128xi32, #tpu.memory_space<vmem>>
      %dma_wait3A_171 = arith.constant 0 : i32
      %dma_wait3A_172 = arith.constant 0 : i32
      %dma_wait3A_173 = tpu.memref_slice %arg11[%dma_wait3A_171, %dma_wait3A_172] : memref<10240x64xbf16, #tpu.memory_space<vmem_shared>> -> memref<10240x64xbf16, #tpu.memory_space<vmem_shared>>
      %dma_wait3A_174 = tpu.memref_slice %arg13[%dma_wait3A_163] : memref<2x!tpu.dma_semaphore, #tpu.memory_space<semaphore_mem>> -> memref<1x!tpu.dma_semaphore, #tpu.memory_space<semaphore_mem>>
      %dma_wait3A_175 = tpu.memref_squeeze %dma_wait3A_174 : memref<1x!tpu.dma_semaphore, #tpu.memory_space<semaphore_mem>> -> memref<!tpu.dma_semaphore, #tpu.memory_space<semaphore_mem>>
      tpu.wait_indirect_dma semaphore(%dma_wait3A_175 : memref<!tpu.dma_semaphore, #tpu.memory_space<semaphore_mem>>) src(%dma_wait3A_167 : memref<128x64xbf16, #tpu.memory_space<vmem>>) dst(%dma_wait3A_173 : memref<10240x64xbf16, #tpu.memory_space<vmem_shared>>)
      %add3A_176 = arith.constant 2 : i32
      %add3A_177 = arith.addi %add3A_99, %add3A_176 : i32
      %lt3A = arith.constant 80 : i32
      %lt3A_178 = arith.cmpi slt, %add3A_177, %lt3A : i32
      %convert_element_type3A = arith.extui %lt3A_178 : i1 to i32
      %cond3A = arith.constant 0 : i32
      %cond3A_179 = arith.cmpi ne, %convert_element_type3A, %cond3A : i32
      scf.if %cond3A_179 {
        %add3A_203 = arith.constant 2 : i32
        %add3A_204 = arith.addi %add3A_161, %add3A_203 : i32
        %dma_start3A_205 = arith.constant 0 : i32
        %dma_start3A_206 = arith.constant 0 : i32
        %dma_start3A_207 = arith.constant 0 : i32
        %dma_start3A_208 = arith.constant 0 : i32
        %dma_start3A_209 = tpu.memref_slice %arg8[%dma_start3A_205, %dma_start3A_207, %dma_start3A_208] : memref<2x128x64xbf16, #tpu.memory_space<vmem>> -> memref<1x128x64xbf16, #tpu.memory_space<vmem>>
        %dma_start3A_210 = tpu.memref_squeeze %dma_start3A_209 : memref<1x128x64xbf16, #tpu.memory_space<vmem>> -> memref<128x64xbf16, #tpu.memory_space<vmem>>
        %dma_start3A_211 = arith.constant 0 : i32
        %dma_start3A_212 = tpu.memref_slice %arg6[%add3A_204, %dma_start3A_211] : memref<80x128xi32, #tpu.memory_space<vmem>> -> memref<1x128xi32, #tpu.memory_space<vmem>>
        %dma_start3A_213 = tpu.memref_squeeze %dma_start3A_212 : memref<1x128xi32, #tpu.memory_space<vmem>> -> memref<128xi32, #tpu.memory_space<vmem>>
        %dma_start3A_214 = arith.constant 0 : i32
        %dma_start3A_215 = arith.constant 0 : i32
        %dma_start3A_216 = tpu.memref_slice %arg10[%dma_start3A_214, %dma_start3A_215] : memref<10240x64xbf16, #tpu.memory_space<vmem_shared>> -> memref<10240x64xbf16, #tpu.memory_space<vmem_shared>>
        %dma_start3A_217 = tpu.memref_slice %arg12[%dma_start3A_206] : memref<2x!tpu.dma_semaphore, #tpu.memory_space<semaphore_mem>> -> memref<1x!tpu.dma_semaphore, #tpu.memory_space<semaphore_mem>>
        %dma_start3A_218 = tpu.memref_squeeze %dma_start3A_217 : memref<1x!tpu.dma_semaphore, #tpu.memory_space<semaphore_mem>> -> memref<!tpu.dma_semaphore, #tpu.memory_space<semaphore_mem>>
        tpu.enqueue_indirect_dma source(%dma_start3A_216 : memref<10240x64xbf16, #tpu.memory_space<vmem_shared>>) target(%dma_start3A_210 : memref<128x64xbf16, #tpu.memory_space<vmem>>) offsets(%dma_start3A_213 : memref<128xi32, #tpu.memory_space<vmem>>) semaphore(%dma_start3A_218 : memref<!tpu.dma_semaphore, #tpu.memory_space<semaphore_mem>>)
      } else {
      }
      %add3A_180 = arith.constant 1 : i32
      %add3A_181 = arith.addi %add3A_99, %add3A_180 : i32
      %dma_wait3A_182 = arith.constant 1 : i32
      %dma_wait3A_183 = arith.constant 1 : i32
      %dma_wait3A_184 = arith.constant 0 : i32
      %dma_wait3A_185 = arith.constant 0 : i32
      %dma_wait3A_186 = tpu.memref_slice %arg8[%dma_wait3A_182, %dma_wait3A_184, %dma_wait3A_185] : memref<2x128x64xbf16, #tpu.memory_space<vmem>> -> memref<1x128x64xbf16, #tpu.memory_space<vmem>>
      %dma_wait3A_187 = tpu.memref_squeeze %dma_wait3A_186 : memref<1x128x64xbf16, #tpu.memory_space<vmem>> -> memref<128x64xbf16, #tpu.memory_space<vmem>>
      %dma_wait3A_188 = arith.constant 0 : i32
      %dma_wait3A_189 = tpu.memref_slice %arg7[%add3A_181, %dma_wait3A_188] : memref<80x128xi32, #tpu.memory_space<vmem>> -> memref<1x128xi32, #tpu.memory_space<vmem>>
      %dma_wait3A_190 = tpu.memref_squeeze %dma_wait3A_189 : memref<1x128xi32, #tpu.memory_space<vmem>> -> memref<128xi32, #tpu.memory_space<vmem>>
      %dma_wait3A_191 = arith.constant 0 : i32
      %dma_wait3A_192 = arith.constant 0 : i32
      %dma_wait3A_193 = tpu.memref_slice %arg11[%dma_wait3A_191, %dma_wait3A_192] : memref<10240x64xbf16, #tpu.memory_space<vmem_shared>> -> memref<10240x64xbf16, #tpu.memory_space<vmem_shared>>
      %dma_wait3A_194 = tpu.memref_slice %arg13[%dma_wait3A_183] : memref<2x!tpu.dma_semaphore, #tpu.memory_space<semaphore_mem>> -> memref<1x!tpu.dma_semaphore, #tpu.memory_space<semaphore_mem>>
      %dma_wait3A_195 = tpu.memref_squeeze %dma_wait3A_194 : memref<1x!tpu.dma_semaphore, #tpu.memory_space<semaphore_mem>> -> memref<!tpu.dma_semaphore, #tpu.memory_space<semaphore_mem>>
      tpu.wait_indirect_dma semaphore(%dma_wait3A_195 : memref<!tpu.dma_semaphore, #tpu.memory_space<semaphore_mem>>) src(%dma_wait3A_187 : memref<128x64xbf16, #tpu.memory_space<vmem>>) dst(%dma_wait3A_193 : memref<10240x64xbf16, #tpu.memory_space<vmem_shared>>)
      %add3A_196 = arith.constant 2 : i32
      %add3A_197 = arith.addi %add3A_99, %add3A_196 : i32
      %lt3A_198 = arith.constant 80 : i32
      %lt3A_199 = arith.cmpi slt, %add3A_197, %lt3A_198 : i32
      %convert_element_type3A_200 = arith.extui %lt3A_199 : i1 to i32
      %cond3A_201 = arith.constant 0 : i32
      %cond3A_202 = arith.cmpi ne, %convert_element_type3A_200, %cond3A_201 : i32
      scf.if %cond3A_202 {
        %add3A_203 = arith.constant 2 : i32
        %add3A_204 = arith.addi %add3A_181, %add3A_203 : i32
        %dma_start3A_205 = arith.constant 1 : i32
        %dma_start3A_206 = arith.constant 1 : i32
        %dma_start3A_207 = arith.constant 0 : i32
        %dma_start3A_208 = arith.constant 0 : i32
        %dma_start3A_209 = tpu.memref_slice %arg8[%dma_start3A_205, %dma_start3A_207, %dma_start3A_208] : memref<2x128x64xbf16, #tpu.memory_space<vmem>> -> memref<1x128x64xbf16, #tpu.memory_space<vmem>>
        %dma_start3A_210 = tpu.memref_squeeze %dma_start3A_209 : memref<1x128x64xbf16, #tpu.memory_space<vmem>> -> memref<128x64xbf16, #tpu.memory_space<vmem>>
        %dma_start3A_211 = arith.constant 0 : i32
        %dma_start3A_212 = tpu.memref_slice %arg6[%add3A_204, %dma_start3A_211] : memref<80x128xi32, #tpu.memory_space<vmem>> -> memref<1x128xi32, #tpu.memory_space<vmem>>
        %dma_start3A_213 = tpu.memref_squeeze %dma_start3A_212 : memref<1x128xi32, #tpu.memory_space<vmem>> -> memref<128xi32, #tpu.memory_space<vmem>>
        %dma_start3A_214 = arith.constant 0 : i32
        %dma_start3A_215 = arith.constant 0 : i32
        %dma_start3A_216 = tpu.memref_slice %arg10[%dma_start3A_214, %dma_start3A_215] : memref<10240x64xbf16, #tpu.memory_space<vmem_shared>> -> memref<10240x64xbf16, #tpu.memory_space<vmem_shared>>
        %dma_start3A_217 = tpu.memref_slice %arg12[%dma_start3A_206] : memref<2x!tpu.dma_semaphore, #tpu.memory_space<semaphore_mem>> -> memref<1x!tpu.dma_semaphore, #tpu.memory_space<semaphore_mem>>
        %dma_start3A_218 = tpu.memref_squeeze %dma_start3A_217 : memref<1x!tpu.dma_semaphore, #tpu.memory_space<semaphore_mem>> -> memref<!tpu.dma_semaphore, #tpu.memory_space<semaphore_mem>>
        tpu.enqueue_indirect_dma source(%dma_start3A_216 : memref<10240x64xbf16, #tpu.memory_space<vmem_shared>>) target(%dma_start3A_210 : memref<128x64xbf16, #tpu.memory_space<vmem>>) offsets(%dma_start3A_213 : memref<128xi32, #tpu.memory_space<vmem>>) semaphore(%dma_start3A_218 : memref<!tpu.dma_semaphore, #tpu.memory_space<semaphore_mem>>)
      } else {
      }
    }
    %scan3A_89 = arith.constant 40 : i32
    %barrier3A_90 = arith.constant 0 : index
    tpu.barrier barrier_id(%barrier3A_90)
    %mul3A_91 = arith.constant 640 : i32
    %mul3A_92 = arith.muli %arg1, %mul3A_91 : i32
    %mul3A_93 = arith.constant 640 : i32
    %mul3A_94 = arith.muli %arg1, %mul3A_93 : i32
    "tpu.region"() ({
      %run_scoped3A = tpu.sem_alloc : memref<!tpu.dma_semaphore, #tpu.memory_space<semaphore_mem>>
      %dma_start3A_95 = arith.constant 0 : i32
      %dma_start3A_96 = tpu.memref_slice %arg5[%arg0, %mul3A_94, %dma_start3A_95] : memref<2x10240x64xbf16, #tpu.memory_space<hbm>> -> memref<1x640x64xbf16, #tpu.memory_space<hbm>>
      %dma_start3A_97 = tpu.memref_squeeze %dma_start3A_96 : memref<1x640x64xbf16, #tpu.memory_space<hbm>> -> memref<640x64xbf16, #tpu.memory_space<hbm>>
      %dma_start3A_98 = arith.constant 0 : i32
      %dma_start3A_99 = tpu.memref_slice %arg11[%mul3A_92, %dma_start3A_98] : memref<10240x64xbf16, #tpu.memory_space<vmem_shared>> -> memref<640x64xbf16, #tpu.memory_space<vmem_shared>>
      tpu.enqueue_dma source(%dma_start3A_99 : memref<640x64xbf16, #tpu.memory_space<vmem_shared>>) target(%dma_start3A_97 : memref<640x64xbf16, #tpu.memory_space<hbm>>) target_semaphore(%run_scoped3A : memref<!tpu.dma_semaphore, #tpu.memory_space<semaphore_mem>>)
      %dma_wait3A_100 = arith.constant 0 : i32
      %dma_wait3A_101 = tpu.memref_slice %arg5[%arg0, %mul3A_94, %dma_wait3A_100] : memref<2x10240x64xbf16, #tpu.memory_space<hbm>> -> memref<1x640x64xbf16, #tpu.memory_space<hbm>>
      %dma_wait3A_102 = tpu.memref_squeeze %dma_wait3A_101 : memref<1x640x64xbf16, #tpu.memory_space<hbm>> -> memref<640x64xbf16, #tpu.memory_space<hbm>>
      %dma_wait3A_103 = arith.constant 0 : i32
      %dma_wait3A_104 = tpu.memref_slice %arg11[%mul3A_92, %dma_wait3A_103] : memref<10240x64xbf16, #tpu.memory_space<vmem_shared>> -> memref<640x64xbf16, #tpu.memory_space<vmem_shared>>
      tpu.wait_dma2 semaphore(%run_scoped3A : memref<!tpu.dma_semaphore, #tpu.memory_space<semaphore_mem>>) src(%dma_wait3A_104 : memref<640x64xbf16, #tpu.memory_space<vmem_shared>>) dst(%dma_wait3A_102 : memref<640x64xbf16, #tpu.memory_space<hbm>>)
      tpu.yield
    }) : () -> ()
    return
  }
}

#map = affine_map<(d0, d1) -> (0, 0)>
#map1 = affine_map<(d0, d1) -> (0, 0, 0)>
module attributes {stable_mosaic.version = 14 : i64} {
  func.func @_sc_seg_body(%arg0: i32, %arg1: i32, %arg2: memref<10240x64xbf16, #tpu.memory_space<hbm>>, %arg3: memref<2560x128xi32, #tpu.memory_space<hbm>>, %arg4: memref<2560x128xi32, #tpu.memory_space<hbm>>, %arg5: memref<2x10240x64xbf16, #tpu.memory_space<hbm>>, %arg6: memref<80x128xi32, #tpu.memory_space<vmem>>, %arg7: memref<80x128xi32, #tpu.memory_space<vmem>>, %arg8: memref<2x128x64xbf16, #tpu.memory_space<vmem>>, %arg9: memref<32x64xbf16, #tpu.memory_space<vmem>>, %arg10: memref<10240x64xbf16, #tpu.memory_space<vmem_shared>>, %arg11: memref<10240x64xbf16, #tpu.memory_space<vmem_shared>>, %arg12: memref<2x!tpu.dma_semaphore, #tpu.memory_space<semaphore_mem>>, %arg13: memref<2x!tpu.dma_semaphore, #tpu.memory_space<semaphore_mem>>) attributes {dimension_semantics = [#tpu.dimension_semantics<core_parallel>, #tpu.dimension_semantics<subcore_parallel>], iteration_bounds = array<i64: 2, 16>, scalar_prefetch = 0 : i64, scratch_operands = 8 : i64, tpu.core_type = #tpu.core_type<sc_vector_subcore>, window_params = [{transform_indices = #map}, {transform_indices = #map}, {transform_indices = #map}, {transform_indices = #map1}]} {
    %mul3A = arith.constant 2 : i32
    %mul3A_0 = arith.muli %arg1, %mul3A : i32
    %add3A = arith.addi %mul3A_0, %arg0 : i32
    %mul3A_1 = arith.constant 640 : i32
    %mul3A_2 = arith.muli %arg1, %mul3A_1 : i32
    %mul3A_3 = arith.constant 640 : i32
    %mul3A_4 = arith.muli %arg1, %mul3A_3 : i32
    %dma_start3A = arith.constant 0 : i32
    %dma_start3A_5 = tpu.memref_slice %arg12[%dma_start3A] : memref<2x!tpu.dma_semaphore, #tpu.memory_space<semaphore_mem>> -> memref<1x!tpu.dma_semaphore, #tpu.memory_space<semaphore_mem>>
    %dma_start3A_6 = tpu.memref_squeeze %dma_start3A_5 : memref<1x!tpu.dma_semaphore, #tpu.memory_space<semaphore_mem>> -> memref<!tpu.dma_semaphore, #tpu.memory_space<semaphore_mem>>
    %dma_start3A_7 = arith.constant 0 : i32
    %dma_start3A_8 = tpu.memref_slice %arg10[%mul3A_4, %dma_start3A_7] : memref<10240x64xbf16, #tpu.memory_space<vmem_shared>> -> memref<640x64xbf16, #tpu.memory_space<vmem_shared>>
    %dma_start3A_9 = arith.constant 0 : i32
    %dma_start3A_10 = tpu.memref_slice %arg2[%mul3A_2, %dma_start3A_9] : memref<10240x64xbf16, #tpu.memory_space<hbm>> -> memref<640x64xbf16, #tpu.memory_space<hbm>>
    tpu.enqueue_dma source(%dma_start3A_10 : memref<640x64xbf16, #tpu.memory_space<hbm>>) target(%dma_start3A_8 : memref<640x64xbf16, #tpu.memory_space<vmem_shared>>) target_semaphore(%dma_start3A_6 : memref<!tpu.dma_semaphore, #tpu.memory_space<semaphore_mem>>)
    %broadcast_in_dim3A = arith.constant 0.000000e+00 : bf16
    %broadcast_in_dim3A_11 = vector.broadcast %broadcast_in_dim3A : bf16 to vector<32xbf16>
    %scan3A = arith.constant 0 : i32
    %scan3A_12 = arith.constant 0 : i32
    %scan3A_13 = arith.constant 32 : i32
    %scan3A_14 = arith.addi %scan3A_12, %scan3A_13 : i32
    %scan3A_15 = arith.constant 1 : i32
    scf.for %scan3A_95 = %scan3A_12 to %scan3A_14 step %scan3A_15  : i32 {
      %swap3A = arith.index_cast %scan3A_95 : i32 to index
      %swap3A_96 = arith.constant 0 : index
      %swap3A_97 = tpu.vector_load %arg9[%swap3A, %swap3A_96] {strides = array<i32>} : memref<32x64xbf16, #tpu.memory_space<vmem>>, vector<1x32xbf16>,
      %swap3A_98 = vector.shape_cast %swap3A_97 : vector<1x32xbf16> to vector<32xbf16>
      %swap3A_99 = vector.shape_cast %broadcast_in_dim3A_11 : vector<32xbf16> to vector<1x32xbf16>
      tpu.vector_store %arg9[%swap3A, %swap3A_96], %swap3A_99 {strides = array<i32>} : memref<32x64xbf16, #tpu.memory_space<vmem>>, vector<1x32xbf16>,
      %swap3A_100 = arith.index_cast %scan3A_95 : i32 to index
      %swap3A_101 = arith.constant 32 : index
      %swap3A_102 = tpu.vector_load %arg9[%swap3A_100, %swap3A_101] {strides = array<i32>} : memref<32x64xbf16, #tpu.memory_space<vmem>>, vector<1x32xbf16>,
      %swap3A_103 = vector.shape_cast %swap3A_102 : vector<1x32xbf16> to vector<32xbf16>
      %swap3A_104 = vector.shape_cast %broadcast_in_dim3A_11 : vector<32xbf16> to vector<1x32xbf16>
      tpu.vector_store %arg9[%swap3A_100, %swap3A_101], %swap3A_104 {strides = array<i32>} : memref<32x64xbf16, #tpu.memory_space<vmem>>, vector<1x32xbf16>,
    }
    %scan3A_16 = arith.constant 32 : i32
    %scan3A_17 = arith.constant 0 : i32
    %scan3A_18 = arith.constant 0 : i32
    %scan3A_19 = arith.constant 20 : i32
    %scan3A_20 = arith.addi %scan3A_18, %scan3A_19 : i32
    %scan3A_21 = arith.constant 1 : i32
    scf.for %scan3A_95 = %scan3A_18 to %scan3A_20 step %scan3A_21  : i32 {
      %mul3A_96 = arith.constant 640 : i32
      %mul3A_97 = arith.muli %arg1, %mul3A_96 : i32
      %mul3A_98 = arith.constant 32 : i32
      %mul3A_99 = arith.muli %scan3A_95, %mul3A_98 : i32
      %add3A_100 = arith.addi %mul3A_97, %mul3A_99 : i32
      %dma_start3A_101 = arith.constant 0 : i32
      %dma_start3A_102 = arith.constant 0 : i32
      %dma_start3A_103 = tpu.memref_slice %arg11[%add3A_100, %dma_start3A_102] : memref<10240x64xbf16, #tpu.memory_space<vmem_shared>> -> memref<32x64xbf16, #tpu.memory_space<vmem_shared>>
      %dma_start3A_104 = tpu.memref_slice %arg13[%dma_start3A_101] : memref<2x!tpu.dma_semaphore, #tpu.memory_space<semaphore_mem>> -> memref<1x!tpu.dma_semaphore, #tpu.memory_space<semaphore_mem>>
      %dma_start3A_105 = tpu.memref_squeeze %dma_start3A_104 : memref<1x!tpu.dma_semaphore, #tpu.memory_space<semaphore_mem>> -> memref<!tpu.dma_semaphore, #tpu.memory_space<semaphore_mem>>
      %dma_start3A_106 = arith.constant 0 : i32
      %dma_start3A_107 = tpu.memref_slice %arg11[%add3A_100, %dma_start3A_106] : memref<10240x64xbf16, #tpu.memory_space<vmem_shared>> -> memref<32x64xbf16, #tpu.memory_space<vmem_shared>>
      tpu.enqueue_dma source(%arg9 : memref<32x64xbf16, #tpu.memory_space<vmem>>) target(%dma_start3A_107 : memref<32x64xbf16, #tpu.memory_space<vmem_shared>>) target_semaphore(%dma_start3A_105 : memref<!tpu.dma_semaphore, #tpu.memory_space<semaphore_mem>>)
    }
    %scan3A_22 = arith.constant 20 : i32
    %mul3A_23 = arith.constant 80 : i32
    %mul3A_24 = arith.muli %add3A, %mul3A_23 : i32
    %dma_start3A_25 = arith.constant 1 : i32
    %dma_start3A_26 = arith.constant 0 : i32
    %dma_start3A_27 = tpu.memref_slice %arg3[%mul3A_24, %dma_start3A_26] : memref<2560x128xi32, #tpu.memory_space<hbm>> -> memref<80x128xi32, #tpu.memory_space<hbm>>
    %dma_start3A_28 = tpu.memref_slice %arg12[%dma_start3A_25] : memref<2x!tpu.dma_semaphore, #tpu.memory_space<semaphore_mem>> -> memref<1x!tpu.dma_semaphore, #tpu.memory_space<semaphore_mem>>
    %dma_start3A_29 = tpu.memref_squeeze %dma_start3A_28 : memref<1x!tpu.dma_semaphore, #tpu.memory_space<semaphore_mem>> -> memref<!tpu.dma_semaphore, #tpu.memory_space<semaphore_mem>>
    %dma_start3A_30 = arith.constant 0 : i32
    %dma_start3A_31 = tpu.memref_slice %arg3[%mul3A_24, %dma_start3A_30] : memref<2560x128xi32, #tpu.memory_space<hbm>> -> memref<80x128xi32, #tpu.memory_space<hbm>>
    tpu.enqueue_dma source(%dma_start3A_31 : memref<80x128xi32, #tpu.memory_space<hbm>>) target(%arg6 : memref<80x128xi32, #tpu.memory_space<vmem>>) target_semaphore(%dma_start3A_29 : memref<!tpu.dma_semaphore, #tpu.memory_space<semaphore_mem>>)
    "tpu.region"() ({
      %run_scoped3A = tpu.sem_alloc : memref<!tpu.dma_semaphore, #tpu.memory_space<semaphore_mem>>
      %dma_start3A_95 = arith.constant 0 : i32
      %dma_start3A_96 = tpu.memref_slice %arg4[%mul3A_24, %dma_start3A_95] : memref<2560x128xi32, #tpu.memory_space<hbm>> -> memref<80x128xi32, #tpu.memory_space<hbm>>
      %dma_start3A_97 = arith.constant 0 : i32
      %dma_start3A_98 = tpu.memref_slice %arg4[%mul3A_24, %dma_start3A_97] : memref<2560x128xi32, #tpu.memory_space<hbm>> -> memref<80x128xi32, #tpu.memory_space<hbm>>
      tpu.enqueue_dma source(%dma_start3A_98 : memref<80x128xi32, #tpu.memory_space<hbm>>) target(%arg7 : memref<80x128xi32, #tpu.memory_space<vmem>>) target_semaphore(%run_scoped3A : memref<!tpu.dma_semaphore, #tpu.memory_space<semaphore_mem>>)
      %dma_wait3A_99 = arith.constant 0 : i32
      %dma_wait3A_100 = tpu.memref_slice %arg4[%mul3A_24, %dma_wait3A_99] : memref<2560x128xi32, #tpu.memory_space<hbm>> -> memref<80x128xi32, #tpu.memory_space<hbm>>
      %dma_wait3A_101 = arith.constant 0 : i32
      %dma_wait3A_102 = tpu.memref_slice %arg4[%mul3A_24, %dma_wait3A_101] : memref<2560x128xi32, #tpu.memory_space<hbm>> -> memref<80x128xi32, #tpu.memory_space<hbm>>
      tpu.wait_dma2 semaphore(%run_scoped3A : memref<!tpu.dma_semaphore, #tpu.memory_space<semaphore_mem>>) src(%dma_wait3A_102 : memref<80x128xi32, #tpu.memory_space<hbm>>) dst(%arg7 : memref<80x128xi32, #tpu.memory_space<vmem>>)
      tpu.yield
    }) : () -> ()
    %dma_wait3A = arith.constant 1 : i32
    %dma_wait3A_32 = arith.constant 0 : i32
    %dma_wait3A_33 = tpu.memref_slice %arg3[%mul3A_24, %dma_wait3A_32] : memref<2560x128xi32, #tpu.memory_space<hbm>> -> memref<80x128xi32, #tpu.memory_space<hbm>>
    %dma_wait3A_34 = tpu.memref_slice %arg12[%dma_wait3A] : memref<2x!tpu.dma_semaphore, #tpu.memory_space<semaphore_mem>> -> memref<1x!tpu.dma_semaphore, #tpu.memory_space<semaphore_mem>>
    %dma_wait3A_35 = tpu.memref_squeeze %dma_wait3A_34 : memref<1x!tpu.dma_semaphore, #tpu.memory_space<semaphore_mem>> -> memref<!tpu.dma_semaphore, #tpu.memory_space<semaphore_mem>>
    %dma_wait3A_36 = arith.constant 0 : i32
    %dma_wait3A_37 = tpu.memref_slice %arg3[%mul3A_24, %dma_wait3A_36] : memref<2560x128xi32, #tpu.memory_space<hbm>> -> memref<80x128xi32, #tpu.memory_space<hbm>>
    tpu.wait_dma2 semaphore(%dma_wait3A_35 : memref<!tpu.dma_semaphore, #tpu.memory_space<semaphore_mem>>) src(%dma_wait3A_37 : memref<80x128xi32, #tpu.memory_space<hbm>>) dst(%arg6 : memref<80x128xi32, #tpu.memory_space<vmem>>)
    %mul3A_38 = arith.constant 640 : i32
    %mul3A_39 = arith.muli %arg1, %mul3A_38 : i32
    %mul3A_40 = arith.constant 640 : i32
    %mul3A_41 = arith.muli %arg1, %mul3A_40 : i32
    %dma_wait3A_42 = arith.constant 0 : i32
    %dma_wait3A_43 = tpu.memref_slice %arg12[%dma_wait3A_42] : memref<2x!tpu.dma_semaphore, #tpu.memory_space<semaphore_mem>> -> memref<1x!tpu.dma_semaphore, #tpu.memory_space<semaphore_mem>>
    %dma_wait3A_44 = tpu.memref_squeeze %dma_wait3A_43 : memref<1x!tpu.dma_semaphore, #tpu.memory_space<semaphore_mem>> -> memref<!tpu.dma_semaphore, #tpu.memory_space<semaphore_mem>>
    %dma_wait3A_45 = arith.constant 0 : i32
    %dma_wait3A_46 = tpu.memref_slice %arg10[%mul3A_41, %dma_wait3A_45] : memref<10240x64xbf16, #tpu.memory_space<vmem_shared>> -> memref<640x64xbf16, #tpu.memory_space<vmem_shared>>
    %dma_wait3A_47 = arith.constant 0 : i32
    %dma_wait3A_48 = tpu.memref_slice %arg2[%mul3A_39, %dma_wait3A_47] : memref<10240x64xbf16, #tpu.memory_space<hbm>> -> memref<640x64xbf16, #tpu.memory_space<hbm>>
    tpu.wait_dma2 semaphore(%dma_wait3A_44 : memref<!tpu.dma_semaphore, #tpu.memory_space<semaphore_mem>>) src(%dma_wait3A_48 : memref<640x64xbf16, #tpu.memory_space<hbm>>) dst(%dma_wait3A_46 : memref<640x64xbf16, #tpu.memory_space<vmem_shared>>)
    %scan3A_49 = arith.constant 0 : i32
    %scan3A_50 = arith.constant 0 : i32
    %scan3A_51 = arith.constant 20 : i32
    %scan3A_52 = arith.addi %scan3A_50, %scan3A_51 : i32
    %scan3A_53 = arith.constant 1 : i32
    scf.for %scan3A_95 = %scan3A_50 to %scan3A_52 step %scan3A_53  : i32 {
      %mul3A_96 = arith.constant 640 : i32
      %mul3A_97 = arith.muli %arg1, %mul3A_96 : i32
      %mul3A_98 = arith.constant 32 : i32
      %mul3A_99 = arith.muli %scan3A_95, %mul3A_98 : i32
      %add3A_100 = arith.addi %mul3A_97, %mul3A_99 : i32
      %dma_wait3A_101 = arith.constant 0 : i32
      %dma_wait3A_102 = arith.constant 0 : i32
      %dma_wait3A_103 = tpu.memref_slice %arg11[%add3A_100, %dma_wait3A_102] : memref<10240x64xbf16, #tpu.memory_space<vmem_shared>> -> memref<32x64xbf16, #tpu.memory_space<vmem_shared>>
      %dma_wait3A_104 = tpu.memref_slice %arg13[%dma_wait3A_101] : memref<2x!tpu.dma_semaphore, #tpu.memory_space<semaphore_mem>> -> memref<1x!tpu.dma_semaphore, #tpu.memory_space<semaphore_mem>>
      %dma_wait3A_105 = tpu.memref_squeeze %dma_wait3A_104 : memref<1x!tpu.dma_semaphore, #tpu.memory_space<semaphore_mem>> -> memref<!tpu.dma_semaphore, #tpu.memory_space<semaphore_mem>>
      %dma_wait3A_106 = arith.constant 0 : i32
      %dma_wait3A_107 = tpu.memref_slice %arg11[%add3A_100, %dma_wait3A_106] : memref<10240x64xbf16, #tpu.memory_space<vmem_shared>> -> memref<32x64xbf16, #tpu.memory_space<vmem_shared>>
      tpu.wait_dma2 semaphore(%dma_wait3A_105 : memref<!tpu.dma_semaphore, #tpu.memory_space<semaphore_mem>>) src(%arg9 : memref<32x64xbf16, #tpu.memory_space<vmem>>) dst(%dma_wait3A_107 : memref<32x64xbf16, #tpu.memory_space<vmem_shared>>)
    }
    %scan3A_54 = arith.constant 20 : i32
    %barrier3A = arith.constant 0 : index
    tpu.barrier barrier_id(%barrier3A)
    %dma_start3A_55 = arith.constant 0 : i32
    %dma_start3A_56 = arith.constant 0 : i32
    %dma_start3A_57 = arith.constant 0 : i32
    %dma_start3A_58 = arith.constant 0 : i32
    %dma_start3A_59 = arith.constant 0 : i32
    %dma_start3A_60 = tpu.memref_slice %arg8[%dma_start3A_56, %dma_start3A_58, %dma_start3A_59] : memref<2x128x64xbf16, #tpu.memory_space<vmem>> -> memref<1x128x64xbf16, #tpu.memory_space<vmem>>
    %dma_start3A_61 = tpu.memref_squeeze %dma_start3A_60 : memref<1x128x64xbf16, #tpu.memory_space<vmem>> -> memref<128x64xbf16, #tpu.memory_space<vmem>>
    %dma_start3A_62 = arith.constant 0 : i32
    %dma_start3A_63 = tpu.memref_slice %arg6[%dma_start3A_55, %dma_start3A_62] : memref<80x128xi32, #tpu.memory_space<vmem>> -> memref<1x128xi32, #tpu.memory_space<vmem>>
    %dma_start3A_64 = tpu.memref_squeeze %dma_start3A_63 : memref<1x128xi32, #tpu.memory_space<vmem>> -> memref<128xi32, #tpu.memory_space<vmem>>
    %dma_start3A_65 = arith.constant 0 : i32
    %dma_start3A_66 = arith.constant 0 : i32
    %dma_start3A_67 = tpu.memref_slice %arg10[%dma_start3A_65, %dma_start3A_66] : memref<10240x64xbf16, #tpu.memory_space<vmem_shared>> -> memref<10240x64xbf16, #tpu.memory_space<vmem_shared>>
    %dma_start3A_68 = tpu.memref_slice %arg12[%dma_start3A_57] : memref<2x!tpu.dma_semaphore, #tpu.memory_space<semaphore_mem>> -> memref<1x!tpu.dma_semaphore, #tpu.memory_space<semaphore_mem>>
    %dma_start3A_69 = tpu.memref_squeeze %dma_start3A_68 : memref<1x!tpu.dma_semaphore, #tpu.memory_space<semaphore_mem>> -> memref<!tpu.dma_semaphore, #tpu.memory_space<semaphore_mem>>
    tpu.enqueue_indirect_dma source(%dma_start3A_67 : memref<10240x64xbf16, #tpu.memory_space<vmem_shared>>) target(%dma_start3A_61 : memref<128x64xbf16, #tpu.memory_space<vmem>>) offsets(%dma_start3A_64 : memref<128xi32, #tpu.memory_space<vmem>>) semaphore(%dma_start3A_69 : memref<!tpu.dma_semaphore, #tpu.memory_space<semaphore_mem>>)
    %dma_start3A_70 = arith.constant 1 : i32
    %dma_start3A_71 = arith.constant 1 : i32
    %dma_start3A_72 = arith.constant 1 : i32
    %dma_start3A_73 = arith.constant 0 : i32
    %dma_start3A_74 = arith.constant 0 : i32
    %dma_start3A_75 = tpu.memref_slice %arg8[%dma_start3A_71, %dma_start3A_73, %dma_start3A_74] : memref<2x128x64xbf16, #tpu.memory_space<vmem>> -> memref<1x128x64xbf16, #tpu.memory_space<vmem>>
    %dma_start3A_76 = tpu.memref_squeeze %dma_start3A_75 : memref<1x128x64xbf16, #tpu.memory_space<vmem>> -> memref<128x64xbf16, #tpu.memory_space<vmem>>
    %dma_start3A_77 = arith.constant 0 : i32
    %dma_start3A_78 = tpu.memref_slice %arg6[%dma_start3A_70, %dma_start3A_77] : memref<80x128xi32, #tpu.memory_space<vmem>> -> memref<1x128xi32, #tpu.memory_space<vmem>>
    %dma_start3A_79 = tpu.memref_squeeze %dma_start3A_78 : memref<1x128xi32, #tpu.memory_space<vmem>> -> memref<128xi32, #tpu.memory_space<vmem>>
    %dma_start3A_80 = arith.constant 0 : i32
    %dma_start3A_81 = arith.constant 0 : i32
    %dma_start3A_82 = tpu.memref_slice %arg10[%dma_start3A_80, %dma_start3A_81] : memref<10240x64xbf16, #tpu.memory_space<vmem_shared>> -> memref<10240x64xbf16, #tpu.memory_space<vmem_shared>>
    %dma_start3A_83 = tpu.memref_slice %arg12[%dma_start3A_72] : memref<2x!tpu.dma_semaphore, #tpu.memory_space<semaphore_mem>> -> memref<1x!tpu.dma_semaphore, #tpu.memory_space<semaphore_mem>>
    %dma_start3A_84 = tpu.memref_squeeze %dma_start3A_83 : memref<1x!tpu.dma_semaphore, #tpu.memory_space<semaphore_mem>> -> memref<!tpu.dma_semaphore, #tpu.memory_space<semaphore_mem>>
    tpu.enqueue_indirect_dma source(%dma_start3A_82 : memref<10240x64xbf16, #tpu.memory_space<vmem_shared>>) target(%dma_start3A_76 : memref<128x64xbf16, #tpu.memory_space<vmem>>) offsets(%dma_start3A_79 : memref<128xi32, #tpu.memory_space<vmem>>) semaphore(%dma_start3A_84 : memref<!tpu.dma_semaphore, #tpu.memory_space<semaphore_mem>>)
    %scan3A_85 = arith.constant 0 : i32
    %scan3A_86 = arith.constant 40 : i32
    %scan3A_87 = arith.addi %scan3A_85, %scan3A_86 : i32
    %scan3A_88 = arith.constant 1 : i32
    scf.for %scan3A_95 = %scan3A_85 to %scan3A_87 step %scan3A_88  : i32 {
      %mul3A_96 = arith.constant 2 : i32
      %mul3A_97 = arith.muli %scan3A_95, %mul3A_96 : i32
      %add3A_98 = arith.constant 0 : i32
      %add3A_99 = arith.addi %add3A_98, %mul3A_97 : i32
      %add3A_100 = arith.constant 0 : i32
      %add3A_101 = arith.addi %add3A_99, %add3A_100 : i32
      %dma_wait3A_102 = arith.constant 0 : i32
      %dma_wait3A_103 = arith.constant 0 : i32
      %dma_wait3A_104 = arith.constant 0 : i32
      %dma_wait3A_105 = arith.constant 0 : i32
      %dma_wait3A_106 = tpu.memref_slice %arg8[%dma_wait3A_102, %dma_wait3A_104, %dma_wait3A_105] : memref<2x128x64xbf16, #tpu.memory_space<vmem>> -> memref<1x128x64xbf16, #tpu.memory_space<vmem>>
      %dma_wait3A_107 = tpu.memref_squeeze %dma_wait3A_106 : memref<1x128x64xbf16, #tpu.memory_space<vmem>> -> memref<128x64xbf16, #tpu.memory_space<vmem>>
      %dma_wait3A_108 = arith.constant 0 : i32
      %dma_wait3A_109 = tpu.memref_slice %arg6[%add3A_101, %dma_wait3A_108] : memref<80x128xi32, #tpu.memory_space<vmem>> -> memref<1x128xi32, #tpu.memory_space<vmem>>
      %dma_wait3A_110 = tpu.memref_squeeze %dma_wait3A_109 : memref<1x128xi32, #tpu.memory_space<vmem>> -> memref<128xi32, #tpu.memory_space<vmem>>
      %dma_wait3A_111 = arith.constant 0 : i32
      %dma_wait3A_112 = arith.constant 0 : i32
      %dma_wait3A_113 = tpu.memref_slice %arg10[%dma_wait3A_111, %dma_wait3A_112] : memref<10240x64xbf16, #tpu.memory_space<vmem_shared>> -> memref<10240x64xbf16, #tpu.memory_space<vmem_shared>>
      %dma_wait3A_114 = tpu.memref_slice %arg12[%dma_wait3A_103] : memref<2x!tpu.dma_semaphore, #tpu.memory_space<semaphore_mem>> -> memref<1x!tpu.dma_semaphore, #tpu.memory_space<semaphore_mem>>
      %dma_wait3A_115 = tpu.memref_squeeze %dma_wait3A_114 : memref<1x!tpu.dma_semaphore, #tpu.memory_space<semaphore_mem>> -> memref<!tpu.dma_semaphore, #tpu.memory_space<semaphore_mem>>
      tpu.wait_indirect_dma semaphore(%dma_wait3A_115 : memref<!tpu.dma_semaphore, #tpu.memory_space<semaphore_mem>>) src(%dma_wait3A_113 : memref<10240x64xbf16, #tpu.memory_space<vmem_shared>>) dst(%dma_wait3A_107 : memref<128x64xbf16, #tpu.memory_space<vmem>>)
      %dma_start3A_116 = arith.constant 0 : i32
      %dma_start3A_117 = arith.constant 0 : i32
      %dma_start3A_118 = arith.constant 0 : i32
      %dma_start3A_119 = arith.constant 0 : i32
      %dma_start3A_120 = tpu.memref_slice %arg8[%dma_start3A_116, %dma_start3A_118, %dma_start3A_119] : memref<2x128x64xbf16, #tpu.memory_space<vmem>> -> memref<1x128x64xbf16, #tpu.memory_space<vmem>>
      %dma_start3A_121 = tpu.memref_squeeze %dma_start3A_120 : memref<1x128x64xbf16, #tpu.memory_space<vmem>> -> memref<128x64xbf16, #tpu.memory_space<vmem>>
      %dma_start3A_122 = arith.constant 0 : i32
      %dma_start3A_123 = tpu.memref_slice %arg7[%add3A_101, %dma_start3A_122] : memref<80x128xi32, #tpu.memory_space<vmem>> -> memref<1x128xi32, #tpu.memory_space<vmem>>
      %dma_start3A_124 = tpu.memref_squeeze %dma_start3A_123 : memref<1x128xi32, #tpu.memory_space<vmem>> -> memref<128xi32, #tpu.memory_space<vmem>>
      %dma_start3A_125 = arith.constant 0 : i32
      %dma_start3A_126 = arith.constant 0 : i32
      %dma_start3A_127 = tpu.memref_slice %arg11[%dma_start3A_125, %dma_start3A_126] : memref<10240x64xbf16, #tpu.memory_space<vmem_shared>> -> memref<10240x64xbf16, #tpu.memory_space<vmem_shared>>
      %dma_start3A_128 = tpu.memref_slice %arg13[%dma_start3A_117] : memref<2x!tpu.dma_semaphore, #tpu.memory_space<semaphore_mem>> -> memref<1x!tpu.dma_semaphore, #tpu.memory_space<semaphore_mem>>
      %dma_start3A_129 = tpu.memref_squeeze %dma_start3A_128 : memref<1x!tpu.dma_semaphore, #tpu.memory_space<semaphore_mem>> -> memref<!tpu.dma_semaphore, #tpu.memory_space<semaphore_mem>>
      tpu.enqueue_indirect_dma source(%dma_start3A_121 : memref<128x64xbf16, #tpu.memory_space<vmem>>) target(%dma_start3A_127 : memref<10240x64xbf16, #tpu.memory_space<vmem_shared>>) offsets(%dma_start3A_124 : memref<128xi32, #tpu.memory_space<vmem>>) semaphore(%dma_start3A_129 : memref<!tpu.dma_semaphore, #tpu.memory_space<semaphore_mem>>) {add = true}
      %add3A_130 = arith.constant 1 : i32
      %add3A_131 = arith.addi %add3A_99, %add3A_130 : i32
      %dma_wait3A_132 = arith.constant 1 : i32
      %dma_wait3A_133 = arith.constant 1 : i32
      %dma_wait3A_134 = arith.constant 0 : i32
      %dma_wait3A_135 = arith.constant 0 : i32
      %dma_wait3A_136 = tpu.memref_slice %arg8[%dma_wait3A_132, %dma_wait3A_134, %dma_wait3A_135] : memref<2x128x64xbf16, #tpu.memory_space<vmem>> -> memref<1x128x64xbf16, #tpu.memory_space<vmem>>
      %dma_wait3A_137 = tpu.memref_squeeze %dma_wait3A_136 : memref<1x128x64xbf16, #tpu.memory_space<vmem>> -> memref<128x64xbf16, #tpu.memory_space<vmem>>
      %dma_wait3A_138 = arith.constant 0 : i32
      %dma_wait3A_139 = tpu.memref_slice %arg6[%add3A_131, %dma_wait3A_138] : memref<80x128xi32, #tpu.memory_space<vmem>> -> memref<1x128xi32, #tpu.memory_space<vmem>>
      %dma_wait3A_140 = tpu.memref_squeeze %dma_wait3A_139 : memref<1x128xi32, #tpu.memory_space<vmem>> -> memref<128xi32, #tpu.memory_space<vmem>>
      %dma_wait3A_141 = arith.constant 0 : i32
      %dma_wait3A_142 = arith.constant 0 : i32
      %dma_wait3A_143 = tpu.memref_slice %arg10[%dma_wait3A_141, %dma_wait3A_142] : memref<10240x64xbf16, #tpu.memory_space<vmem_shared>> -> memref<10240x64xbf16, #tpu.memory_space<vmem_shared>>
      %dma_wait3A_144 = tpu.memref_slice %arg12[%dma_wait3A_133] : memref<2x!tpu.dma_semaphore, #tpu.memory_space<semaphore_mem>> -> memref<1x!tpu.dma_semaphore, #tpu.memory_space<semaphore_mem>>
      %dma_wait3A_145 = tpu.memref_squeeze %dma_wait3A_144 : memref<1x!tpu.dma_semaphore, #tpu.memory_space<semaphore_mem>> -> memref<!tpu.dma_semaphore, #tpu.memory_space<semaphore_mem>>
      tpu.wait_indirect_dma semaphore(%dma_wait3A_145 : memref<!tpu.dma_semaphore, #tpu.memory_space<semaphore_mem>>) src(%dma_wait3A_143 : memref<10240x64xbf16, #tpu.memory_space<vmem_shared>>) dst(%dma_wait3A_137 : memref<128x64xbf16, #tpu.memory_space<vmem>>)
      %dma_start3A_146 = arith.constant 1 : i32
      %dma_start3A_147 = arith.constant 1 : i32
      %dma_start3A_148 = arith.constant 0 : i32
      %dma_start3A_149 = arith.constant 0 : i32
      %dma_start3A_150 = tpu.memref_slice %arg8[%dma_start3A_146, %dma_start3A_148, %dma_start3A_149] : memref<2x128x64xbf16, #tpu.memory_space<vmem>> -> memref<1x128x64xbf16, #tpu.memory_space<vmem>>
      %dma_start3A_151 = tpu.memref_squeeze %dma_start3A_150 : memref<1x128x64xbf16, #tpu.memory_space<vmem>> -> memref<128x64xbf16, #tpu.memory_space<vmem>>
      %dma_start3A_152 = arith.constant 0 : i32
      %dma_start3A_153 = tpu.memref_slice %arg7[%add3A_131, %dma_start3A_152] : memref<80x128xi32, #tpu.memory_space<vmem>> -> memref<1x128xi32, #tpu.memory_space<vmem>>
      %dma_start3A_154 = tpu.memref_squeeze %dma_start3A_153 : memref<1x128xi32, #tpu.memory_space<vmem>> -> memref<128xi32, #tpu.memory_space<vmem>>
      %dma_start3A_155 = arith.constant 0 : i32
      %dma_start3A_156 = arith.constant 0 : i32
      %dma_start3A_157 = tpu.memref_slice %arg11[%dma_start3A_155, %dma_start3A_156] : memref<10240x64xbf16, #tpu.memory_space<vmem_shared>> -> memref<10240x64xbf16, #tpu.memory_space<vmem_shared>>
      %dma_start3A_158 = tpu.memref_slice %arg13[%dma_start3A_147] : memref<2x!tpu.dma_semaphore, #tpu.memory_space<semaphore_mem>> -> memref<1x!tpu.dma_semaphore, #tpu.memory_space<semaphore_mem>>
      %dma_start3A_159 = tpu.memref_squeeze %dma_start3A_158 : memref<1x!tpu.dma_semaphore, #tpu.memory_space<semaphore_mem>> -> memref<!tpu.dma_semaphore, #tpu.memory_space<semaphore_mem>>
      tpu.enqueue_indirect_dma source(%dma_start3A_151 : memref<128x64xbf16, #tpu.memory_space<vmem>>) target(%dma_start3A_157 : memref<10240x64xbf16, #tpu.memory_space<vmem_shared>>) offsets(%dma_start3A_154 : memref<128xi32, #tpu.memory_space<vmem>>) semaphore(%dma_start3A_159 : memref<!tpu.dma_semaphore, #tpu.memory_space<semaphore_mem>>) {add = true}
      %add3A_160 = arith.constant 0 : i32
      %add3A_161 = arith.addi %add3A_99, %add3A_160 : i32
      %dma_wait3A_162 = arith.constant 0 : i32
      %dma_wait3A_163 = arith.constant 0 : i32
      %dma_wait3A_164 = arith.constant 0 : i32
      %dma_wait3A_165 = arith.constant 0 : i32
      %dma_wait3A_166 = tpu.memref_slice %arg8[%dma_wait3A_162, %dma_wait3A_164, %dma_wait3A_165] : memref<2x128x64xbf16, #tpu.memory_space<vmem>> -> memref<1x128x64xbf16, #tpu.memory_space<vmem>>
      %dma_wait3A_167 = tpu.memref_squeeze %dma_wait3A_166 : memref<1x128x64xbf16, #tpu.memory_space<vmem>> -> memref<128x64xbf16, #tpu.memory_space<vmem>>
      %dma_wait3A_168 = arith.constant 0 : i32
      %dma_wait3A_169 = tpu.memref_slice %arg7[%add3A_161, %dma_wait3A_168] : memref<80x128xi32, #tpu.memory_space<vmem>> -> memref<1x128xi32, #tpu.memory_space<vmem>>
      %dma_wait3A_170 = tpu.memref_squeeze %dma_wait3A_169 : memref<1x128xi32, #tpu.memory_space<vmem>> -> memref<128xi32, #tpu.memory_space<vmem>>
      %dma_wait3A_171 = arith.constant 0 : i32
      %dma_wait3A_172 = arith.constant 0 : i32
      %dma_wait3A_173 = tpu.memref_slice %arg11[%dma_wait3A_171, %dma_wait3A_172] : memref<10240x64xbf16, #tpu.memory_space<vmem_shared>> -> memref<10240x64xbf16, #tpu.memory_space<vmem_shared>>
      %dma_wait3A_174 = tpu.memref_slice %arg13[%dma_wait3A_163] : memref<2x!tpu.dma_semaphore, #tpu.memory_space<semaphore_mem>> -> memref<1x!tpu.dma_semaphore, #tpu.memory_space<semaphore_mem>>
      %dma_wait3A_175 = tpu.memref_squeeze %dma_wait3A_174 : memref<1x!tpu.dma_semaphore, #tpu.memory_space<semaphore_mem>> -> memref<!tpu.dma_semaphore, #tpu.memory_space<semaphore_mem>>
      tpu.wait_indirect_dma semaphore(%dma_wait3A_175 : memref<!tpu.dma_semaphore, #tpu.memory_space<semaphore_mem>>) src(%dma_wait3A_167 : memref<128x64xbf16, #tpu.memory_space<vmem>>) dst(%dma_wait3A_173 : memref<10240x64xbf16, #tpu.memory_space<vmem_shared>>)
      %add3A_176 = arith.constant 2 : i32
      %add3A_177 = arith.addi %add3A_99, %add3A_176 : i32
      %lt3A = arith.constant 80 : i32
      %lt3A_178 = arith.cmpi slt, %add3A_177, %lt3A : i32
      %convert_element_type3A = arith.extui %lt3A_178 : i1 to i32
      %cond3A = arith.constant 0 : i32
      %cond3A_179 = arith.cmpi ne, %convert_element_type3A, %cond3A : i32
      scf.if %cond3A_179 {
        %add3A_203 = arith.constant 2 : i32
        %add3A_204 = arith.addi %add3A_161, %add3A_203 : i32
        %dma_start3A_205 = arith.constant 0 : i32
        %dma_start3A_206 = arith.constant 0 : i32
        %dma_start3A_207 = arith.constant 0 : i32
        %dma_start3A_208 = arith.constant 0 : i32
        %dma_start3A_209 = tpu.memref_slice %arg8[%dma_start3A_205, %dma_start3A_207, %dma_start3A_208] : memref<2x128x64xbf16, #tpu.memory_space<vmem>> -> memref<1x128x64xbf16, #tpu.memory_space<vmem>>
        %dma_start3A_210 = tpu.memref_squeeze %dma_start3A_209 : memref<1x128x64xbf16, #tpu.memory_space<vmem>> -> memref<128x64xbf16, #tpu.memory_space<vmem>>
        %dma_start3A_211 = arith.constant 0 : i32
        %dma_start3A_212 = tpu.memref_slice %arg6[%add3A_204, %dma_start3A_211] : memref<80x128xi32, #tpu.memory_space<vmem>> -> memref<1x128xi32, #tpu.memory_space<vmem>>
        %dma_start3A_213 = tpu.memref_squeeze %dma_start3A_212 : memref<1x128xi32, #tpu.memory_space<vmem>> -> memref<128xi32, #tpu.memory_space<vmem>>
        %dma_start3A_214 = arith.constant 0 : i32
        %dma_start3A_215 = arith.constant 0 : i32
        %dma_start3A_216 = tpu.memref_slice %arg10[%dma_start3A_214, %dma_start3A_215] : memref<10240x64xbf16, #tpu.memory_space<vmem_shared>> -> memref<10240x64xbf16, #tpu.memory_space<vmem_shared>>
        %dma_start3A_217 = tpu.memref_slice %arg12[%dma_start3A_206] : memref<2x!tpu.dma_semaphore, #tpu.memory_space<semaphore_mem>> -> memref<1x!tpu.dma_semaphore, #tpu.memory_space<semaphore_mem>>
        %dma_start3A_218 = tpu.memref_squeeze %dma_start3A_217 : memref<1x!tpu.dma_semaphore, #tpu.memory_space<semaphore_mem>> -> memref<!tpu.dma_semaphore, #tpu.memory_space<semaphore_mem>>
        tpu.enqueue_indirect_dma source(%dma_start3A_216 : memref<10240x64xbf16, #tpu.memory_space<vmem_shared>>) target(%dma_start3A_210 : memref<128x64xbf16, #tpu.memory_space<vmem>>) offsets(%dma_start3A_213 : memref<128xi32, #tpu.memory_space<vmem>>) semaphore(%dma_start3A_218 : memref<!tpu.dma_semaphore, #tpu.memory_space<semaphore_mem>>)
      } else {
      }
      %add3A_180 = arith.constant 1 : i32
      %add3A_181 = arith.addi %add3A_99, %add3A_180 : i32
      %dma_wait3A_182 = arith.constant 1 : i32
      %dma_wait3A_183 = arith.constant 1 : i32
      %dma_wait3A_184 = arith.constant 0 : i32
      %dma_wait3A_185 = arith.constant 0 : i32
      %dma_wait3A_186 = tpu.memref_slice %arg8[%dma_wait3A_182, %dma_wait3A_184, %dma_wait3A_185] : memref<2x128x64xbf16, #tpu.memory_space<vmem>> -> memref<1x128x64xbf16, #tpu.memory_space<vmem>>
      %dma_wait3A_187 = tpu.memref_squeeze %dma_wait3A_186 : memref<1x128x64xbf16, #tpu.memory_space<vmem>> -> memref<128x64xbf16, #tpu.memory_space<vmem>>
      %dma_wait3A_188 = arith.constant 0 : i32
      %dma_wait3A_189 = tpu.memref_slice %arg7[%add3A_181, %dma_wait3A_188] : memref<80x128xi32, #tpu.memory_space<vmem>> -> memref<1x128xi32, #tpu.memory_space<vmem>>
      %dma_wait3A_190 = tpu.memref_squeeze %dma_wait3A_189 : memref<1x128xi32, #tpu.memory_space<vmem>> -> memref<128xi32, #tpu.memory_space<vmem>>
      %dma_wait3A_191 = arith.constant 0 : i32
      %dma_wait3A_192 = arith.constant 0 : i32
      %dma_wait3A_193 = tpu.memref_slice %arg11[%dma_wait3A_191, %dma_wait3A_192] : memref<10240x64xbf16, #tpu.memory_space<vmem_shared>> -> memref<10240x64xbf16, #tpu.memory_space<vmem_shared>>
      %dma_wait3A_194 = tpu.memref_slice %arg13[%dma_wait3A_183] : memref<2x!tpu.dma_semaphore, #tpu.memory_space<semaphore_mem>> -> memref<1x!tpu.dma_semaphore, #tpu.memory_space<semaphore_mem>>
      %dma_wait3A_195 = tpu.memref_squeeze %dma_wait3A_194 : memref<1x!tpu.dma_semaphore, #tpu.memory_space<semaphore_mem>> -> memref<!tpu.dma_semaphore, #tpu.memory_space<semaphore_mem>>
      tpu.wait_indirect_dma semaphore(%dma_wait3A_195 : memref<!tpu.dma_semaphore, #tpu.memory_space<semaphore_mem>>) src(%dma_wait3A_187 : memref<128x64xbf16, #tpu.memory_space<vmem>>) dst(%dma_wait3A_193 : memref<10240x64xbf16, #tpu.memory_space<vmem_shared>>)
      %add3A_196 = arith.constant 2 : i32
      %add3A_197 = arith.addi %add3A_99, %add3A_196 : i32
      %lt3A_198 = arith.constant 80 : i32
      %lt3A_199 = arith.cmpi slt, %add3A_197, %lt3A_198 : i32
      %convert_element_type3A_200 = arith.extui %lt3A_199 : i1 to i32
      %cond3A_201 = arith.constant 0 : i32
      %cond3A_202 = arith.cmpi ne, %convert_element_type3A_200, %cond3A_201 : i32
      scf.if %cond3A_202 {
        %add3A_203 = arith.constant 2 : i32
        %add3A_204 = arith.addi %add3A_181, %add3A_203 : i32
        %dma_start3A_205 = arith.constant 1 : i32
        %dma_start3A_206 = arith.constant 1 : i32
        %dma_start3A_207 = arith.constant 0 : i32
        %dma_start3A_208 = arith.constant 0 : i32
        %dma_start3A_209 = tpu.memref_slice %arg8[%dma_start3A_205, %dma_start3A_207, %dma_start3A_208] : memref<2x128x64xbf16, #tpu.memory_space<vmem>> -> memref<1x128x64xbf16, #tpu.memory_space<vmem>>
        %dma_start3A_210 = tpu.memref_squeeze %dma_start3A_209 : memref<1x128x64xbf16, #tpu.memory_space<vmem>> -> memref<128x64xbf16, #tpu.memory_space<vmem>>
        %dma_start3A_211 = arith.constant 0 : i32
        %dma_start3A_212 = tpu.memref_slice %arg6[%add3A_204, %dma_start3A_211] : memref<80x128xi32, #tpu.memory_space<vmem>> -> memref<1x128xi32, #tpu.memory_space<vmem>>
        %dma_start3A_213 = tpu.memref_squeeze %dma_start3A_212 : memref<1x128xi32, #tpu.memory_space<vmem>> -> memref<128xi32, #tpu.memory_space<vmem>>
        %dma_start3A_214 = arith.constant 0 : i32
        %dma_start3A_215 = arith.constant 0 : i32
        %dma_start3A_216 = tpu.memref_slice %arg10[%dma_start3A_214, %dma_start3A_215] : memref<10240x64xbf16, #tpu.memory_space<vmem_shared>> -> memref<10240x64xbf16, #tpu.memory_space<vmem_shared>>
        %dma_start3A_217 = tpu.memref_slice %arg12[%dma_start3A_206] : memref<2x!tpu.dma_semaphore, #tpu.memory_space<semaphore_mem>> -> memref<1x!tpu.dma_semaphore, #tpu.memory_space<semaphore_mem>>
        %dma_start3A_218 = tpu.memref_squeeze %dma_start3A_217 : memref<1x!tpu.dma_semaphore, #tpu.memory_space<semaphore_mem>> -> memref<!tpu.dma_semaphore, #tpu.memory_space<semaphore_mem>>
        tpu.enqueue_indirect_dma source(%dma_start3A_216 : memref<10240x64xbf16, #tpu.memory_space<vmem_shared>>) target(%dma_start3A_210 : memref<128x64xbf16, #tpu.memory_space<vmem>>) offsets(%dma_start3A_213 : memref<128xi32, #tpu.memory_space<vmem>>) semaphore(%dma_start3A_218 : memref<!tpu.dma_semaphore, #tpu.memory_space<semaphore_mem>>)
      } else {
      }
    }
    %scan3A_89 = arith.constant 40 : i32
    %barrier3A_90 = arith.constant 0 : index
    tpu.barrier barrier_id(%barrier3A_90)
    %mul3A_91 = arith.constant 640 : i32
    %mul3A_92 = arith.muli %arg1, %mul3A_91 : i32
    %mul3A_93 = arith.constant 640 : i32
    %mul3A_94 = arith.muli %arg1, %mul3A_93 : i32
    "tpu.region"() ({
      %run_scoped3A = tpu.sem_alloc : memref<!tpu.dma_semaphore, #tpu.memory_space<semaphore_mem>>
      %dma_start3A_95 = arith.constant 0 : i32
      %dma_start3A_96 = tpu.memref_slice %arg5[%arg0, %mul3A_94, %dma_start3A_95] : memref<2x10240x64xbf16, #tpu.memory_space<hbm>> -> memref<1x640x64xbf16, #tpu.memory_space<hbm>>
      %dma_start3A_97 = tpu.memref_squeeze %dma_start3A_96 : memref<1x640x64xbf16, #tpu.memory_space<hbm>> -> memref<640x64xbf16, #tpu.memory_space<hbm>>
      %dma_start3A_98 = arith.constant 0 : i32
      %dma_start3A_99 = tpu.memref_slice %arg11[%mul3A_92, %dma_start3A_98] : memref<10240x64xbf16, #tpu.memory_space<vmem_shared>> -> memref<640x64xbf16, #tpu.memory_space<vmem_shared>>
      tpu.enqueue_dma source(%dma_start3A_99 : memref<640x64xbf16, #tpu.memory_space<vmem_shared>>) target(%dma_start3A_97 : memref<640x64xbf16, #tpu.memory_space<hbm>>) target_semaphore(%run_scoped3A : memref<!tpu.dma_semaphore, #tpu.memory_space<semaphore_mem>>)
      %dma_wait3A_100 = arith.constant 0 : i32
      %dma_wait3A_101 = tpu.memref_slice %arg5[%arg0, %mul3A_94, %dma_wait3A_100] : memref<2x10240x64xbf16, #tpu.memory_space<hbm>> -> memref<1x640x64xbf16, #tpu.memory_space<hbm>>
      %dma_wait3A_102 = tpu.memref_squeeze %dma_wait3A_101 : memref<1x640x64xbf16, #tpu.memory_space<hbm>> -> memref<640x64xbf16, #tpu.memory_space<hbm>>
      %dma_wait3A_103 = arith.constant 0 : i32
      %dma_wait3A_104 = tpu.memref_slice %arg11[%mul3A_92, %dma_wait3A_103] : memref<10240x64xbf16, #tpu.memory_space<vmem_shared>> -> memref<640x64xbf16, #tpu.memory_space<vmem_shared>>
      tpu.wait_dma2 semaphore(%run_scoped3A : memref<!tpu.dma_semaphore, #tpu.memory_space<semaphore_mem>>) src(%dma_wait3A_104 : memref<640x64xbf16, #tpu.memory_space<vmem_shared>>) dst(%dma_wait3A_102 : memref<640x64xbf16, #tpu.memory_space<hbm>>)
      tpu.yield
    }) : () -> ()
    return
  }
}

module attributes {stable_mosaic.version = 14 : i64} {
  func.func @_tc_first_body(%arg0: memref<10000x128xf32, #tpu.memory_space<vmem>>, %arg1: memref<64x128xf32, #tpu.memory_space<vmem>>, %arg2: memref<64x128xf32, #tpu.memory_space<vmem>>, %arg3: memref<1x64xf32, #tpu.memory_space<vmem>>, %arg4: memref<10240x64xbf16, #tpu.memory_space<vmem>>, %arg5: memref<10000x64xf32, #tpu.memory_space<vmem>>) attributes {dimension_semantics = [], scalar_prefetch = 0 : i64, scratch_operands = 0 : i64, tpu.core_type = #tpu.core_type<tc>} {
    %get3A = arith.constant 0 : index
    %get3A_0 = arith.constant 0 : index
    %get3A_1 = vector.load %arg0[%get3A, %get3A_0] : memref<10000x128xf32, #tpu.memory_space<vmem>>, vector<10000x128xf32>
    %get3A_2 = arith.constant 0 : index
    %get3A_3 = arith.constant 0 : index
    %get3A_4 = vector.load %arg1[%get3A_2, %get3A_3] : memref<64x128xf32, #tpu.memory_space<vmem>>, vector<64x128xf32>
    %dot_general3A = arith.constant dense<0.000000e+00> : vector<10000x64xf32>
    %dot_general3A_5 = tpu.matmul %get3A_1, %get3A_4, %dot_general3A {dimension_numbers = #tpu.dot_dimension_numbers<[1], [1], [0], [0], [0, 0, 1, 0], [], []>, transpose_lhs_hint = false} : vector<10000x128xf32>, vector<64x128xf32>, vector<10000x64xf32> -> vector<10000x64xf32>
    %convert_element_type3A = arith.truncf %dot_general3A_5 : vector<10000x64xf32> to vector<10000x64xbf16>
    %swap3A = arith.constant 0 : index
    %swap3A_6 = arith.constant 0 : index
    %swap3A_7 = vector.load %arg4[%swap3A, %swap3A_6] : memref<10240x64xbf16, #tpu.memory_space<vmem>>, vector<10000x64xbf16>
    tpu.vector_store %arg4[%swap3A, %swap3A_6], %convert_element_type3A {strides = array<i32>} : memref<10240x64xbf16, #tpu.memory_space<vmem>>, vector<10000x64xbf16>,
    %broadcast_in_dim3A = arith.constant 0.000000e+00 : bf16
    %broadcast_in_dim3A_8 = vector.broadcast %broadcast_in_dim3A : bf16 to vector<240x64xbf16>
    %swap3A_9 = arith.constant 10000 : index
    %swap3A_10 = arith.constant 0 : index
    %swap3A_11 = vector.load %arg4[%swap3A_9, %swap3A_10] : memref<10240x64xbf16, #tpu.memory_space<vmem>>, vector<240x64xbf16>
    tpu.vector_store %arg4[%swap3A_9, %swap3A_10], %broadcast_in_dim3A_8 {strides = array<i32>} : memref<10240x64xbf16, #tpu.memory_space<vmem>>, vector<240x64xbf16>,
    %get3A_12 = arith.constant 0 : index
    %get3A_13 = arith.constant 0 : index
    %get3A_14 = vector.load %arg2[%get3A_12, %get3A_13] : memref<64x128xf32, #tpu.memory_space<vmem>>, vector<64x128xf32>
    %dot_general3A_15 = arith.constant dense<0.000000e+00> : vector<10000x64xf32>
    %dot_general3A_16 = tpu.matmul %get3A_1, %get3A_14, %dot_general3A_15 {dimension_numbers = #tpu.dot_dimension_numbers<[1], [1], [0], [0], [0, 0, 1, 0], [], []>, transpose_lhs_hint = false} : vector<10000x128xf32>, vector<64x128xf32>, vector<10000x64xf32> -> vector<10000x64xf32>
    %get3A_17 = arith.constant 0 : index
    %get3A_18 = arith.constant 0 : index
    %get3A_19 = vector.load %arg3[%get3A_17, %get3A_18] : memref<1x64xf32, #tpu.memory_space<vmem>>, vector<1x64xf32>
    %add3A = vector.broadcast %get3A_19 : vector<1x64xf32> to vector<10000x64xf32>
    %add3A_20 = arith.addf %dot_general3A_16, %add3A : vector<10000x64xf32>
    %swap3A_21 = arith.constant 0 : index
    %swap3A_22 = arith.constant 0 : index
    %swap3A_23 = vector.load %arg5[%swap3A_21, %swap3A_22] : memref<10000x64xf32, #tpu.memory_space<vmem>>, vector<10000x64xf32>
    tpu.vector_store %arg5[%swap3A_21, %swap3A_22], %add3A_20 {strides = array<i32>} : memref<10000x64xf32, #tpu.memory_space<vmem>>, vector<10000x64xf32>,
    return
  }
}

module attributes {stable_mosaic.version = 14 : i64} {
  func.func @_tc_mid_body(%arg0: memref<2x10240x64xbf16, #tpu.memory_space<vmem>>, %arg1: memref<10000x64xf32, #tpu.memory_space<vmem>>, %arg2: memref<64x64xf32, #tpu.memory_space<vmem>>, %arg3: memref<64x64xf32, #tpu.memory_space<vmem>>, %arg4: memref<1x64xf32, #tpu.memory_space<vmem>>, %arg5: memref<10240x64xbf16, #tpu.memory_space<vmem>>, %arg6: memref<10000x64xf32, #tpu.memory_space<vmem>>) attributes {dimension_semantics = [], scalar_prefetch = 0 : i64, scratch_operands = 0 : i64, tpu.core_type = #tpu.core_type<tc>} {
    %get3A = arith.constant 0 : index
    %get3A_0 = arith.constant 0 : index
    %get3A_1 = arith.constant 0 : index
    %get3A_2 = vector.load %arg0[%get3A, %get3A_0, %get3A_1] : memref<2x10240x64xbf16, #tpu.memory_space<vmem>>, vector<1x10000x64xbf16>
    %get3A_3 = vector.shape_cast %get3A_2 : vector<1x10000x64xbf16> to vector<10000x64xbf16>
    %convert_element_type3A = arith.extf %get3A_3 : vector<10000x64xbf16> to vector<10000x64xf32>
    %get3A_4 = arith.constant 1 : index
    %get3A_5 = arith.constant 0 : index
    %get3A_6 = arith.constant 0 : index
    %get3A_7 = vector.load %arg0[%get3A_4, %get3A_5, %get3A_6] : memref<2x10240x64xbf16, #tpu.memory_space<vmem>>, vector<1x10000x64xbf16>
    %get3A_8 = vector.shape_cast %get3A_7 : vector<1x10000x64xbf16> to vector<10000x64xbf16>
    %convert_element_type3A_9 = arith.extf %get3A_8 : vector<10000x64xbf16> to vector<10000x64xf32>
    %add3A = arith.addf %convert_element_type3A, %convert_element_type3A_9 : vector<10000x64xf32>
    %get3A_10 = arith.constant 0 : index
    %get3A_11 = arith.constant 0 : index
    %get3A_12 = vector.load %arg1[%get3A_10, %get3A_11] : memref<10000x64xf32, #tpu.memory_space<vmem>>, vector<10000x64xf32>
    %add3A_13 = arith.addf %add3A, %get3A_12 : vector<10000x64xf32>
    %max3A = arith.constant 0.000000e+00 : f32
    %max3A_14 = vector.broadcast %max3A : f32 to vector<10000x64xf32>
    %max3A_15 = arith.maximumf %add3A_13, %max3A_14 : vector<10000x64xf32>
    %get3A_16 = arith.constant 0 : index
    %get3A_17 = arith.constant 0 : index
    %get3A_18 = vector.load %arg2[%get3A_16, %get3A_17] : memref<64x64xf32, #tpu.memory_space<vmem>>, vector<64x64xf32>
    %dot_general3A = arith.constant dense<0.000000e+00> : vector<10000x64xf32>
    %dot_general3A_19 = tpu.matmul %max3A_15, %get3A_18, %dot_general3A {dimension_numbers = #tpu.dot_dimension_numbers<[1], [1], [0], [0], [0, 0, 1, 0], [], []>, transpose_lhs_hint = false} : vector<10000x64xf32>, vector<64x64xf32>, vector<10000x64xf32> -> vector<10000x64xf32>
    %convert_element_type3A_20 = arith.truncf %dot_general3A_19 : vector<10000x64xf32> to vector<10000x64xbf16>
    %swap3A = arith.constant 0 : index
    %swap3A_21 = arith.constant 0 : index
    %swap3A_22 = vector.load %arg5[%swap3A, %swap3A_21] : memref<10240x64xbf16, #tpu.memory_space<vmem>>, vector<10000x64xbf16>
    tpu.vector_store %arg5[%swap3A, %swap3A_21], %convert_element_type3A_20 {strides = array<i32>} : memref<10240x64xbf16, #tpu.memory_space<vmem>>, vector<10000x64xbf16>,
    %broadcast_in_dim3A = arith.constant 0.000000e+00 : bf16
    %broadcast_in_dim3A_23 = vector.broadcast %broadcast_in_dim3A : bf16 to vector<240x64xbf16>
    %swap3A_24 = arith.constant 10000 : index
    %swap3A_25 = arith.constant 0 : index
    %swap3A_26 = vector.load %arg5[%swap3A_24, %swap3A_25] : memref<10240x64xbf16, #tpu.memory_space<vmem>>, vector<240x64xbf16>
    tpu.vector_store %arg5[%swap3A_24, %swap3A_25], %broadcast_in_dim3A_23 {strides = array<i32>} : memref<10240x64xbf16, #tpu.memory_space<vmem>>, vector<240x64xbf16>,
    %get3A_27 = arith.constant 0 : index
    %get3A_28 = arith.constant 0 : index
    %get3A_29 = vector.load %arg3[%get3A_27, %get3A_28] : memref<64x64xf32, #tpu.memory_space<vmem>>, vector<64x64xf32>
    %dot_general3A_30 = arith.constant dense<0.000000e+00> : vector<10000x64xf32>
    %dot_general3A_31 = tpu.matmul %max3A_15, %get3A_29, %dot_general3A_30 {dimension_numbers = #tpu.dot_dimension_numbers<[1], [1], [0], [0], [0, 0, 1, 0], [], []>, transpose_lhs_hint = false} : vector<10000x64xf32>, vector<64x64xf32>, vector<10000x64xf32> -> vector<10000x64xf32>
    %get3A_32 = arith.constant 0 : index
    %get3A_33 = arith.constant 0 : index
    %get3A_34 = vector.load %arg4[%get3A_32, %get3A_33] : memref<1x64xf32, #tpu.memory_space<vmem>>, vector<1x64xf32>
    %add3A_35 = vector.broadcast %get3A_34 : vector<1x64xf32> to vector<10000x64xf32>
    %add3A_36 = arith.addf %dot_general3A_31, %add3A_35 : vector<10000x64xf32>
    %swap3A_37 = arith.constant 0 : index
    %swap3A_38 = arith.constant 0 : index
    %swap3A_39 = vector.load %arg6[%swap3A_37, %swap3A_38] : memref<10000x64xf32, #tpu.memory_space<vmem>>, vector<10000x64xf32>
    tpu.vector_store %arg6[%swap3A_37, %swap3A_38], %add3A_36 {strides = array<i32>} : memref<10000x64xf32, #tpu.memory_space<vmem>>, vector<10000x64xf32>,
    return
  }
}

module attributes {stable_mosaic.version = 14 : i64} {
  func.func @_tc_final_body(%arg0: memref<2x10240x64xbf16, #tpu.memory_space<vmem>>, %arg1: memref<10000x64xf32, #tpu.memory_space<vmem>>, %arg2: memref<1x10000xi32, #tpu.memory_space<vmem>>, %arg3: memref<128x64xf32, #tpu.memory_space<vmem>>, %arg4: memref<128xf32, #tpu.memory_space<vmem>>, %arg5: memref<64x128xf32, #tpu.memory_space<vmem>>) attributes {dimension_semantics = [], scalar_prefetch = 0 : i64, scratch_operands = 0 : i64, tpu.core_type = #tpu.core_type<tc>} {
    %get3A = arith.constant 0 : index
    %get3A_0 = arith.constant 0 : index
    %get3A_1 = arith.constant 0 : index
    %get3A_2 = vector.load %arg0[%get3A, %get3A_0, %get3A_1] : memref<2x10240x64xbf16, #tpu.memory_space<vmem>>, vector<1x10000x64xbf16>
    %get3A_3 = vector.shape_cast %get3A_2 : vector<1x10000x64xbf16> to vector<10000x64xbf16>
    %convert_element_type3A = arith.extf %get3A_3 : vector<10000x64xbf16> to vector<10000x64xf32>
    %get3A_4 = arith.constant 1 : index
    %get3A_5 = arith.constant 0 : index
    %get3A_6 = arith.constant 0 : index
    %get3A_7 = vector.load %arg0[%get3A_4, %get3A_5, %get3A_6] : memref<2x10240x64xbf16, #tpu.memory_space<vmem>>, vector<1x10000x64xbf16>
    %get3A_8 = vector.shape_cast %get3A_7 : vector<1x10000x64xbf16> to vector<10000x64xbf16>
    %convert_element_type3A_9 = arith.extf %get3A_8 : vector<10000x64xbf16> to vector<10000x64xf32>
    %add3A = arith.addf %convert_element_type3A, %convert_element_type3A_9 : vector<10000x64xf32>
    %get3A_10 = arith.constant 0 : index
    %get3A_11 = arith.constant 0 : index
    %get3A_12 = vector.load %arg1[%get3A_10, %get3A_11] : memref<10000x64xf32, #tpu.memory_space<vmem>>, vector<10000x64xf32>
    %add3A_13 = arith.addf %add3A, %get3A_12 : vector<10000x64xf32>
    %iota3A = tpu.iota {dimensions = array<i32: 0>} : vector<64x10000xi32>
    %get3A_14 = arith.constant 0 : index
    %get3A_15 = arith.constant 0 : index
    %get3A_16 = vector.load %arg2[%get3A_14, %get3A_15] : memref<1x10000xi32, #tpu.memory_space<vmem>>, vector<1x10000xi32>
    %eq3A = vector.broadcast %get3A_16 : vector<1x10000xi32> to vector<64x10000xi32>
    %eq3A_17 = arith.cmpi eq, %eq3A, %iota3A : vector<64x10000xi32>
    %convert_element_type3A_18 = arith.extui %eq3A_17 : vector<64x10000xi1> to vector<64x10000xi32>
    %convert_element_type3A_19 = arith.sitofp %convert_element_type3A_18 : vector<64x10000xi32> to vector<64x10000xf32>
    %dot_general3A = arith.constant dense<0.000000e+00> : vector<64x64xf32>
    %dot_general3A_20 = tpu.matmul %convert_element_type3A_19, %add3A_13, %dot_general3A {dimension_numbers = #tpu.dot_dimension_numbers<[1], [0], [0], [1], [0, 0, 1, 1], [], []>, transpose_lhs_hint = false} : vector<64x10000xf32>, vector<10000x64xf32>, vector<64x64xf32> -> vector<64x64xf32>
    %reduce_sum3A = arith.constant dense<0.000000e+00> : vector<64xf32>
    %reduce_sum3A_21 = vector.multi_reduction <add>, %convert_element_type3A_19, %reduce_sum3A [1] : vector<64x10000xf32> to vector<64xf32>
    %broadcast_in_dim3A = vector.shape_cast %reduce_sum3A_21 : vector<64xf32> to vector<64x1xf32>
    %max3A = arith.constant 1.000000e+00 : f32
    %max3A_22 = vector.broadcast %max3A : f32 to vector<64x1xf32>
    %max3A_23 = arith.maximumf %broadcast_in_dim3A, %max3A_22 : vector<64x1xf32>
    %div3A = vector.broadcast %max3A_23 : vector<64x1xf32> to vector<64x64xf32>
    %div3A_24 = arith.divf %dot_general3A_20, %div3A : vector<64x64xf32>
    %get3A_25 = arith.constant 0 : index
    %get3A_26 = arith.constant 0 : index
    %get3A_27 = vector.load %arg3[%get3A_25, %get3A_26] : memref<128x64xf32, #tpu.memory_space<vmem>>, vector<128x64xf32>
    %dot_general3A_28 = arith.constant dense<0.000000e+00> : vector<64x128xf32>
    %dot_general3A_29 = tpu.matmul %div3A_24, %get3A_27, %dot_general3A_28 {dimension_numbers = #tpu.dot_dimension_numbers<[1], [1], [0], [0], [0, 0, 1, 0], [], []>, transpose_lhs_hint = false} : vector<64x64xf32>, vector<128x64xf32>, vector<64x128xf32> -> vector<64x128xf32>
    %get3A_30 = arith.constant 0 : index
    %get3A_31 = vector.load %arg4[%get3A_30] : memref<128xf32, #tpu.memory_space<vmem>>, vector<128xf32>
    %broadcast_in_dim3A_32 = vector.shape_cast %get3A_31 : vector<128xf32> to vector<1x128xf32>
    %add3A_33 = vector.broadcast %broadcast_in_dim3A_32 : vector<1x128xf32> to vector<64x128xf32>
    %add3A_34 = arith.addf %dot_general3A_29, %add3A_33 : vector<64x128xf32>
    %swap3A = arith.constant 0 : index
    %swap3A_35 = arith.constant 0 : index
    %swap3A_36 = vector.load %arg5[%swap3A, %swap3A_35] : memref<64x128xf32, #tpu.memory_space<vmem>>, vector<64x128xf32>
    tpu.vector_store %arg5[%swap3A, %swap3A_35], %add3A_34 {strides = array<i32>} : memref<64x128xf32, #tpu.memory_space<vmem>>, vector<64x128xf32>,
    return
  }
}

</mosaic_0001>

<sc_bundles>
// kernel: kernel.12.cloned.1.call-start
scs
__scs_entry_jumppad:
0x0: {  	(pc) =	sbr.rel $0x88, $3  }
0x1: {  	(tag) =	ssettag $0x0;
	lr =	simm.s32 $0x1  }
0x2: {  	[smem:$0x3F93] =	sst lr;
	_ =	strace $0xD0000000  }
0x3: {  	_ = 	snop  }
0x4: {  	_ = 	snop  }
0x5: {  	_ = 	snop  }
0x6: {  	_ = 	snop  }
0x7: {  	_ = 	snop  }
__scs_overlays_trampoline_lowered:
0x8: {  	[smem:$0x3FA2] =	sst s0  }
0x9: {  	[smem:$0x3FA3] =	sst s1  }
0xa: {  	[smem:$0x3FA4] =	sst s2  }
0xb: {  	[smem:$0x3FA5] =	sst s3  }
0xc: {  	[smem:$0x3FA6] =	sst s4  }
0xd: {  	[smem:$0x3FA7] =	sst s5  }
0xe: {  	[smem:$0x3FA8] =	sst s6  }
0xf: {  	[smem:$0x3FA9] =	sst s7  }
0x10: {  	[smem:$0x3FAA] =	sst s8  }
0x11: {  	[smem:$0x3FAB] =	sst s9;
	s0 =	simm.s32 @!p0 $0x0  }
0x12: {  	s1 =	sld [smem:$0x3F91];
	s0 =	simm.s32 @p0 $0x1  }
0x13: {  	[smem:$0x3FAC] =	sst s0;
	s0 =	simm.s32 @!p1 $0x0  }
0x14: {  	s2 =	sld [smem:$0x3F90];
	s0 =	simm.s32 @p1 $0x1  }
0x15: {  	[smem:$0x3FAD] =	sst s0;
	s0 =	simm.s32 @!p2 $0x0  }
0x16: {  	s3 =	sld [smem:$0x3FDB];
	s0 =	simm.s32 @p2 $0x1  }
0x17: {  	s4 =	simm.s32 $0x1BF5;
	[smem:$0x3FAF] =	sst s0  }
0x18: {  	s0 =	sld [smem:$0x3F92];
	_ =	swait.ge [sflag:s4], $0x0  }
0x19: {  	s7 =	sld [smem:$0x3F93]  }
0x1a: {  	s8 =	sadd.s32 $0xFFFFE003, lr  }
0x1b: {  	s9 =	sadd.s32 $0xFFFFFEF7, lr;
	s5 =	simm.s32 $0xFFFFFFFF;
	p2 =	slt.u32 s8, $0xFFFFF086  }
0x1c: {  	p1 =	slt.u32 s9, $0xF7A;
	s5 =	simm.s32 @!p2 $0x0  }
0x1d: {  	s5 =	simm.s32 @p1 $0x1;
	p0 =	seq.s32 s7, s2  }
0x1e: {  	s7 =	smul.u32 @!p0 $0xF7A, s2;
	p2 =	seq.s32 @!p0 s5, $0x0  }
0x1f: {  	s9 =	smul.u32 $0xF7A, s1;
	s8 =	simm.s32 @!p0 $0x1BF5;
	p2 =	por !p2, p0  }
0x20: {  	[sflag:s8] =	ssyncset.s32 @!p0 $0xFFFFF086;
	s6 =	sadd.s32 @!p0 s3, s7;
	s7 =	simm.s32 @!p0 $0x108  }
0x21: {  	s3 =	sadd.s32 s3, s9;
	s6 =	sadd.s32 @!p0 $0x88, s6;
	s7 =	simm.s32 @p2 $0x1082  }
0x22: {  	[simem:s7], [sflag:s8] =	dma.local @!p0 [hbm:s6], $0xF7A  }
0x23: {  	s9 =	sor.u32 $0xD0000000, s2;
	s6 =	simm.s32 $0x108;
	_ =	swait.ge @!p0 [sflag:s8], $0x0  }
0x24: {  	s3 =	sadd.s32 $0x88, s3;
	s6 =	simm.s32 @!p1 $0x1082;
	[sflag:s4] =	ssyncset.s32 $0xFFFFF086  }
0x25: {  	[simem:s6], [sflag:s4] =	dma.local [hbm:s3], $0xF7A  }
0x26: {  	[smem:$0x3F93] =	sst s1;
	(tag) =	ssettag s2;
	_ =	strace s9  }
0x27: {  	s1 =	sld [smem:$0x3FA3]  }
0x28: {  	s2 =	sld [smem:$0x3FA4]  }
0x29: {  	s4 =	sld [smem:$0x3FA6]  }
0x2a: {  	p0 =	seq.s32 s5, $0x0;
	s5 =	sld [smem:$0x3FA7]  }
0x2b: {  	s6 =	sld [smem:$0x3FA8]  }
0x2c: {  	s7 =	sld [smem:$0x3FA9]  }
0x2d: {  	s3 =	simm.s32 $0x108;
	s8 =	sld [smem:$0x3FAA]  }
0x2e: {  	s3 =	simm.s32 @!p0 $0x1082;
	s9 =	sld [smem:$0x3FAB]  }
0x2f: {  	lr =	sadd.s32 s0, s3;
	s0 =	sld [smem:$0x3FA2]  }
0x30: {  	s3 =	sld [smem:$0x3FA5]  }
0x31: {  	[smem:$0x3FAE] =	sst s10  }
0x32: {  	s10 =	sld [smem:$0x3FAC];
	_ =	sdelay $0x3  }
0x33: {  	p0 =	seq.s32 s10, $0x1;
	s10 =	sld [smem:$0x3FAE];
	_ =	sdelay $0x3  }
0x34: {  	[smem:$0x3FAE] =	sst s10  }
0x35: {  	s10 =	sld [smem:$0x3FAD];
	_ =	sdelay $0x3  }
0x36: {  	p1 =	seq.s32 s10, $0x1;
	s10 =	sld [smem:$0x3FAE];
	_ =	sdelay $0x3  }
0x37: {  	[smem:$0x3FAE] =	sst s10  }
0x38: {  	s10 =	sld [smem:$0x3FAF]  }
0x39: {  	_ = 	snop;
	(pc) =	sbr.ind lr, $3  }
0x3a: {  	_ = 	snop  }
0x3b: {  	_ = 	snop  }
0x3c: {  	p2 =	seq.s32 s10, $0x1;
	s10 =	sld [smem:$0x3FAE]  }
0x3d: {  	_ =	shalt  }
0x3e: {  	_ =	shalt  }
0x3f: {  	_ =	shalt  }
0x40: {  	_ =	shalt  }
0x41: {  	_ =	shalt  }
0x42: {  	_ =	shalt  }
0x43: {  	_ =	shalt  }
0x44: {  	_ =	shalt  }
0x45: {  	_ =	shalt  }
0x46: {  	_ =	shalt  }
0x47: {  	_ =	shalt  }
0x48: {  	_ =	shalt  }
0x49: {  	_ =	shalt  }
0x4a: {  	_ =	shalt  }
0x4b: {  	_ =	shalt  }
0x4c: {  	_ =	shalt  }
0x4d: {  	_ =	shalt  }
0x4e: {  	_ =	shalt  }
0x4f: {  	_ =	shalt  }
0x50: {  	_ =	shalt  }
0x51: {  	_ =	shalt  }
0x52: {  	_ =	shalt  }
0x53: {  	_ =	shalt  }
0x54: {  	_ =	shalt  }
0x55: {  	_ =	shalt  }
0x56: {  	_ =	shalt  }
0x57: {  	_ =	shalt  }
0x58: {  	_ =	shalt  }
0x59: {  	_ =	shalt  }
0x5a: {  	_ =	shalt  }
0x5b: {  	_ =	shalt  }
0x5c: {  	_ =	shalt  }
0x5d: {  	_ =	shalt  }
0x5e: {  	_ =	shalt  }
0x5f: {  	_ =	shalt  }
0x60: {  	_ =	shalt  }
0x61: {  	_ =	shalt  }
0x62: {  	_ =	shalt  }
0x63: {  	_ =	shalt  }
0x64: {  	_ =	shalt  }
0x65: {  	_ =	shalt  }
0x66: {  	_ =	shalt  }
0x67: {  	_ =	shalt  }
0x68: {  	_ =	shalt  }
0x69: {  	_ =	shalt  }
0x6a: {  	_ =	shalt  }
0x6b: {  	_ =	shalt  }
0x6c: {  	_ =	shalt  }
0x6d: {  	_ =	shalt  }
0x6e: {  	_ =	shalt  }
0x6f: {  	_ =	shalt  }
0x70: {  	_ =	shalt  }
0x71: {  	_ =	shalt  }
0x72: {  	_ =	shalt  }
0x73: {  	_ =	shalt  }
0x74: {  	_ =	shalt  }
0x75: {  	_ =	shalt  }
0x76: {  	_ =	shalt  }
0x77: {  	_ =	shalt  }
0x78: {  	_ =	shalt  }
0x79: {  	_ =	shalt  }
0x7a: {  	_ =	shalt  }
0x7b: {  	_ =	shalt  }
0x7c: {  	_ =	shalt  }
0x7d: {  	_ =	shalt  }
0x7e: {  	_ =	shalt  }
0x7f: {  	_ =	shalt  }
0x80: {  	_ =	shalt  }
0x81: {  	_ =	shalt  }
0x82: {  	_ =	shalt  }
0x83: {  	_ =	shalt  }
0x84: {  	_ =	shalt  }
0x85: {  	_ =	shalt  }
0x86: {  	_ =	shalt  }
0x87: {  	_ =	shalt  }
.Lfunc_end0:
.L_simem_size_0:
called_computation.1_lowered:
.L_overlay_start_0:
0x88: {  	s2 =	sld [smem:$0x3FD9]  }
0x89: {  	s3 =	sld [smem:$0x3FFE];
	_ =	sdelay $0x1  }
0x8a: {  	s1 =	srdreg.scid  }
0x8b: {  	s0 =	sand.u32 $0x1, s1  }
0x8c: {  	s16 =	sshll.u32 s0, $0xA;
	s2 =	sadd.s32 s3, s2  }
0x8d: {  	s2 =	sadd.s32 s2, s16  }
0x8e: {  	[smem:$0x3FBA] =	sst s2  }
0x8f: {  	_ = 	snop  }
0x90: {  	(tm) =	ssettm $0x1  }
0x91: {  	s17 =	sld [smem:$0x3FFB];
	_ =	sdelay $0x3  }
0x92: {  	_ =	strace s17  }
0x93: {  	s2 =	sld [smem:$0x3FFC];
	_ =	sdelay $0x3  }
0x94: {  	_ =	strace s2  }
0x95: {  	s2 =	sld [smem:$0x3FFD];
	_ =	sdelay $0x3  }
0x96: {  	_ =	strace s2  }
0x97: {  	_ =	strace $0x8FFFFFFF  }
0x98: {  	s18 =	sld [smem:$0x3FDB];
	_ =	sdelay $0x1  }
0x99: {  	s19 =	simm.s32 $_scs_section_size  }
0x9a: {  	s4 =	simm.s32 $_size__tile_overlayer_lowered;
	s5 =	simm.s32 $_tile_overlayer_lowered  }
0x9b: {  	s22 =	simm.s32 $0x1BFF;
	s21 =	sshll.u32 s5, $0x1;
	s2 =	sadd.s32 s19, s18  }
0x9c: {  	s6 =	simm.s32 $0x0;
	s20 =	sshll.u32 s4, $0x1;
	s4 =	sadd.s32 s21, s2  }
0x9d: {  	[timem:s6], [sflag:s22] =	dma.local [hbm:s4], s20  }
0x9e: {  	_ =	swait.ge [sflag:s22], s20  }
0x9f: {  	s3 =	ssub.s32 $0x0, s20;
	[sflag:s22] =	ssyncset.done $0x0  }
0xa0: {  	[sflag:s22] =	ssyncadd.s32 s3;
	_ =	sdelay $0x1  }
0xa1: {  	s23 =	simm.s32 $0x1B8B  }
0xa2: {  	_ =	swait.ge [sflag:s23], $0x1  }
0xa3: {  	[sflag:s23] =	ssyncset.done $0x0  }
0xa4: {  	s25 =	simm.s32 $0x1B8E;
	s24 =	sld [smem:$0x3FFE];
	[sflag:s23] =	ssyncadd.s32 $0xFFFFFFFF  }
0xa5: {  	s26 =	simm.s32 $execute0_lowered;
	[smem:$0x3FD2] =	sst s25  }
0xa6: {  	s4 =	sshll.u32 s26, $0x1;
	_ =	strace $0x80000049;
	[dreg:$0x1] =	wrdreg $0xFFFFFFFF  }
0xa7: {  	s28 =	simm.s32 $_size_execute0_lowered;
	s2 =	sadd.s32 s2, s4;
	[dreg:$0x0] =	wrdreg $0x0  }
0xa8: {  	s4 =	sshll.u32 s28, $0x1;
	[dreg:$0x2] =	wrdreg s2  }
0xa9: {  	[dreg:$0x3] =	wrdreg s4  }
0xaa: {  	[dreg:$0x4] =	wrdreg $0xC0  }
0xab: {  	_ =	task [dreg:s6], $0x5FFFF  }
0xac: {  	[dreg:$0x1] =	wrdreg $0xFFFFFFFF  }
0xad: {  	[dreg:$0x0] =	wrdreg $0x60  }
0xae: {  	[dreg:$0x2] =	wrdreg s24  }
0xaf: {  	[dreg:$0x3] =	wrdreg $0x74000  }
0xb0: {  	[dreg:$0x4] =	wrdreg $0xC4000  }
0xb1: {  	[dreg:$0x5] =	wrdreg $0x9  }
0xb2: {  	_ =	task.clear_ibuf [dreg:s6], $0x6FFFF;
	_ =	strace $0x90000049  }
0xb3: {  	s29 =	simm.s32 $0x9;
	_ =	strace $0x8000004B  }
0xb4: {  	_ =	swait.ge [sflag:s29], $0x1  }
0xb5: {  	[sflag:s29] =	ssyncadd.s32 $0xFFFFFFFF  }
0xb6: {  	_ =	strace $0x9000004B  }
0xb7: {  	_ =	sfence  }
0xb8: {  	s30 =	sld [smem:$0x0];
	_ =	sdelay $0x2  }
0xb9: {  	s31 =	sshll.u32 s1, $0xD;
	s1 =	sshrl.u32 s1, $0x2  }
0xba: {  	s3 =	sand.u32 $0x4000, s31;
	s1 =	sadd.s32 s1, s30  }
0xbb: {  	s0 =	sor.u32 s3, s0;
	s1 =	sshll.u32 s1, $0x11  }
0xbc: {  	s0 =	sor.u32 s1, s0  }
0xbd: {  	s0 =	sadd.s32 $0x8F2B, s0  }
0xbe: {  	[sflag:s0] =	ssyncadd.remote.s32 $0x1  }
0xbf: {  	_ =	sfence.sel $0xFFFF  }
0xc0: {  	[dreg:$0x0] =	wrdreg $0xFFFFFFFF;
	(pc) =	sbr.abs _section_cstart, $3  }
0xc1: {  	[dreg:$0x1] =	wrdreg $0xFFFFFFFF  }
0xc2: {  	_ =	task.clear_ibuf [dreg:s6], $0x2FFFF;
	_ =	strace $0x9FFFFFFF  }
0xc3: {  	(tm) =	ssettm $0x7FFFFFFF  }
tec
execute0_lowered:
.L_overlay_start_1:
0x0: {  	(tag) =	ssettag $0x1  }
0x1: {  	s0 =	rddreg [dreg:$0x0]  }
0x2: {  	s11 =	stileid.u32;
	s2 =	rddreg [dreg:$0x1]  }
0x3: {  	s1 =	srdreg.scid;
	s3 =	rddreg [dreg:$0x2];
	s12 =	simm.s32 $0x3  }
0x4: {  	s13 =	simm.s32 $0x5000;
	s14 =	simm.s32 $0x6000;
	s5 =	smul.u32 $0xA000, s11  }
0x5: {  	s1 =	sand.u32 $0x1, s1;
	s4 =	sshll.u32 s11, $0x1;
	s10 =	smul.u32 $0x14000, s11  }
0x6: {  	s11 =	sshll.u32 s11, $0x6;
	s6 =	sor.u32 s1, s4;
	s4 =	simm.s32 $0x0  }
0x7: {  	s8 =	smul.u32 $0xA0000, s1;
	s1 =	ssub.s32 $0x2, s1;
	s17 =	sor.u32 $0x1C01, s11  }
0x8: {  	s6 =	smul.u32 $0x500, s6;
	[smem:$0x7FF] =	sst s4;
	s7 =	sshrl.u32 s5, $0x4  }
0x9: {  	s9 =	sshrl.u32 s1, $0x1;
	s16 =	sshrl.u32 s10, $0x2;
	s10 =	simm.s32 $0x2  }
0xa: {  	_ =	strace $0x8000004A;
	s7 =	sadd.s32 s7, s0;
	s8 =	sadd.s32 s5, s8  }
0xb: {  	s1 =	ssub.s32 s1, s9;
	s5 =	sshrl.u32 s5, $0x1;
	[dreg:$0x4] =	wrdreg s11  }
0xc: {  	[dreg:$0x6] =	wrdreg s17;
	s9 =	simm.s32 $0x5;
	s11 =	simm.s32 $0x1  }
0xd: {  	s6 =	sadd.s32 s6, s0;
	s8 =	sshrl.u32 s8, $0x4;
	s7 =	sadd.s32 $0x2400, s7  }
0xe: {  	s15 =	sadd.s32 s5, s2;
	s1 =	smax.u32 s1, $0x1;
	[dreg:$0x5] =	wrdreg s7  }
0xf: {  	s19 =	sadd.s32 s5, s3;
	s18 =	sadd.s32 $0x16400, s6;
	[dreg:$0xa] =	wrdreg s1  }
0x10: {  	s0 =	sadd.s32 s8, s0;
	s6 =	sadd.s32 $0xC400, s6;
	[dreg:$0x7] =	wrdreg s18  }
0x11: {  	s8 =	sadd.s32 s16, s3;
	[dreg:$0x8] =	wrdreg s6;
	s0 =	sadd.s32 $0x20400, s0  }
0x12: {  	s5 =	simm.s32 $0x80;
	s20 =	sadd.s32 $0x400, s8;
	[dreg:$0x9] =	wrdreg s0  }
0x13: {  	s7 =	simm.s32 $0x7000;
	s21 =	sadd.s32 $0x800, s8;
	[dreg:$0xb] =	wrdreg s20  }
0x14: {  	s16 =	simm.s32 $0x0;
	s22 =	sadd.s32 $0xC00, s8;
	[dreg:$0xc] =	wrdreg s21  }
0x15: {  	s23 =	sadd.s32 $0x1000, s8;
	s24 =	sadd.s32 $0x1400, s8;
	[dreg:$0xd] =	wrdreg s22  }
0x16: {  	s25 =	sadd.s32 $0x1800, s8;
	s26 =	sadd.s32 $0x1C00, s8;
	[dreg:$0xe] =	wrdreg s23  }
0x17: {  	s28 =	sadd.s32 $0x3400, s8;
	s29 =	sadd.s32 $0x3800, s8;
	[dreg:$0xf] =	wrdreg s24  }
0x18: {  	s30 =	sadd.s32 $0x3C00, s8;
	s31 =	sadd.s32 $0x4000, s8;
	[dreg:$0x10] =	wrdreg s25  }
0x19: {  	s1 =	sadd.s32 $0x4400, s8;
	s6 =	sadd.s32 $0x4C00, s8;
	[dreg:$0x11] =	wrdreg s26  }
0x1a: {  	s20 =	sadd.s32 $0x2000, s8;
	s21 =	sadd.s32 $0x2400, s8;
	s22 =	sadd.s32 $0x2800, s8  }
0x1b: {  	s23 =	sadd.s32 $0x2C00, s8;
	s24 =	sshrl.u32 s15, $0x3;
	s25 =	sshrl.u32 s19, $0x3  }
0x1c: {  	v0 =	vimm.bf16 $0.0e+00;
	s26 =	sadd.s32 $0x3000, s8;
	s0 =	sadd.s32 $0x4800, s8;
	s15 =	simm.s32 $0x4  }
.LBB2_1:
0x1d: {  	s17 =	rddreg [dreg:$0x5]  }
0x1e: {  	s18 =	rddreg [dreg:$0x6]  }
0x1f: {  	[spmem:s24], [sflag:s18] =	dma.local [hbm:s17], $0xA00;
	[tilespmem:$0x7000] =	vst v0  }
0x20: {  	[tilespmem:$0x7010] =	vst v0  }
0x21: {  	[tilespmem:$0x7020] =	vst v0  }
0x22: {  	[tilespmem:$0x7030] =	vst v0  }
0x23: {  	[tilespmem:$0x7040] =	vst v0  }
0x24: {  	[tilespmem:$0x7050] =	vst v0  }
0x25: {  	[tilespmem:$0x7060] =	vst v0  }
0x26: {  	[tilespmem:$0x7070] =	vst v0  }
0x27: {  	[tilespmem:$0x7080] =	vst v0  }
0x28: {  	[tilespmem:$0x7090] =	vst v0  }
0x29: {  	[tilespmem:$0x70A0] =	vst v0  }
0x2a: {  	[tilespmem:$0x70B0] =	vst v0  }
0x2b: {  	[tilespmem:$0x70C0] =	vst v0  }
0x2c: {  	[tilespmem:$0x70D0] =	vst v0  }
0x2d: {  	[tilespmem:$0x70E0] =	vst v0  }
0x2e: {  	[tilespmem:$0x70F0] =	vst v0  }
0x2f: {  	[tilespmem:$0x7100] =	vst v0  }
0x30: {  	[tilespmem:$0x7110] =	vst v0  }
0x31: {  	[tilespmem:$0x7120] =	vst v0  }
0x32: {  	[tilespmem:$0x7130] =	vst v0  }
0x33: {  	[tilespmem:$0x7140] =	vst v0  }
0x34: {  	[tilespmem:$0x7150] =	vst v0  }
0x35: {  	[tilespmem:$0x7160] =	vst v0  }
0x36: {  	[tilespmem:$0x7170] =	vst v0  }
0x37: {  	[tilespmem:$0x7180] =	vst v0  }
0x38: {  	[tilespmem:$0x7190] =	vst v0  }
0x39: {  	[tilespmem:$0x71A0] =	vst v0  }
0x3a: {  	[tilespmem:$0x71B0] =	vst v0  }
0x3b: {  	[tilespmem:$0x71C0] =	vst v0  }
0x3c: {  	[tilespmem:$0x71D0] =	vst v0  }
0x3d: {  	[tilespmem:$0x71E0] =	vst v0  }
0x3e: {  	[tilespmem:$0x71F0] =	vst v0  }
0x3f: {  	[tilespmem:$0x7200] =	vst v0  }
0x40: {  	[tilespmem:$0x7210] =	vst v0  }
0x41: {  	[tilespmem:$0x7220] =	vst v0  }
0x42: {  	[tilespmem:$0x7230] =	vst v0  }
0x43: {  	[tilespmem:$0x7240] =	vst v0  }
0x44: {  	[tilespmem:$0x7250] =	vst v0  }
0x45: {  	[tilespmem:$0x7260] =	vst v0  }
0x46: {  	[tilespmem:$0x7270] =	vst v0  }
0x47: {  	[tilespmem:$0x7280] =	vst v0  }
0x48: {  	[tilespmem:$0x7290] =	vst v0  }
0x49: {  	[tilespmem:$0x72A0] =	vst v0  }
0x4a: {  	[tilespmem:$0x72B0] =	vst v0  }
0x4b: {  	[tilespmem:$0x72C0] =	vst v0  }
0x4c: {  	[tilespmem:$0x72D0] =	vst v0  }
0x4d: {  	[tilespmem:$0x72E0] =	vst v0  }
0x4e: {  	[tilespmem:$0x72F0] =	vst v0  }
0x4f: {  	[tilespmem:$0x7300] =	vst v0  }
0x50: {  	[tilespmem:$0x7310] =	vst v0  }
0x51: {  	[tilespmem:$0x7320] =	vst v0  }
0x52: {  	[tilespmem:$0x7330] =	vst v0  }
0x53: {  	[tilespmem:$0x7340] =	vst v0  }
0x54: {  	[tilespmem:$0x7350] =	vst v0  }
0x55: {  	[tilespmem:$0x7360] =	vst v0  }
0x56: {  	[tilespmem:$0x7370] =	vst v0  }
0x57: {  	[tilespmem:$0x7380] =	vst v0  }
0x58: {  	[tilespmem:$0x7390] =	vst v0  }
0x59: {  	[tilespmem:$0x73A0] =	vst v0  }
0x5a: {  	[tilespmem:$0x73B0] =	vst v0  }
0x5b: {  	[tilespmem:$0x73C0] =	vst v0  }
0x5c: {  	[tilespmem:$0x73D0] =	vst v0  }
0x5d: {  	[tilespmem:$0x73E0] =	vst v0  }
0x5e: {  	[tilespmem:$0x73F0] =	vst v0  }
0x5f: {  	[spmem:s8] =	stream.linear.scatter [tilespmem:s7], [sflag:$0x3], $0x400, $0x38;
	[tilespmem:$0x11400] =	vst v63  }
0x60: {  	s17 =	rddreg [dreg:$0xb]  }
0x61: {  	[spmem:s17] =	stream.linear.scatter [tilespmem:s7], [sflag:$0x3], $0x400, $0x38;
	[tilespmem:$0x11400] =	vst v63  }
0x62: {  	s19 =	rddreg [dreg:$0xc]  }
0x63: {  	[spmem:s19] =	stream.linear.scatter [tilespmem:s7], [sflag:$0x3], $0x400, $0x38;
	[tilespmem:$0x11400] =	vst v63  }
0x64: {  	s18 =	rddreg [dreg:$0xd]  }
0x65: {  	[spmem:s18] =	stream.linear.scatter [tilespmem:s7], [sflag:$0x3], $0x400, $0x38;
	[tilespmem:$0x11400] =	vst v63  }
0x66: {  	s19 =	rddreg [dreg:$0xe]  }
0x67: {  	[spmem:s19] =	stream.linear.scatter [tilespmem:s7], [sflag:$0x3], $0x400, $0x38;
	[tilespmem:$0x11400] =	vst v63  }
0x68: {  	s18 =	rddreg [dreg:$0xf]  }
0x69: {  	[spmem:s18] =	stream.linear.scatter [tilespmem:s7], [sflag:$0x3], $0x400, $0x38;
	[tilespmem:$0x11400] =	vst v63  }
0x6a: {  	s19 =	rddreg [dreg:$0x10]  }
0x6b: {  	[spmem:s19] =	stream.linear.scatter [tilespmem:s7], [sflag:$0x3], $0x400, $0x38;
	[tilespmem:$0x11400] =	vst v63  }
0x6c: {  	s18 =	rddreg [dreg:$0x11]  }
0x6d: {  	[spmem:s18] =	stream.linear.scatter [tilespmem:s7], [sflag:$0x3], $0x400, $0x38;
	[tilespmem:$0x11400] =	vst v63  }
0x6e: {  	_ = 	snop  }
0x6f: {  	[spmem:s20] =	stream.linear.scatter [tilespmem:s7], [sflag:$0x3], $0x400, $0x38;
	[tilespmem:$0x11400] =	vst v63  }
0x70: {  	_ = 	snop  }
0x71: {  	[spmem:s21] =	stream.linear.scatter [tilespmem:s7], [sflag:$0x3], $0x400, $0x38;
	[tilespmem:$0x11400] =	vst v63  }
0x72: {  	_ = 	snop  }
0x73: {  	[spmem:s22] =	stream.linear.scatter [tilespmem:s7], [sflag:$0x3], $0x400, $0x38;
	[tilespmem:$0x11400] =	vst v63  }
0x74: {  	_ = 	snop  }
0x75: {  	[spmem:s23] =	stream.linear.scatter [tilespmem:s7], [sflag:$0x3], $0x400, $0x38;
	[tilespmem:$0x11400] =	vst v63  }
0x76: {  	_ = 	snop  }
0x77: {  	[spmem:s26] =	stream.linear.scatter [tilespmem:s7], [sflag:$0x3], $0x400, $0x38;
	[tilespmem:$0x11400] =	vst v63  }
0x78: {  	_ = 	snop  }
0x79: {  	[spmem:s28] =	stream.linear.scatter [tilespmem:s7], [sflag:$0x3], $0x400, $0x38;
	[tilespmem:$0x11400] =	vst v63  }
0x7a: {  	_ = 	snop  }
0x7b: {  	[spmem:s29] =	stream.linear.scatter [tilespmem:s7], [sflag:$0x3], $0x400, $0x38;
	[tilespmem:$0x11400] =	vst v63  }
0x7c: {  	_ = 	snop  }
0x7d: {  	[spmem:s30] =	stream.linear.scatter [tilespmem:s7], [sflag:$0x3], $0x400, $0x38;
	[tilespmem:$0x11400] =	vst v63  }
0x7e: {  	_ = 	snop  }
0x7f: {  	[spmem:s31] =	stream.linear.scatter [tilespmem:s7], [sflag:$0x3], $0x400, $0x38;
	[tilespmem:$0x11400] =	vst v63  }
0x80: {  	_ = 	snop  }
0x81: {  	[spmem:s1] =	stream.linear.scatter [tilespmem:s7], [sflag:$0x3], $0x400, $0x38;
	[tilespmem:$0x11400] =	vst v63  }
0x82: {  	_ = 	snop  }
0x83: {  	[spmem:s0] =	stream.linear.scatter [tilespmem:s7], [sflag:$0x3], $0x400, $0x38;
	[tilespmem:$0x11400] =	vst v63  }
0x84: {  	_ = 	snop  }
0x85: {  	[spmem:s6] =	stream.linear.scatter [tilespmem:s7], [sflag:$0x3], $0x400, $0x38;
	[tilespmem:$0x11400] =	vst v63  }
0x86: {  	s19 =	rddreg [dreg:$0x7]  }
0x87: {  	[tilespmem:s4], [sflag:$0x2] =	stream.linear.gather [hbm4b:s19+s4], $0x2800, $0x38;
	[tilespmem:$0x11400] =	vst v63  }
0x88: {  	s18 =	rddreg [dreg:$0x8];
	s19 =	simm.s32 $0x2800  }
0x89: {  	[tilespmem:s19], [sflag:$0x5] =	stream.linear.gather [hbm4b:s18+s4], $0x2800, $0x38;
	[tilespmem:$0x11400] =	vst v63  }
0x8a: {  	_ =	swait.ge [sflag:s9], $0x2800  }
0x8b: {  	[sflag:s9] =	ssyncset.done $0x0  }
0x8c: {  	[sflag:s9] =	ssyncadd.s32 $0xFFFFD800  }
0x8d: {  	_ =	swait.ge [sflag:s10], $0x2800  }
0x8e: {  	[sflag:s10] =	ssyncset.done $0x0  }
0x8f: {  	[sflag:s10] =	ssyncadd.s32 $0xFFFFD800  }
0x90: {  	_ =	swait.ge [sflag:s11], $0xA00  }
0x91: {  	[sflag:s11] =	ssyncset.done $0x0  }
0x92: {  	[sflag:s11] =	ssyncadd.s32 $0xFFFFF600  }
0x93: {  	_ =	swait.ge [sflag:s12], $0x400  }
0x94: {  	[sflag:s12] =	ssyncset.done $0x0  }
0x95: {  	[sflag:s12] =	ssyncadd.s32 $0xFFFFFC00  }
0x96: {  	_ =	swait.ge [sflag:s12], $0x400  }
0x97: {  	[sflag:s12] =	ssyncset.done $0x0  }
0x98: {  	[sflag:s12] =	ssyncadd.s32 $0xFFFFFC00  }
0x99: {  	_ =	swait.ge [sflag:s12], $0x400  }
0x9a: {  	[sflag:s12] =	ssyncset.done $0x0  }
0x9b: {  	[sflag:s12] =	ssyncadd.s32 $0xFFFFFC00  }
0x9c: {  	_ =	swait.ge [sflag:s12], $0x400  }
0x9d: {  	[sflag:s12] =	ssyncset.done $0x0  }
0x9e: {  	[sflag:s12] =	ssyncadd.s32 $0xFFFFFC00  }
0x9f: {  	_ =	swait.ge [sflag:s12], $0x400  }
0xa0: {  	[sflag:s12] =	ssyncset.done $0x0  }
0xa1: {  	[sflag:s12] =	ssyncadd.s32 $0xFFFFFC00  }
0xa2: {  	_ =	swait.ge [sflag:s12], $0x400  }
0xa3: {  	[sflag:s12] =	ssyncset.done $0x0  }
0xa4: {  	[sflag:s12] =	ssyncadd.s32 $0xFFFFFC00  }
0xa5: {  	_ =	swait.ge [sflag:s12], $0x400  }
0xa6: {  	[sflag:s12] =	ssyncset.done $0x0  }
0xa7: {  	[sflag:s12] =	ssyncadd.s32 $0xFFFFFC00  }
0xa8: {  	_ =	swait.ge [sflag:s12], $0x400  }
0xa9: {  	[sflag:s12] =	ssyncset.done $0x0  }
0xaa: {  	[sflag:s12] =	ssyncadd.s32 $0xFFFFFC00  }
0xab: {  	_ =	swait.ge [sflag:s12], $0x400  }
0xac: {  	[sflag:s12] =	ssyncset.done $0x0  }
0xad: {  	[sflag:s12] =	ssyncadd.s32 $0xFFFFFC00  }
0xae: {  	_ =	swait.ge [sflag:s12], $0x400  }
0xaf: {  	[sflag:s12] =	ssyncset.done $0x0  }
0xb0: {  	[sflag:s12] =	ssyncadd.s32 $0xFFFFFC00  }
0xb1: {  	_ =	swait.ge [sflag:s12], $0x400  }
0xb2: {  	[sflag:s12] =	ssyncset.done $0x0  }
0xb3: {  	[sflag:s12] =	ssyncadd.s32 $0xFFFFFC00  }
0xb4: {  	_ =	swait.ge [sflag:s12], $0x400  }
0xb5: {  	[sflag:s12] =	ssyncset.done $0x0  }
0xb6: {  	[sflag:s12] =	ssyncadd.s32 $0xFFFFFC00  }
0xb7: {  	_ =	swait.ge [sflag:s12], $0x400  }
0xb8: {  	[sflag:s12] =	ssyncset.done $0x0  }
0xb9: {  	[sflag:s12] =	ssyncadd.s32 $0xFFFFFC00  }
0xba: {  	_ =	swait.ge [sflag:s12], $0x400  }
0xbb: {  	[sflag:s12] =	ssyncset.done $0x0  }
0xbc: {  	[sflag:s12] =	ssyncadd.s32 $0xFFFFFC00  }
0xbd: {  	_ =	swait.ge [sflag:s12], $0x400  }
0xbe: {  	[sflag:s12] =	ssyncset.done $0x0  }
0xbf: {  	[sflag:s12] =	ssyncadd.s32 $0xFFFFFC00  }
0xc0: {  	_ =	swait.ge [sflag:s12], $0x400  }
0xc1: {  	[sflag:s12] =	ssyncset.done $0x0  }
0xc2: {  	[sflag:s12] =	ssyncadd.s32 $0xFFFFFC00  }
0xc3: {  	_ =	swait.ge [sflag:s12], $0x400  }
0xc4: {  	[sflag:s12] =	ssyncset.done $0x0  }
0xc5: {  	[sflag:s12] =	ssyncadd.s32 $0xFFFFFC00  }
0xc6: {  	_ =	swait.ge [sflag:s12], $0x400  }
0xc7: {  	[sflag:s12] =	ssyncset.done $0x0  }
0xc8: {  	[sflag:s12] =	ssyncadd.s32 $0xFFFFFC00  }
0xc9: {  	_ =	swait.ge [sflag:s12], $0x400  }
0xca: {  	[sflag:s12] =	ssyncset.done $0x0  }
0xcb: {  	[sflag:s12] =	ssyncadd.s32 $0xFFFFFC00  }
0xcc: {  	_ =	swait.ge [sflag:s12], $0x400  }
0xcd: {  	[sflag:s12] =	ssyncset.done $0x0  }
0xce: {  	[sflag:s12] =	ssyncadd.s32 $0xFFFFFC00  }
0xcf: {  	[bflag:$0x0] =	sbarrier.arrive $0xFFFF  }
0xd0: {  	[tilespmem:s13], [sflag:$0x1] =	stream.indirect.gather [spmem:s2], $0x20, s4, s5, $0xb8;
	[tilespmem:$0x11400] =	vst v63  }
0xd1: {  	_ = 	snop  }
0xd2: {  	[tilespmem:s14], [sflag:$0x2] =	stream.indirect.gather [spmem:s2], $0x20, s5, s5, $0xb8;
	[tilespmem:$0x11400] =	vst v63  }
0xd3: {  	_ =	swait.ge [sflag:s11], $0x1000  }
0xd4: {  	[sflag:s11] =	ssyncset.done $0x0  }
0xd5: {  	s19 =	simm.s32 $0x2800;
	[sflag:s11] =	ssyncadd.s32 $0xFFFFF000  }
0xd6: {  	[spmem:s3] =	stream.indirect.scatter.add.bf16 [tilespmem:s13], [sflag:$0x3], $0x20, s19, s5, $0xb8;
	[tilespmem:$0x11400] =	vst v63  }
0xd7: {  	_ =	swait.ge [sflag:s10], $0x1000  }
0xd8: {  	[sflag:s10] =	ssyncset.done $0x0  }
0xd9: {  	s18 =	simm.s32 $0x2880;
	[sflag:s10] =	ssyncadd.s32 $0xFFFFF000  }
0xda: {  	[spmem:s3] =	stream.indirect.scatter.add.bf16 [tilespmem:s14], [sflag:$0x4], $0x20, s18, s5, $0xb8;
	[tilespmem:$0x11400] =	vst v63  }
0xdb: {  	_ =	swait.ge [sflag:s12], $0x1000  }
0xdc: {  	[sflag:s12] =	ssyncset.done $0x0  }
0xdd: {  	s19 =	simm.s32 $0x100;
	[sflag:s12] =	ssyncadd.s32 $0xFFFFF000  }
0xde: {  	[tilespmem:s13], [sflag:$0x1] =	stream.indirect.gather [spmem:s2], $0x20, s19, s5, $0xb8;
	[tilespmem:$0x11400] =	vst v63  }
0xdf: {  	_ =	swait.ge [sflag:s15], $0x1000  }
0xe0: {  	[sflag:s15] =	ssyncset.done $0x0  }
0xe1: {  	s17 =	simm.s32 $0x400;
	s18 =	simm.s32 $0x180;
	[sflag:s15] =	ssyncadd.s32 $0xFFFFF000  }
.LBB2_2:
0xe2: {  	[tilespmem:s14], [sflag:$0x2] =	stream.indirect.gather [spmem:s2], $0x20, s18, s5, $0xb8;
	[tilespmem:$0x11400] =	vst v63  }
0xe3: {  	s18 =	smov.u32 s17  }
0xe4: {  	p0 =	sne.s32 s17, $0x9800;
	s17 =	sadd.s32 $0x400, s17;
	_ =	swait.ge [sflag:s11], $0x1000  }
0xe5: {  	s18 =	sshra.s32 s18, $0x2;
	[sflag:s11] =	ssyncset.done $0x0  }
0xe6: {  	s19 =	sadd.s32 $0x2800, s18;
	[sflag:s11] =	ssyncadd.s32 $0xFFFFF000  }
0xe7: {  	[spmem:s3] =	stream.indirect.scatter.add.bf16 [tilespmem:s13], [sflag:$0x3], $0x20, s19, s5, $0xb8;
	[tilespmem:$0x11400] =	vst v63  }
0xe8: {  	_ =	swait.ge [sflag:s10], $0x1000  }
0xe9: {  	[sflag:s10] =	ssyncset.done $0x0  }
0xea: {  	s19 =	sadd.s32 $0x2880, s18;
	[sflag:s10] =	ssyncadd.s32 $0xFFFFF000  }
0xeb: {  	[spmem:s3] =	stream.indirect.scatter.add.bf16 [tilespmem:s14], [sflag:$0x4], $0x20, s19, s5, $0xb8;
	[tilespmem:$0x11400] =	vst v63  }
0xec: {  	_ =	swait.ge [sflag:s12], $0x1000  }
0xed: {  	[sflag:s12] =	ssyncset.done $0x0  }
.Ltmp0:
0xee: {  	s19 =	sadd.s32 $0x100, s18;
	[sflag:s12] =	ssyncadd.s32 $0xFFFFF000;
	(pc) =	sbr.rel @p0 .LBB2_2-.Ltmp0, $4  }
0xef: {  	[tilespmem:s13], [sflag:$0x1] =	stream.indirect.gather [spmem:s2], $0x20, s19, s5, $0xb8;
	[tilespmem:$0x11400] =	vst v63  }
0xf0: {  	_ =	swait.ge [sflag:s15], $0x1000  }
0xf1: {  	[sflag:s15] =	ssyncset.done $0x0  }
0xf2: {  	s18 =	sadd.s32 $0x180, s18;
	[sflag:s15] =	ssyncadd.s32 $0xFFFFF000  }
0xf3: {  	[tilespmem:s14], [sflag:$0x2] =	stream.indirect.gather [spmem:s2], $0x20, s18, s5, $0xb8;
	[tilespmem:$0x11400] =	vst v63  }
0xf4: {  	_ =	swait.ge [sflag:s11], $0x1000  }
0xf5: {  	[sflag:s11] =	ssyncset.done $0x0  }
0xf6: {  	s17 =	simm.s32 $0x4F00;
	[sflag:s11] =	ssyncadd.s32 $0xFFFFF000  }
0xf7: {  	[spmem:s3] =	stream.indirect.scatter.add.bf16 [tilespmem:s13], [sflag:$0x3], $0x20, s17, s5, $0xb8;
	[tilespmem:$0x11400] =	vst v63  }
0xf8: {  	_ =	swait.ge [sflag:s10], $0x1000  }
0xf9: {  	[sflag:s10] =	ssyncset.done $0x0  }
0xfa: {  	s19 =	simm.s32 $0x4F80;
	[sflag:s10] =	ssyncadd.s32 $0xFFFFF000  }
0xfb: {  	[spmem:s3] =	stream.indirect.scatter.add.bf16 [tilespmem:s14], [sflag:$0x4], $0x20, s19, s5, $0xb8;
	[tilespmem:$0x11400] =	vst v63  }
0xfc: {  	_ =	swait.ge [sflag:s12], $0x1000  }
0xfd: {  	[sflag:s12] =	ssyncset.done $0x0  }
0xfe: {  	[sflag:s12] =	ssyncadd.s32 $0xFFFFF000  }
0xff: {  	_ =	swait.ge [sflag:s15], $0x1000  }
0x100: {  	[sflag:s15] =	ssyncset.done $0x0  }
0x101: {  	[sflag:s15] =	ssyncadd.s32 $0xFFFFF000  }
0x102: {  	[bflag:$0x0] =	sbarrier.arrive $0xFFFF  }
0x103: {  	s18 =	rddreg [dreg:$0x4]  }
0x104: {  	s19 =	rddreg [dreg:$0x9];
	s17 =	sor.u32 $0x1C05, s18  }
0x105: {  	[hbm:s19], [sflag:s17] =	dma.local [spmem:s25], $0xA00  }
0x106: {  	_ =	swait.ge [sflag:s9], $0xA00  }
0x107: {  	s16 =	sadd.s32 $0x1, s16;
	s19 =	rddreg [dreg:$0xa]  }
0x108: {  	p0 =	sne.s32 s16, s19  }
.Ltmp1:
0x109: {  	_ = 	snop;
	(pc) =	sbr.rel @p0 .LBB2_1-.Ltmp1, $3  }
0x10a: {  	_ =	sdelay $0x1  }
0x10b: {  	[sflag:s9] =	ssyncset.done $0x0  }
0x10c: {  	[sflag:s9] =	ssyncadd.s32 $0xFFFFF600  }
0x10d: {  	_ =	sfence.sel $0x180000  }
0x10e: {  	[bflag:$0x0] =	sbarrier.arrive $0xFFFF  }
0x10f: {  	_ =	strace $0x9000004A  }
0x110: {  	s0 =	stileid.u32;
	[bflag:$0x2] =	sbarrier.arrive $0xFFFF  }
0x111: {  	p0 =	sne.s32 s0, $0x0;
	s0 =	rddreg [dreg:$0x3]  }
0x112: {  	s0 =	sadd.s32 @!p0 $0x100000, s0  }
0x113: {  	[sflag:s0] =	ssyncadd.tile.s32 @!p0 $0x1;
	_ =	shalt  }
.Lfunc_end2:
_tile_overlayer_lowered:
.L_overlay_start_2:
0x114: {  	(tag) =	ssettag $0x2  }
0x115: {  	s0 =	rddreg [dreg:$0x0];
	s2 =	stileid.u32  }
0x116: {  	s1 =	rddreg [dreg:$0x1];
	p0 =	sne.s32 s2, $0x0  }
0x117: {  	s3 =	rddreg [dreg:$0x2];
	[bflag:$0x3] =	sbarrier.arrive $0xFFFF;
	s2 =	simm.s32 @!p0 $0x1C05  }
0x118: {  	[timem:s3], [sflag:s2] =	dma.local @!p0 [hbm:s0], s1  }
0x119: {  	s0 =	simm.s32 @!p0 $0x5  }
0x11a: {  	_ =	swait.ge @!p0 [sflag:s0], s1  }
0x11b: {  	s1 =	ssub.s32 @!p0 $0x0, s1;
	[sflag:s0] =	ssyncset.done @!p0 $0x0  }
0x11c: {  	[sflag:s0] =	ssyncadd.s32 @!p0 s1  }
0x11d: {  	[bflag:$0x3] =	sbarrier.arrive $0xFFFF  }
0x11e: {  	_ =	shalt  }

// kernel: kernel.15.cloned.1.call-start
scs
__scs_entry_jumppad:
0x0: {  	(pc) =	sbr.rel $0x88, $3  }
0x1: {  	(tag) =	ssettag $0x0;
	lr =	simm.s32 $0x1  }
0x2: {  	[smem:$0x3F93] =	sst lr;
	_ =	strace $0xD0000000  }
0x3: {  	_ = 	snop  }
0x4: {  	_ = 	snop  }
0x5: {  	_ = 	snop  }
0x6: {  	_ = 	snop  }
0x7: {  	_ = 	snop  }
__scs_overlays_trampoline_lowered:
0x8: {  	[smem:$0x3FA2] =	sst s0  }
0x9: {  	[smem:$0x3FA3] =	sst s1  }
0xa: {  	[smem:$0x3FA4] =	sst s2  }
0xb: {  	[smem:$0x3FA5] =	sst s3  }
0xc: {  	[smem:$0x3FA6] =	sst s4  }
0xd: {  	[smem:$0x3FA7] =	sst s5  }
0xe: {  	[smem:$0x3FA8] =	sst s6  }
0xf: {  	[smem:$0x3FA9] =	sst s7  }
0x10: {  	[smem:$0x3FAA] =	sst s8  }
0x11: {  	[smem:$0x3FAB] =	sst s9;
	s0 =	simm.s32 @!p0 $0x0  }
0x12: {  	s1 =	sld [smem:$0x3F91];
	s0 =	simm.s32 @p0 $0x1  }
0x13: {  	[smem:$0x3FAC] =	sst s0;
	s0 =	simm.s32 @!p1 $0x0  }
0x14: {  	s2 =	sld [smem:$0x3F90];
	s0 =	simm.s32 @p1 $0x1  }
0x15: {  	[smem:$0x3FAD] =	sst s0;
	s0 =	simm.s32 @!p2 $0x0  }
0x16: {  	s3 =	sld [smem:$0x3FDB];
	s0 =	simm.s32 @p2 $0x1  }
0x17: {  	s4 =	simm.s32 $0x1BF5;
	[smem:$0x3FAF] =	sst s0  }
0x18: {  	s0 =	sld [smem:$0x3F92];
	_ =	swait.ge [sflag:s4], $0x0  }
0x19: {  	s7 =	sld [smem:$0x3F93]  }
0x1a: {  	s8 =	sadd.s32 $0xFFFFE003, lr  }
0x1b: {  	s9 =	sadd.s32 $0xFFFFFEF7, lr;
	s5 =	simm.s32 $0xFFFFFFFF;
	p2 =	slt.u32 s8, $0xFFFFF086  }
0x1c: {  	p1 =	slt.u32 s9, $0xF7A;
	s5 =	simm.s32 @!p2 $0x0  }
0x1d: {  	s5 =	simm.s32 @p1 $0x1;
	p0 =	seq.s32 s7, s2  }
0x1e: {  	s7 =	smul.u32 @!p0 $0xF7A, s2;
	p2 =	seq.s32 @!p0 s5, $0x0  }
0x1f: {  	s9 =	smul.u32 $0xF7A, s1;
	s8 =	simm.s32 @!p0 $0x1BF5;
	p2 =	por !p2, p0  }
0x20: {  	[sflag:s8] =	ssyncset.s32 @!p0 $0xFFFFF086;
	s6 =	sadd.s32 @!p0 s3, s7;
	s7 =	simm.s32 @!p0 $0x108  }
0x21: {  	s3 =	sadd.s32 s3, s9;
	s6 =	sadd.s32 @!p0 $0x88, s6;
	s7 =	simm.s32 @p2 $0x1082  }
0x22: {  	[simem:s7], [sflag:s8] =	dma.local @!p0 [hbm:s6], $0xF7A  }
0x23: {  	s9 =	sor.u32 $0xD0000000, s2;
	s6 =	simm.s32 $0x108;
	_ =	swait.ge @!p0 [sflag:s8], $0x0  }
0x24: {  	s3 =	sadd.s32 $0x88, s3;
	s6 =	simm.s32 @!p1 $0x1082;
	[sflag:s4] =	ssyncset.s32 $0xFFFFF086  }
0x25: {  	[simem:s6], [sflag:s4] =	dma.local [hbm:s3], $0xF7A  }
0x26: {  	[smem:$0x3F93] =	sst s1;
	(tag) =	ssettag s2;
	_ =	strace s9  }
0x27: {  	s1 =	sld [smem:$0x3FA3]  }
0x28: {  	s2 =	sld [smem:$0x3FA4]  }
0x29: {  	s4 =	sld [smem:$0x3FA6]  }
0x2a: {  	p0 =	seq.s32 s5, $0x0;
	s5 =	sld [smem:$0x3FA7]  }
0x2b: {  	s6 =	sld [smem:$0x3FA8]  }
0x2c: {  	s7 =	sld [smem:$0x3FA9]  }
0x2d: {  	s3 =	simm.s32 $0x108;
	s8 =	sld [smem:$0x3FAA]  }
0x2e: {  	s3 =	simm.s32 @!p0 $0x1082;
	s9 =	sld [smem:$0x3FAB]  }
0x2f: {  	lr =	sadd.s32 s0, s3;
	s0 =	sld [smem:$0x3FA2]  }
0x30: {  	s3 =	sld [smem:$0x3FA5]  }
0x31: {  	[smem:$0x3FAE] =	sst s10  }
0x32: {  	s10 =	sld [smem:$0x3FAC];
	_ =	sdelay $0x3  }
0x33: {  	p0 =	seq.s32 s10, $0x1;
	s10 =	sld [smem:$0x3FAE];
	_ =	sdelay $0x3  }
0x34: {  	[smem:$0x3FAE] =	sst s10  }
0x35: {  	s10 =	sld [smem:$0x3FAD];
	_ =	sdelay $0x3  }
0x36: {  	p1 =	seq.s32 s10, $0x1;
	s10 =	sld [smem:$0x3FAE];
	_ =	sdelay $0x3  }
0x37: {  	[smem:$0x3FAE] =	sst s10  }
0x38: {  	s10 =	sld [smem:$0x3FAF]  }
0x39: {  	_ = 	snop;
	(pc) =	sbr.ind lr, $3  }
0x3a: {  	_ = 	snop  }
0x3b: {  	_ = 	snop  }
0x3c: {  	p2 =	seq.s32 s10, $0x1;
	s10 =	sld [smem:$0x3FAE]  }
0x3d: {  	_ =	shalt  }
0x3e: {  	_ =	shalt  }
0x3f: {  	_ =	shalt  }
0x40: {  	_ =	shalt  }
0x41: {  	_ =	shalt  }
0x42: {  	_ =	shalt  }
0x43: {  	_ =	shalt  }
0x44: {  	_ =	shalt  }
0x45: {  	_ =	shalt  }
0x46: {  	_ =	shalt  }
0x47: {  	_ =	shalt  }
0x48: {  	_ =	shalt  }
0x49: {  	_ =	shalt  }
0x4a: {  	_ =	shalt  }
0x4b: {  	_ =	shalt  }
0x4c: {  	_ =	shalt  }
0x4d: {  	_ =	shalt  }
0x4e: {  	_ =	shalt  }
0x4f: {  	_ =	shalt  }
0x50: {  	_ =	shalt  }
0x51: {  	_ =	shalt  }
0x52: {  	_ =	shalt  }
0x53: {  	_ =	shalt  }
0x54: {  	_ =	shalt  }
0x55: {  	_ =	shalt  }
0x56: {  	_ =	shalt  }
0x57: {  	_ =	shalt  }
0x58: {  	_ =	shalt  }
0x59: {  	_ =	shalt  }
0x5a: {  	_ =	shalt  }
0x5b: {  	_ =	shalt  }
0x5c: {  	_ =	shalt  }
0x5d: {  	_ =	shalt  }
0x5e: {  	_ =	shalt  }
0x5f: {  	_ =	shalt  }
0x60: {  	_ =	shalt  }
0x61: {  	_ =	shalt  }
0x62: {  	_ =	shalt  }
0x63: {  	_ =	shalt  }
0x64: {  	_ =	shalt  }
0x65: {  	_ =	shalt  }
0x66: {  	_ =	shalt  }
0x67: {  	_ =	shalt  }
0x68: {  	_ =	shalt  }
0x69: {  	_ =	shalt  }
0x6a: {  	_ =	shalt  }
0x6b: {  	_ =	shalt  }
0x6c: {  	_ =	shalt  }
0x6d: {  	_ =	shalt  }
0x6e: {  	_ =	shalt  }
0x6f: {  	_ =	shalt  }
0x70: {  	_ =	shalt  }
0x71: {  	_ =	shalt  }
0x72: {  	_ =	shalt  }
0x73: {  	_ =	shalt  }
0x74: {  	_ =	shalt  }
0x75: {  	_ =	shalt  }
0x76: {  	_ =	shalt  }
0x77: {  	_ =	shalt  }
0x78: {  	_ =	shalt  }
0x79: {  	_ =	shalt  }
0x7a: {  	_ =	shalt  }
0x7b: {  	_ =	shalt  }
0x7c: {  	_ =	shalt  }
0x7d: {  	_ =	shalt  }
0x7e: {  	_ =	shalt  }
0x7f: {  	_ =	shalt  }
0x80: {  	_ =	shalt  }
0x81: {  	_ =	shalt  }
0x82: {  	_ =	shalt  }
0x83: {  	_ =	shalt  }
0x84: {  	_ =	shalt  }
0x85: {  	_ =	shalt  }
0x86: {  	_ =	shalt  }
0x87: {  	_ =	shalt  }
.Lfunc_end0:
.L_simem_size_0:
called_computation.2_lowered:
.L_overlay_start_0:
0x88: {  	s2 =	sld [smem:$0x3FD9]  }
0x89: {  	s3 =	sld [smem:$0x3FFE];
	_ =	sdelay $0x1  }
0x8a: {  	s1 =	srdreg.scid  }
0x8b: {  	s0 =	sand.u32 $0x1, s1  }
0x8c: {  	s16 =	sshll.u32 s0, $0xA;
	s2 =	sadd.s32 s3, s2  }
0x8d: {  	s2 =	sadd.s32 s2, s16  }
0x8e: {  	[smem:$0x3FBA] =	sst s2  }
0x8f: {  	_ = 	snop  }
0x90: {  	(tm) =	ssettm $0x1  }
0x91: {  	s17 =	sld [smem:$0x3FFB];
	_ =	sdelay $0x3  }
0x92: {  	_ =	strace s17  }
0x93: {  	s2 =	sld [smem:$0x3FFC];
	_ =	sdelay $0x3  }
0x94: {  	_ =	strace s2  }
0x95: {  	s2 =	sld [smem:$0x3FFD];
	_ =	sdelay $0x3  }
0x96: {  	_ =	strace s2  }
0x97: {  	_ =	strace $0x8FFFFFFF  }
0x98: {  	s18 =	sld [smem:$0x3FDB];
	_ =	sdelay $0x1  }
0x99: {  	s19 =	simm.s32 $_scs_section_size  }
0x9a: {  	s4 =	simm.s32 $_size__tile_overlayer_lowered;
	s5 =	simm.s32 $_tile_overlayer_lowered  }
0x9b: {  	s22 =	simm.s32 $0x1BFF;
	s21 =	sshll.u32 s5, $0x1;
	s2 =	sadd.s32 s19, s18  }
0x9c: {  	s6 =	simm.s32 $0x0;
	s20 =	sshll.u32 s4, $0x1;
	s4 =	sadd.s32 s21, s2  }
0x9d: {  	[timem:s6], [sflag:s22] =	dma.local [hbm:s4], s20  }
0x9e: {  	_ =	swait.ge [sflag:s22], s20  }
0x9f: {  	s3 =	ssub.s32 $0x0, s20;
	[sflag:s22] =	ssyncset.done $0x0  }
0xa0: {  	[sflag:s22] =	ssyncadd.s32 s3;
	_ =	sdelay $0x1  }
0xa1: {  	s23 =	simm.s32 $0x1B8B  }
0xa2: {  	_ =	swait.ge [sflag:s23], $0x1  }
0xa3: {  	[sflag:s23] =	ssyncset.done $0x0  }
0xa4: {  	s25 =	simm.s32 $0x1B8E;
	s24 =	sld [smem:$0x3FFE];
	[sflag:s23] =	ssyncadd.s32 $0xFFFFFFFF  }
0xa5: {  	s26 =	simm.s32 $execute0_lowered;
	[smem:$0x3FD2] =	sst s25  }
0xa6: {  	s4 =	sshll.u32 s26, $0x1;
	_ =	strace $0x8000004C;
	[dreg:$0x1] =	wrdreg $0xFFFFFFFF  }
0xa7: {  	s28 =	simm.s32 $_size_execute0_lowered;
	s2 =	sadd.s32 s2, s4;
	[dreg:$0x0] =	wrdreg $0x0  }
0xa8: {  	s4 =	sshll.u32 s28, $0x1;
	[dreg:$0x2] =	wrdreg s2  }
0xa9: {  	[dreg:$0x3] =	wrdreg s4  }
0xaa: {  	[dreg:$0x4] =	wrdreg $0xC0  }
0xab: {  	_ =	task [dreg:s6], $0x5FFFF  }
0xac: {  	[dreg:$0x1] =	wrdreg $0xFFFFFFFF  }
0xad: {  	[dreg:$0x0] =	wrdreg $0x60  }
0xae: {  	[dreg:$0x2] =	wrdreg s24  }
0xaf: {  	[dreg:$0x3] =	wrdreg $0x74000  }
0xb0: {  	[dreg:$0x4] =	wrdreg $0xC4000  }
0xb1: {  	[dreg:$0x5] =	wrdreg $0x9  }
0xb2: {  	_ =	task.clear_ibuf [dreg:s6], $0x6FFFF;
	_ =	strace $0x9000004C  }
0xb3: {  	s29 =	simm.s32 $0x9;
	_ =	strace $0x8000004E  }
0xb4: {  	_ =	swait.ge [sflag:s29], $0x1  }
0xb5: {  	[sflag:s29] =	ssyncadd.s32 $0xFFFFFFFF  }
0xb6: {  	_ =	strace $0x9000004E  }
0xb7: {  	_ =	sfence  }
0xb8: {  	s30 =	sld [smem:$0x0];
	_ =	sdelay $0x2  }
0xb9: {  	s31 =	sshll.u32 s1, $0xD;
	s1 =	sshrl.u32 s1, $0x2  }
0xba: {  	s3 =	sand.u32 $0x4000, s31;
	s1 =	sadd.s32 s1, s30  }
0xbb: {  	s0 =	sor.u32 s3, s0;
	s1 =	sshll.u32 s1, $0x11  }
0xbc: {  	s0 =	sor.u32 s1, s0  }
0xbd: {  	s0 =	sadd.s32 $0x8F2B, s0  }
0xbe: {  	[sflag:s0] =	ssyncadd.remote.s32 $0x1  }
0xbf: {  	_ =	sfence.sel $0xFFFF  }
0xc0: {  	[dreg:$0x0] =	wrdreg $0xFFFFFFFF;
	(pc) =	sbr.abs _section_cstart, $3  }
0xc1: {  	[dreg:$0x1] =	wrdreg $0xFFFFFFFF  }
0xc2: {  	_ =	task.clear_ibuf [dreg:s6], $0x2FFFF;
	_ =	strace $0x9FFFFFFF  }
0xc3: {  	(tm) =	ssettm $0x7FFFFFFF  }
tec
execute0_lowered:
.L_overlay_start_1:
0x0: {  	(tag) =	ssettag $0x1  }
0x1: {  	s0 =	rddreg [dreg:$0x0]  }
0x2: {  	s11 =	stileid.u32;
	s2 =	rddreg [dreg:$0x1]  }
0x3: {  	s1 =	srdreg.scid;
	s3 =	rddreg [dreg:$0x2];
	s12 =	simm.s32 $0x3  }
0x4: {  	s13 =	simm.s32 $0x5000;
	s14 =	simm.s32 $0x6000;
	s5 =	smul.u32 $0xA000, s11  }
0x5: {  	s1 =	sand.u32 $0x1, s1;
	s4 =	sshll.u32 s11, $0x1;
	s10 =	smul.u32 $0x14000, s11  }
0x6: {  	s11 =	sshll.u32 s11, $0x6;
	s6 =	sor.u32 s1, s4;
	s4 =	simm.s32 $0x0  }
0x7: {  	s8 =	smul.u32 $0xA0000, s1;
	s1 =	ssub.s32 $0x2, s1;
	s17 =	sor.u32 $0x1C01, s11  }
0x8: {  	s6 =	smul.u32 $0x500, s6;
	[smem:$0x7FF] =	sst s4;
	s7 =	sshrl.u32 s5, $0x4  }
0x9: {  	s9 =	sshrl.u32 s1, $0x1;
	s16 =	sshrl.u32 s10, $0x2;
	s10 =	simm.s32 $0x2  }
0xa: {  	_ =	strace $0x8000004D;
	s7 =	sadd.s32 s7, s0;
	s8 =	sadd.s32 s5, s8  }
0xb: {  	s1 =	ssub.s32 s1, s9;
	s5 =	sshrl.u32 s5, $0x1;
	[dreg:$0x4] =	wrdreg s11  }
0xc: {  	[dreg:$0x6] =	wrdreg s17;
	s9 =	simm.s32 $0x5;
	s11 =	simm.s32 $0x1  }
0xd: {  	s6 =	sadd.s32 s6, s0;
	s8 =	sshrl.u32 s8, $0x4;
	s7 =	sadd.s32 $0x2400, s7  }
0xe: {  	s15 =	sadd.s32 s5, s2;
	s1 =	smax.u32 s1, $0x1;
	[dreg:$0x5] =	wrdreg s7  }
0xf: {  	s19 =	sadd.s32 s5, s3;
	s18 =	sadd.s32 $0x16400, s6;
	[dreg:$0xa] =	wrdreg s1  }
0x10: {  	s0 =	sadd.s32 s8, s0;
	s6 =	sadd.s32 $0xC400, s6;
	[dreg:$0x7] =	wrdreg s18  }
0x11: {  	s8 =	sadd.s32 s16, s3;
	[dreg:$0x8] =	wrdreg s6;
	s0 =	sadd.s32 $0x20400, s0  }
0x12: {  	s5 =	simm.s32 $0x80;
	s20 =	sadd.s32 $0x400, s8;
	[dreg:$0x9] =	wrdreg s0  }
0x13: {  	s7 =	simm.s32 $0x7000;
	s21 =	sadd.s32 $0x800, s8;
	[dreg:$0xb] =	wrdreg s20  }
0x14: {  	s16 =	simm.s32 $0x0;
	s22 =	sadd.s32 $0xC00, s8;
	[dreg:$0xc] =	wrdreg s21  }
0x15: {  	s23 =	sadd.s32 $0x1000, s8;
	s24 =	sadd.s32 $0x1400, s8;
	[dreg:$0xd] =	wrdreg s22  }
0x16: {  	s25 =	sadd.s32 $0x1800, s8;
	s26 =	sadd.s32 $0x1C00, s8;
	[dreg:$0xe] =	wrdreg s23  }
0x17: {  	s28 =	sadd.s32 $0x3400, s8;
	s29 =	sadd.s32 $0x3800, s8;
	[dreg:$0xf] =	wrdreg s24  }
0x18: {  	s30 =	sadd.s32 $0x3C00, s8;
	s31 =	sadd.s32 $0x4000, s8;
	[dreg:$0x10] =	wrdreg s25  }
0x19: {  	s1 =	sadd.s32 $0x4400, s8;
	s6 =	sadd.s32 $0x4C00, s8;
	[dreg:$0x11] =	wrdreg s26  }
0x1a: {  	s20 =	sadd.s32 $0x2000, s8;
	s21 =	sadd.s32 $0x2400, s8;
	s22 =	sadd.s32 $0x2800, s8  }
0x1b: {  	s23 =	sadd.s32 $0x2C00, s8;
	s24 =	sshrl.u32 s15, $0x3;
	s25 =	sshrl.u32 s19, $0x3  }
0x1c: {  	v0 =	vimm.bf16 $0.0e+00;
	s26 =	sadd.s32 $0x3000, s8;
	s0 =	sadd.s32 $0x4800, s8;
	s15 =	simm.s32 $0x4  }
.LBB2_1:
0x1d: {  	s17 =	rddreg [dreg:$0x5]  }
0x1e: {  	s18 =	rddreg [dreg:$0x6]  }
0x1f: {  	[spmem:s24], [sflag:s18] =	dma.local [hbm:s17], $0xA00;
	[tilespmem:$0x7000] =	vst v0  }
0x20: {  	[tilespmem:$0x7010] =	vst v0  }
0x21: {  	[tilespmem:$0x7020] =	vst v0  }
0x22: {  	[tilespmem:$0x7030] =	vst v0  }
0x23: {  	[tilespmem:$0x7040] =	vst v0  }
0x24: {  	[tilespmem:$0x7050] =	vst v0  }
0x25: {  	[tilespmem:$0x7060] =	vst v0  }
0x26: {  	[tilespmem:$0x7070] =	vst v0  }
0x27: {  	[tilespmem:$0x7080] =	vst v0  }
0x28: {  	[tilespmem:$0x7090] =	vst v0  }
0x29: {  	[tilespmem:$0x70A0] =	vst v0  }
0x2a: {  	[tilespmem:$0x70B0] =	vst v0  }
0x2b: {  	[tilespmem:$0x70C0] =	vst v0  }
0x2c: {  	[tilespmem:$0x70D0] =	vst v0  }
0x2d: {  	[tilespmem:$0x70E0] =	vst v0  }
0x2e: {  	[tilespmem:$0x70F0] =	vst v0  }
0x2f: {  	[tilespmem:$0x7100] =	vst v0  }
0x30: {  	[tilespmem:$0x7110] =	vst v0  }
0x31: {  	[tilespmem:$0x7120] =	vst v0  }
0x32: {  	[tilespmem:$0x7130] =	vst v0  }
0x33: {  	[tilespmem:$0x7140] =	vst v0  }
0x34: {  	[tilespmem:$0x7150] =	vst v0  }
0x35: {  	[tilespmem:$0x7160] =	vst v0  }
0x36: {  	[tilespmem:$0x7170] =	vst v0  }
0x37: {  	[tilespmem:$0x7180] =	vst v0  }
0x38: {  	[tilespmem:$0x7190] =	vst v0  }
0x39: {  	[tilespmem:$0x71A0] =	vst v0  }
0x3a: {  	[tilespmem:$0x71B0] =	vst v0  }
0x3b: {  	[tilespmem:$0x71C0] =	vst v0  }
0x3c: {  	[tilespmem:$0x71D0] =	vst v0  }
0x3d: {  	[tilespmem:$0x71E0] =	vst v0  }
0x3e: {  	[tilespmem:$0x71F0] =	vst v0  }
0x3f: {  	[tilespmem:$0x7200] =	vst v0  }
0x40: {  	[tilespmem:$0x7210] =	vst v0  }
0x41: {  	[tilespmem:$0x7220] =	vst v0  }
0x42: {  	[tilespmem:$0x7230] =	vst v0  }
0x43: {  	[tilespmem:$0x7240] =	vst v0  }
0x44: {  	[tilespmem:$0x7250] =	vst v0  }
0x45: {  	[tilespmem:$0x7260] =	vst v0  }
0x46: {  	[tilespmem:$0x7270] =	vst v0  }
0x47: {  	[tilespmem:$0x7280] =	vst v0  }
0x48: {  	[tilespmem:$0x7290] =	vst v0  }
0x49: {  	[tilespmem:$0x72A0] =	vst v0  }
0x4a: {  	[tilespmem:$0x72B0] =	vst v0  }
0x4b: {  	[tilespmem:$0x72C0] =	vst v0  }
0x4c: {  	[tilespmem:$0x72D0] =	vst v0  }
0x4d: {  	[tilespmem:$0x72E0] =	vst v0  }
0x4e: {  	[tilespmem:$0x72F0] =	vst v0  }
0x4f: {  	[tilespmem:$0x7300] =	vst v0  }
0x50: {  	[tilespmem:$0x7310] =	vst v0  }
0x51: {  	[tilespmem:$0x7320] =	vst v0  }
0x52: {  	[tilespmem:$0x7330] =	vst v0  }
0x53: {  	[tilespmem:$0x7340] =	vst v0  }
0x54: {  	[tilespmem:$0x7350] =	vst v0  }
0x55: {  	[tilespmem:$0x7360] =	vst v0  }
0x56: {  	[tilespmem:$0x7370] =	vst v0  }
0x57: {  	[tilespmem:$0x7380] =	vst v0  }
0x58: {  	[tilespmem:$0x7390] =	vst v0  }
0x59: {  	[tilespmem:$0x73A0] =	vst v0  }
0x5a: {  	[tilespmem:$0x73B0] =	vst v0  }
0x5b: {  	[tilespmem:$0x73C0] =	vst v0  }
0x5c: {  	[tilespmem:$0x73D0] =	vst v0  }
0x5d: {  	[tilespmem:$0x73E0] =	vst v0  }
0x5e: {  	[tilespmem:$0x73F0] =	vst v0  }
0x5f: {  	[spmem:s8] =	stream.linear.scatter [tilespmem:s7], [sflag:$0x3], $0x400, $0x38;
	[tilespmem:$0x11400] =	vst v63  }
0x60: {  	s17 =	rddreg [dreg:$0xb]  }
0x61: {  	[spmem:s17] =	stream.linear.scatter [tilespmem:s7], [sflag:$0x3], $0x400, $0x38;
	[tilespmem:$0x11400] =	vst v63  }
0x62: {  	s19 =	rddreg [dreg:$0xc]  }
0x63: {  	[spmem:s19] =	stream.linear.scatter [tilespmem:s7], [sflag:$0x3], $0x400, $0x38;
	[tilespmem:$0x11400] =	vst v63  }
0x64: {  	s18 =	rddreg [dreg:$0xd]  }
0x65: {  	[spmem:s18] =	stream.linear.scatter [tilespmem:s7], [sflag:$0x3], $0x400, $0x38;
	[tilespmem:$0x11400] =	vst v63  }
0x66: {  	s19 =	rddreg [dreg:$0xe]  }
0x67: {  	[spmem:s19] =	stream.linear.scatter [tilespmem:s7], [sflag:$0x3], $0x400, $0x38;
	[tilespmem:$0x11400] =	vst v63  }
0x68: {  	s18 =	rddreg [dreg:$0xf]  }
0x69: {  	[spmem:s18] =	stream.linear.scatter [tilespmem:s7], [sflag:$0x3], $0x400, $0x38;
	[tilespmem:$0x11400] =	vst v63  }
0x6a: {  	s19 =	rddreg [dreg:$0x10]  }
0x6b: {  	[spmem:s19] =	stream.linear.scatter [tilespmem:s7], [sflag:$0x3], $0x400, $0x38;
	[tilespmem:$0x11400] =	vst v63  }
0x6c: {  	s18 =	rddreg [dreg:$0x11]  }
0x6d: {  	[spmem:s18] =	stream.linear.scatter [tilespmem:s7], [sflag:$0x3], $0x400, $0x38;
	[tilespmem:$0x11400] =	vst v63  }
0x6e: {  	_ = 	snop  }
0x6f: {  	[spmem:s20] =	stream.linear.scatter [tilespmem:s7], [sflag:$0x3], $0x400, $0x38;
	[tilespmem:$0x11400] =	vst v63  }
0x70: {  	_ = 	snop  }
0x71: {  	[spmem:s21] =	stream.linear.scatter [tilespmem:s7], [sflag:$0x3], $0x400, $0x38;
	[tilespmem:$0x11400] =	vst v63  }
0x72: {  	_ = 	snop  }
0x73: {  	[spmem:s22] =	stream.linear.scatter [tilespmem:s7], [sflag:$0x3], $0x400, $0x38;
	[tilespmem:$0x11400] =	vst v63  }
0x74: {  	_ = 	snop  }
0x75: {  	[spmem:s23] =	stream.linear.scatter [tilespmem:s7], [sflag:$0x3], $0x400, $0x38;
	[tilespmem:$0x11400] =	vst v63  }
0x76: {  	_ = 	snop  }
0x77: {  	[spmem:s26] =	stream.linear.scatter [tilespmem:s7], [sflag:$0x3], $0x400, $0x38;
	[tilespmem:$0x11400] =	vst v63  }
0x78: {  	_ = 	snop  }
0x79: {  	[spmem:s28] =	stream.linear.scatter [tilespmem:s7], [sflag:$0x3], $0x400, $0x38;
	[tilespmem:$0x11400] =	vst v63  }
0x7a: {  	_ = 	snop  }
0x7b: {  	[spmem:s29] =	stream.linear.scatter [tilespmem:s7], [sflag:$0x3], $0x400, $0x38;
	[tilespmem:$0x11400] =	vst v63  }
0x7c: {  	_ = 	snop  }
0x7d: {  	[spmem:s30] =	stream.linear.scatter [tilespmem:s7], [sflag:$0x3], $0x400, $0x38;
	[tilespmem:$0x11400] =	vst v63  }
0x7e: {  	_ = 	snop  }
0x7f: {  	[spmem:s31] =	stream.linear.scatter [tilespmem:s7], [sflag:$0x3], $0x400, $0x38;
	[tilespmem:$0x11400] =	vst v63  }
0x80: {  	_ = 	snop  }
0x81: {  	[spmem:s1] =	stream.linear.scatter [tilespmem:s7], [sflag:$0x3], $0x400, $0x38;
	[tilespmem:$0x11400] =	vst v63  }
0x82: {  	_ = 	snop  }
0x83: {  	[spmem:s0] =	stream.linear.scatter [tilespmem:s7], [sflag:$0x3], $0x400, $0x38;
	[tilespmem:$0x11400] =	vst v63  }
0x84: {  	_ = 	snop  }
0x85: {  	[spmem:s6] =	stream.linear.scatter [tilespmem:s7], [sflag:$0x3], $0x400, $0x38;
	[tilespmem:$0x11400] =	vst v63  }
0x86: {  	s19 =	rddreg [dreg:$0x7]  }
0x87: {  	[tilespmem:s4], [sflag:$0x2] =	stream.linear.gather [hbm4b:s19+s4], $0x2800, $0x38;
	[tilespmem:$0x11400] =	vst v63  }
0x88: {  	s18 =	rddreg [dreg:$0x8];
	s19 =	simm.s32 $0x2800  }
0x89: {  	[tilespmem:s19], [sflag:$0x5] =	stream.linear.gather [hbm4b:s18+s4], $0x2800, $0x38;
	[tilespmem:$0x11400] =	vst v63  }
0x8a: {  	_ =	swait.ge [sflag:s9], $0x2800  }
0x8b: {  	[sflag:s9] =	ssyncset.done $0x0  }
0x8c: {  	[sflag:s9] =	ssyncadd.s32 $0xFFFFD800  }
0x8d: {  	_ =	swait.ge [sflag:s10], $0x2800  }
0x8e: {  	[sflag:s10] =	ssyncset.done $0x0  }
0x8f: {  	[sflag:s10] =	ssyncadd.s32 $0xFFFFD800  }
0x90: {  	_ =	swait.ge [sflag:s11], $0xA00  }
0x91: {  	[sflag:s11] =	ssyncset.done $0x0  }
0x92: {  	[sflag:s11] =	ssyncadd.s32 $0xFFFFF600  }
0x93: {  	_ =	swait.ge [sflag:s12], $0x400  }
0x94: {  	[sflag:s12] =	ssyncset.done $0x0  }
0x95: {  	[sflag:s12] =	ssyncadd.s32 $0xFFFFFC00  }
0x96: {  	_ =	swait.ge [sflag:s12], $0x400  }
0x97: {  	[sflag:s12] =	ssyncset.done $0x0  }
0x98: {  	[sflag:s12] =	ssyncadd.s32 $0xFFFFFC00  }
0x99: {  	_ =	swait.ge [sflag:s12], $0x400  }
0x9a: {  	[sflag:s12] =	ssyncset.done $0x0  }
0x9b: {  	[sflag:s12] =	ssyncadd.s32 $0xFFFFFC00  }
0x9c: {  	_ =	swait.ge [sflag:s12], $0x400  }
0x9d: {  	[sflag:s12] =	ssyncset.done $0x0  }
0x9e: {  	[sflag:s12] =	ssyncadd.s32 $0xFFFFFC00  }
0x9f: {  	_ =	swait.ge [sflag:s12], $0x400  }
0xa0: {  	[sflag:s12] =	ssyncset.done $0x0  }
0xa1: {  	[sflag:s12] =	ssyncadd.s32 $0xFFFFFC00  }
0xa2: {  	_ =	swait.ge [sflag:s12], $0x400  }
0xa3: {  	[sflag:s12] =	ssyncset.done $0x0  }
0xa4: {  	[sflag:s12] =	ssyncadd.s32 $0xFFFFFC00  }
0xa5: {  	_ =	swait.ge [sflag:s12], $0x400  }
0xa6: {  	[sflag:s12] =	ssyncset.done $0x0  }
0xa7: {  	[sflag:s12] =	ssyncadd.s32 $0xFFFFFC00  }
0xa8: {  	_ =	swait.ge [sflag:s12], $0x400  }
0xa9: {  	[sflag:s12] =	ssyncset.done $0x0  }
0xaa: {  	[sflag:s12] =	ssyncadd.s32 $0xFFFFFC00  }
0xab: {  	_ =	swait.ge [sflag:s12], $0x400  }
0xac: {  	[sflag:s12] =	ssyncset.done $0x0  }
0xad: {  	[sflag:s12] =	ssyncadd.s32 $0xFFFFFC00  }
0xae: {  	_ =	swait.ge [sflag:s12], $0x400  }
0xaf: {  	[sflag:s12] =	ssyncset.done $0x0  }
0xb0: {  	[sflag:s12] =	ssyncadd.s32 $0xFFFFFC00  }
0xb1: {  	_ =	swait.ge [sflag:s12], $0x400  }
0xb2: {  	[sflag:s12] =	ssyncset.done $0x0  }
0xb3: {  	[sflag:s12] =	ssyncadd.s32 $0xFFFFFC00  }
0xb4: {  	_ =	swait.ge [sflag:s12], $0x400  }
0xb5: {  	[sflag:s12] =	ssyncset.done $0x0  }
0xb6: {  	[sflag:s12] =	ssyncadd.s32 $0xFFFFFC00  }
0xb7: {  	_ =	swait.ge [sflag:s12], $0x400  }
0xb8: {  	[sflag:s12] =	ssyncset.done $0x0  }
0xb9: {  	[sflag:s12] =	ssyncadd.s32 $0xFFFFFC00  }
0xba: {  	_ =	swait.ge [sflag:s12], $0x400  }
0xbb: {  	[sflag:s12] =	ssyncset.done $0x0  }
0xbc: {  	[sflag:s12] =	ssyncadd.s32 $0xFFFFFC00  }
0xbd: {  	_ =	swait.ge [sflag:s12], $0x400  }
0xbe: {  	[sflag:s12] =	ssyncset.done $0x0  }
0xbf: {  	[sflag:s12] =	ssyncadd.s32 $0xFFFFFC00  }
0xc0: {  	_ =	swait.ge [sflag:s12], $0x400  }
0xc1: {  	[sflag:s12] =	ssyncset.done $0x0  }
0xc2: {  	[sflag:s12] =	ssyncadd.s32 $0xFFFFFC00  }
0xc3: {  	_ =	swait.ge [sflag:s12], $0x400  }
0xc4: {  	[sflag:s12] =	ssyncset.done $0x0  }
0xc5: {  	[sflag:s12] =	ssyncadd.s32 $0xFFFFFC00  }
0xc6: {  	_ =	swait.ge [sflag:s12], $0x400  }
0xc7: {  	[sflag:s12] =	ssyncset.done $0x0  }
0xc8: {  	[sflag:s12] =	ssyncadd.s32 $0xFFFFFC00  }
0xc9: {  	_ =	swait.ge [sflag:s12], $0x400  }
0xca: {  	[sflag:s12] =	ssyncset.done $0x0  }
0xcb: {  	[sflag:s12] =	ssyncadd.s32 $0xFFFFFC00  }
0xcc: {  	_ =	swait.ge [sflag:s12], $0x400  }
0xcd: {  	[sflag:s12] =	ssyncset.done $0x0  }
0xce: {  	[sflag:s12] =	ssyncadd.s32 $0xFFFFFC00  }
0xcf: {  	[bflag:$0x0] =	sbarrier.arrive $0xFFFF  }
0xd0: {  	[tilespmem:s13], [sflag:$0x1] =	stream.indirect.gather [spmem:s2], $0x20, s4, s5, $0xb8;
	[tilespmem:$0x11400] =	vst v63  }
0xd1: {  	_ = 	snop  }
0xd2: {  	[tilespmem:s14], [sflag:$0x2] =	stream.indirect.gather [spmem:s2], $0x20, s5, s5, $0xb8;
	[tilespmem:$0x11400] =	vst v63  }
0xd3: {  	_ =	swait.ge [sflag:s11], $0x1000  }
0xd4: {  	[sflag:s11] =	ssyncset.done $0x0  }
0xd5: {  	s19 =	simm.s32 $0x2800;
	[sflag:s11] =	ssyncadd.s32 $0xFFFFF000  }
0xd6: {  	[spmem:s3] =	stream.indirect.scatter.add.bf16 [tilespmem:s13], [sflag:$0x3], $0x20, s19, s5, $0xb8;
	[tilespmem:$0x11400] =	vst v63  }
0xd7: {  	_ =	swait.ge [sflag:s10], $0x1000  }
0xd8: {  	[sflag:s10] =	ssyncset.done $0x0  }
0xd9: {  	s18 =	simm.s32 $0x2880;
	[sflag:s10] =	ssyncadd.s32 $0xFFFFF000  }
0xda: {  	[spmem:s3] =	stream.indirect.scatter.add.bf16 [tilespmem:s14], [sflag:$0x4], $0x20, s18, s5, $0xb8;
	[tilespmem:$0x11400] =	vst v63  }
0xdb: {  	_ =	swait.ge [sflag:s12], $0x1000  }
0xdc: {  	[sflag:s12] =	ssyncset.done $0x0  }
0xdd: {  	s19 =	simm.s32 $0x100;
	[sflag:s12] =	ssyncadd.s32 $0xFFFFF000  }
0xde: {  	[tilespmem:s13], [sflag:$0x1] =	stream.indirect.gather [spmem:s2], $0x20, s19, s5, $0xb8;
	[tilespmem:$0x11400] =	vst v63  }
0xdf: {  	_ =	swait.ge [sflag:s15], $0x1000  }
0xe0: {  	[sflag:s15] =	ssyncset.done $0x0  }
0xe1: {  	s17 =	simm.s32 $0x400;
	s18 =	simm.s32 $0x180;
	[sflag:s15] =	ssyncadd.s32 $0xFFFFF000  }
.LBB2_2:
0xe2: {  	[tilespmem:s14], [sflag:$0x2] =	stream.indirect.gather [spmem:s2], $0x20, s18, s5, $0xb8;
	[tilespmem:$0x11400] =	vst v63  }
0xe3: {  	s18 =	smov.u32 s17  }
0xe4: {  	p0 =	sne.s32 s17, $0x9800;
	s17 =	sadd.s32 $0x400, s17;
	_ =	swait.ge [sflag:s11], $0x1000  }
0xe5: {  	s18 =	sshra.s32 s18, $0x2;
	[sflag:s11] =	ssyncset.done $0x0  }
0xe6: {  	s19 =	sadd.s32 $0x2800, s18;
	[sflag:s11] =	ssyncadd.s32 $0xFFFFF000  }
0xe7: {  	[spmem:s3] =	stream.indirect.scatter.add.bf16 [tilespmem:s13], [sflag:$0x3], $0x20, s19, s5, $0xb8;
	[tilespmem:$0x11400] =	vst v63  }
0xe8: {  	_ =	swait.ge [sflag:s10], $0x1000  }
0xe9: {  	[sflag:s10] =	ssyncset.done $0x0  }
0xea: {  	s19 =	sadd.s32 $0x2880, s18;
	[sflag:s10] =	ssyncadd.s32 $0xFFFFF000  }
0xeb: {  	[spmem:s3] =	stream.indirect.scatter.add.bf16 [tilespmem:s14], [sflag:$0x4], $0x20, s19, s5, $0xb8;
	[tilespmem:$0x11400] =	vst v63  }
0xec: {  	_ =	swait.ge [sflag:s12], $0x1000  }
0xed: {  	[sflag:s12] =	ssyncset.done $0x0  }
.Ltmp0:
0xee: {  	s19 =	sadd.s32 $0x100, s18;
	[sflag:s12] =	ssyncadd.s32 $0xFFFFF000;
	(pc) =	sbr.rel @p0 .LBB2_2-.Ltmp0, $4  }
0xef: {  	[tilespmem:s13], [sflag:$0x1] =	stream.indirect.gather [spmem:s2], $0x20, s19, s5, $0xb8;
	[tilespmem:$0x11400] =	vst v63  }
0xf0: {  	_ =	swait.ge [sflag:s15], $0x1000  }
0xf1: {  	[sflag:s15] =	ssyncset.done $0x0  }
0xf2: {  	s18 =	sadd.s32 $0x180, s18;
	[sflag:s15] =	ssyncadd.s32 $0xFFFFF000  }
0xf3: {  	[tilespmem:s14], [sflag:$0x2] =	stream.indirect.gather [spmem:s2], $0x20, s18, s5, $0xb8;
	[tilespmem:$0x11400] =	vst v63  }
0xf4: {  	_ =	swait.ge [sflag:s11], $0x1000  }
0xf5: {  	[sflag:s11] =	ssyncset.done $0x0  }
0xf6: {  	s17 =	simm.s32 $0x4F00;
	[sflag:s11] =	ssyncadd.s32 $0xFFFFF000  }
0xf7: {  	[spmem:s3] =	stream.indirect.scatter.add.bf16 [tilespmem:s13], [sflag:$0x3], $0x20, s17, s5, $0xb8;
	[tilespmem:$0x11400] =	vst v63  }
0xf8: {  	_ =	swait.ge [sflag:s10], $0x1000  }
0xf9: {  	[sflag:s10] =	ssyncset.done $0x0  }
0xfa: {  	s19 =	simm.s32 $0x4F80;
	[sflag:s10] =	ssyncadd.s32 $0xFFFFF000  }
0xfb: {  	[spmem:s3] =	stream.indirect.scatter.add.bf16 [tilespmem:s14], [sflag:$0x4], $0x20, s19, s5, $0xb8;
	[tilespmem:$0x11400] =	vst v63  }
0xfc: {  	_ =	swait.ge [sflag:s12], $0x1000  }
0xfd: {  	[sflag:s12] =	ssyncset.done $0x0  }
0xfe: {  	[sflag:s12] =	ssyncadd.s32 $0xFFFFF000  }
0xff: {  	_ =	swait.ge [sflag:s15], $0x1000  }
0x100: {  	[sflag:s15] =	ssyncset.done $0x0  }
0x101: {  	[sflag:s15] =	ssyncadd.s32 $0xFFFFF000  }
0x102: {  	[bflag:$0x0] =	sbarrier.arrive $0xFFFF  }
0x103: {  	s18 =	rddreg [dreg:$0x4]  }
0x104: {  	s19 =	rddreg [dreg:$0x9];
	s17 =	sor.u32 $0x1C05, s18  }
0x105: {  	[hbm:s19], [sflag:s17] =	dma.local [spmem:s25], $0xA00  }
0x106: {  	_ =	swait.ge [sflag:s9], $0xA00  }
0x107: {  	s16 =	sadd.s32 $0x1, s16;
	s19 =	rddreg [dreg:$0xa]  }
0x108: {  	p0 =	sne.s32 s16, s19  }
.Ltmp1:
0x109: {  	_ = 	snop;
	(pc) =	sbr.rel @p0 .LBB2_1-.Ltmp1, $3  }
0x10a: {  	_ =	sdelay $0x1  }
0x10b: {  	[sflag:s9] =	ssyncset.done $0x0  }
0x10c: {  	[sflag:s9] =	ssyncadd.s32 $0xFFFFF600  }
0x10d: {  	_ =	sfence.sel $0x180000  }
0x10e: {  	[bflag:$0x0] =	sbarrier.arrive $0xFFFF  }
0x10f: {  	_ =	strace $0x9000004D  }
0x110: {  	s0 =	stileid.u32;
	[bflag:$0x2] =	sbarrier.arrive $0xFFFF  }
0x111: {  	p0 =	sne.s32 s0, $0x0;
	s0 =	rddreg [dreg:$0x3]  }
0x112: {  	s0 =	sadd.s32 @!p0 $0x100000, s0  }
0x113: {  	[sflag:s0] =	ssyncadd.tile.s32 @!p0 $0x1;
	_ =	shalt  }
.Lfunc_end2:
_tile_overlayer_lowered:
.L_overlay_start_2:
0x114: {  	(tag) =	ssettag $0x2  }
0x115: {  	s0 =	rddreg [dreg:$0x0];
	s2 =	stileid.u32  }
0x116: {  	s1 =	rddreg [dreg:$0x1];
	p0 =	sne.s32 s2, $0x0  }
0x117: {  	s3 =	rddreg [dreg:$0x2];
	[bflag:$0x3] =	sbarrier.arrive $0xFFFF;
	s2 =	simm.s32 @!p0 $0x1C05  }
0x118: {  	[timem:s3], [sflag:s2] =	dma.local @!p0 [hbm:s0], s1  }
0x119: {  	s0 =	simm.s32 @!p0 $0x5  }
0x11a: {  	_ =	swait.ge @!p0 [sflag:s0], s1  }
0x11b: {  	s1 =	ssub.s32 @!p0 $0x0, s1;
	[sflag:s0] =	ssyncset.done @!p0 $0x0  }
0x11c: {  	[sflag:s0] =	ssyncadd.s32 @!p0 s1  }
0x11d: {  	[bflag:$0x3] =	sbarrier.arrive $0xFFFF  }
0x11e: {  	_ =	shalt  }

// kernel: kernel.9.cloned.1.call-start
scs
__scs_entry_jumppad:
0x0: {  	(pc) =	sbr.rel $0x88, $3  }
0x1: {  	(tag) =	ssettag $0x0;
	lr =	simm.s32 $0x1  }
0x2: {  	[smem:$0x3F93] =	sst lr;
	_ =	strace $0xD0000000  }
0x3: {  	_ = 	snop  }
0x4: {  	_ = 	snop  }
0x5: {  	_ = 	snop  }
0x6: {  	_ = 	snop  }
0x7: {  	_ = 	snop  }
__scs_overlays_trampoline_lowered:
0x8: {  	[smem:$0x3FA2] =	sst s0  }
0x9: {  	[smem:$0x3FA3] =	sst s1  }
0xa: {  	[smem:$0x3FA4] =	sst s2  }
0xb: {  	[smem:$0x3FA5] =	sst s3  }
0xc: {  	[smem:$0x3FA6] =	sst s4  }
0xd: {  	[smem:$0x3FA7] =	sst s5  }
0xe: {  	[smem:$0x3FA8] =	sst s6  }
0xf: {  	[smem:$0x3FA9] =	sst s7  }
0x10: {  	[smem:$0x3FAA] =	sst s8  }
0x11: {  	[smem:$0x3FAB] =	sst s9;
	s0 =	simm.s32 @!p0 $0x0  }
0x12: {  	s1 =	sld [smem:$0x3F91];
	s0 =	simm.s32 @p0 $0x1  }
0x13: {  	[smem:$0x3FAC] =	sst s0;
	s0 =	simm.s32 @!p1 $0x0  }
0x14: {  	s2 =	sld [smem:$0x3F90];
	s0 =	simm.s32 @p1 $0x1  }
0x15: {  	[smem:$0x3FAD] =	sst s0;
	s0 =	simm.s32 @!p2 $0x0  }
0x16: {  	s3 =	sld [smem:$0x3FDB];
	s0 =	simm.s32 @p2 $0x1  }
0x17: {  	s4 =	simm.s32 $0x1BF5;
	[smem:$0x3FAF] =	sst s0  }
0x18: {  	s0 =	sld [smem:$0x3F92];
	_ =	swait.ge [sflag:s4], $0x0  }
0x19: {  	s7 =	sld [smem:$0x3F93]  }
0x1a: {  	s8 =	sadd.s32 $0xFFFFE003, lr  }
0x1b: {  	s9 =	sadd.s32 $0xFFFFFEF7, lr;
	s5 =	simm.s32 $0xFFFFFFFF;
	p2 =	slt.u32 s8, $0xFFFFF086  }
0x1c: {  	p1 =	slt.u32 s9, $0xF7A;
	s5 =	simm.s32 @!p2 $0x0  }
0x1d: {  	s5 =	simm.s32 @p1 $0x1;
	p0 =	seq.s32 s7, s2  }
0x1e: {  	s7 =	smul.u32 @!p0 $0xF7A, s2;
	p2 =	seq.s32 @!p0 s5, $0x0  }
0x1f: {  	s9 =	smul.u32 $0xF7A, s1;
	s8 =	simm.s32 @!p0 $0x1BF5;
	p2 =	por !p2, p0  }
0x20: {  	[sflag:s8] =	ssyncset.s32 @!p0 $0xFFFFF086;
	s6 =	sadd.s32 @!p0 s3, s7;
	s7 =	simm.s32 @!p0 $0x108  }
0x21: {  	s3 =	sadd.s32 s3, s9;
	s6 =	sadd.s32 @!p0 $0x88, s6;
	s7 =	simm.s32 @p2 $0x1082  }
0x22: {  	[simem:s7], [sflag:s8] =	dma.local @!p0 [hbm:s6], $0xF7A  }
0x23: {  	s9 =	sor.u32 $0xD0000000, s2;
	s6 =	simm.s32 $0x108;
	_ =	swait.ge @!p0 [sflag:s8], $0x0  }
0x24: {  	s3 =	sadd.s32 $0x88, s3;
	s6 =	simm.s32 @!p1 $0x1082;
	[sflag:s4] =	ssyncset.s32 $0xFFFFF086  }
0x25: {  	[simem:s6], [sflag:s4] =	dma.local [hbm:s3], $0xF7A  }
0x26: {  	[smem:$0x3F93] =	sst s1;
	(tag) =	ssettag s2;
	_ =	strace s9  }
0x27: {  	s1 =	sld [smem:$0x3FA3]  }
0x28: {  	s2 =	sld [smem:$0x3FA4]  }
0x29: {  	s4 =	sld [smem:$0x3FA6]  }
0x2a: {  	p0 =	seq.s32 s5, $0x0;
	s5 =	sld [smem:$0x3FA7]  }
0x2b: {  	s6 =	sld [smem:$0x3FA8]  }
0x2c: {  	s7 =	sld [smem:$0x3FA9]  }
0x2d: {  	s3 =	simm.s32 $0x108;
	s8 =	sld [smem:$0x3FAA]  }
0x2e: {  	s3 =	simm.s32 @!p0 $0x1082;
	s9 =	sld [smem:$0x3FAB]  }
0x2f: {  	lr =	sadd.s32 s0, s3;
	s0 =	sld [smem:$0x3FA2]  }
0x30: {  	s3 =	sld [smem:$0x3FA5]  }
0x31: {  	[smem:$0x3FAE] =	sst s10  }
0x32: {  	s10 =	sld [smem:$0x3FAC];
	_ =	sdelay $0x3  }
0x33: {  	p0 =	seq.s32 s10, $0x1;
	s10 =	sld [smem:$0x3FAE];
	_ =	sdelay $0x3  }
0x34: {  	[smem:$0x3FAE] =	sst s10  }
0x35: {  	s10 =	sld [smem:$0x3FAD];
	_ =	sdelay $0x3  }
0x36: {  	p1 =	seq.s32 s10, $0x1;
	s10 =	sld [smem:$0x3FAE];
	_ =	sdelay $0x3  }
0x37: {  	[smem:$0x3FAE] =	sst s10  }
0x38: {  	s10 =	sld [smem:$0x3FAF]  }
0x39: {  	_ = 	snop;
	(pc) =	sbr.ind lr, $3  }
0x3a: {  	_ = 	snop  }
0x3b: {  	_ = 	snop  }
0x3c: {  	p2 =	seq.s32 s10, $0x1;
	s10 =	sld [smem:$0x3FAE]  }
0x3d: {  	_ =	shalt  }
0x3e: {  	_ =	shalt  }
0x3f: {  	_ =	shalt  }
0x40: {  	_ =	shalt  }
0x41: {  	_ =	shalt  }
0x42: {  	_ =	shalt  }
0x43: {  	_ =	shalt  }
0x44: {  	_ =	shalt  }
0x45: {  	_ =	shalt  }
0x46: {  	_ =	shalt  }
0x47: {  	_ =	shalt  }
0x48: {  	_ =	shalt  }
0x49: {  	_ =	shalt  }
0x4a: {  	_ =	shalt  }
0x4b: {  	_ =	shalt  }
0x4c: {  	_ =	shalt  }
0x4d: {  	_ =	shalt  }
0x4e: {  	_ =	shalt  }
0x4f: {  	_ =	shalt  }
0x50: {  	_ =	shalt  }
0x51: {  	_ =	shalt  }
0x52: {  	_ =	shalt  }
0x53: {  	_ =	shalt  }
0x54: {  	_ =	shalt  }
0x55: {  	_ =	shalt  }
0x56: {  	_ =	shalt  }
0x57: {  	_ =	shalt  }
0x58: {  	_ =	shalt  }
0x59: {  	_ =	shalt  }
0x5a: {  	_ =	shalt  }
0x5b: {  	_ =	shalt  }
0x5c: {  	_ =	shalt  }
0x5d: {  	_ =	shalt  }
0x5e: {  	_ =	shalt  }
0x5f: {  	_ =	shalt  }
0x60: {  	_ =	shalt  }
0x61: {  	_ =	shalt  }
0x62: {  	_ =	shalt  }
0x63: {  	_ =	shalt  }
0x64: {  	_ =	shalt  }
0x65: {  	_ =	shalt  }
0x66: {  	_ =	shalt  }
0x67: {  	_ =	shalt  }
0x68: {  	_ =	shalt  }
0x69: {  	_ =	shalt  }
0x6a: {  	_ =	shalt  }
0x6b: {  	_ =	shalt  }
0x6c: {  	_ =	shalt  }
0x6d: {  	_ =	shalt  }
0x6e: {  	_ =	shalt  }
0x6f: {  	_ =	shalt  }
0x70: {  	_ =	shalt  }
0x71: {  	_ =	shalt  }
0x72: {  	_ =	shalt  }
0x73: {  	_ =	shalt  }
0x74: {  	_ =	shalt  }
0x75: {  	_ =	shalt  }
0x76: {  	_ =	shalt  }
0x77: {  	_ =	shalt  }
0x78: {  	_ =	shalt  }
0x79: {  	_ =	shalt  }
0x7a: {  	_ =	shalt  }
0x7b: {  	_ =	shalt  }
0x7c: {  	_ =	shalt  }
0x7d: {  	_ =	shalt  }
0x7e: {  	_ =	shalt  }
0x7f: {  	_ =	shalt  }
0x80: {  	_ =	shalt  }
0x81: {  	_ =	shalt  }
0x82: {  	_ =	shalt  }
0x83: {  	_ =	shalt  }
0x84: {  	_ =	shalt  }
0x85: {  	_ =	shalt  }
0x86: {  	_ =	shalt  }
0x87: {  	_ =	shalt  }
.Lfunc_end0:
.L_simem_size_0:
called_computation_lowered:
.L_overlay_start_0:
0x88: {  	s2 =	sld [smem:$0x3FD9]  }
0x89: {  	s3 =	sld [smem:$0x3FFE];
	_ =	sdelay $0x1  }
0x8a: {  	s1 =	srdreg.scid  }
0x8b: {  	s0 =	sand.u32 $0x1, s1  }
0x8c: {  	s16 =	sshll.u32 s0, $0xA;
	s2 =	sadd.s32 s3, s2  }
0x8d: {  	s2 =	sadd.s32 s2, s16  }
0x8e: {  	[smem:$0x3FBA] =	sst s2  }
0x8f: {  	_ = 	snop  }
0x90: {  	(tm) =	ssettm $0x1  }
0x91: {  	s17 =	sld [smem:$0x3FFB];
	_ =	sdelay $0x3  }
0x92: {  	_ =	strace s17  }
0x93: {  	s2 =	sld [smem:$0x3FFC];
	_ =	sdelay $0x3  }
0x94: {  	_ =	strace s2  }
0x95: {  	s2 =	sld [smem:$0x3FFD];
	_ =	sdelay $0x3  }
0x96: {  	_ =	strace s2  }
0x97: {  	_ =	strace $0x8FFFFFFF  }
0x98: {  	s18 =	sld [smem:$0x3FDB];
	_ =	sdelay $0x1  }
0x99: {  	s19 =	simm.s32 $_scs_section_size  }
0x9a: {  	s4 =	simm.s32 $_size__tile_overlayer_lowered;
	s5 =	simm.s32 $_tile_overlayer_lowered  }
0x9b: {  	s22 =	simm.s32 $0x1BFF;
	s21 =	sshll.u32 s5, $0x1;
	s2 =	sadd.s32 s19, s18  }
0x9c: {  	s6 =	simm.s32 $0x0;
	s20 =	sshll.u32 s4, $0x1;
	s4 =	sadd.s32 s21, s2  }
0x9d: {  	[timem:s6], [sflag:s22] =	dma.local [hbm:s4], s20  }
0x9e: {  	_ =	swait.ge [sflag:s22], s20  }
0x9f: {  	s3 =	ssub.s32 $0x0, s20;
	[sflag:s22] =	ssyncset.done $0x0  }
0xa0: {  	[sflag:s22] =	ssyncadd.s32 s3;
	_ =	sdelay $0x1  }
0xa1: {  	s23 =	simm.s32 $0x1B8B  }
0xa2: {  	_ =	swait.ge [sflag:s23], $0x1  }
0xa3: {  	[sflag:s23] =	ssyncset.done $0x0  }
0xa4: {  	s25 =	simm.s32 $0x1B8E;
	s24 =	sld [smem:$0x3FFE];
	[sflag:s23] =	ssyncadd.s32 $0xFFFFFFFF  }
0xa5: {  	s26 =	simm.s32 $execute0_lowered;
	[smem:$0x3FD2] =	sst s25  }
0xa6: {  	s4 =	sshll.u32 s26, $0x1;
	_ =	strace $0x80000046;
	[dreg:$0x1] =	wrdreg $0xFFFFFFFF  }
0xa7: {  	s28 =	simm.s32 $_size_execute0_lowered;
	s2 =	sadd.s32 s2, s4;
	[dreg:$0x0] =	wrdreg $0x0  }
0xa8: {  	s4 =	sshll.u32 s28, $0x1;
	[dreg:$0x2] =	wrdreg s2  }
0xa9: {  	[dreg:$0x3] =	wrdreg s4  }
0xaa: {  	[dreg:$0x4] =	wrdreg $0xC0  }
0xab: {  	_ =	task [dreg:s6], $0x5FFFF  }
0xac: {  	[dreg:$0x1] =	wrdreg $0xFFFFFFFF  }
0xad: {  	[dreg:$0x0] =	wrdreg $0x60  }
0xae: {  	[dreg:$0x2] =	wrdreg s24  }
0xaf: {  	[dreg:$0x3] =	wrdreg $0x74000  }
0xb0: {  	[dreg:$0x4] =	wrdreg $0xC4000  }
0xb1: {  	[dreg:$0x5] =	wrdreg $0x9  }
0xb2: {  	_ =	task.clear_ibuf [dreg:s6], $0x6FFFF;
	_ =	strace $0x90000046  }
0xb3: {  	s29 =	simm.s32 $0x9;
	_ =	strace $0x80000048  }
0xb4: {  	_ =	swait.ge [sflag:s29], $0x1  }
0xb5: {  	[sflag:s29] =	ssyncadd.s32 $0xFFFFFFFF  }
0xb6: {  	_ =	strace $0x90000048  }
0xb7: {  	_ =	sfence  }
0xb8: {  	s30 =	sld [smem:$0x0];
	_ =	sdelay $0x2  }
0xb9: {  	s31 =	sshll.u32 s1, $0xD;
	s1 =	sshrl.u32 s1, $0x2  }
0xba: {  	s3 =	sand.u32 $0x4000, s31;
	s1 =	sadd.s32 s1, s30  }
0xbb: {  	s0 =	sor.u32 s3, s0;
	s1 =	sshll.u32 s1, $0x11  }
0xbc: {  	s0 =	sor.u32 s1, s0  }
0xbd: {  	s0 =	sadd.s32 $0x8F2B, s0  }
0xbe: {  	[sflag:s0] =	ssyncadd.remote.s32 $0x1  }
0xbf: {  	_ =	sfence.sel $0xFFFF  }
0xc0: {  	[dreg:$0x0] =	wrdreg $0xFFFFFFFF;
	(pc) =	sbr.abs _section_cstart, $3  }
0xc1: {  	[dreg:$0x1] =	wrdreg $0xFFFFFFFF  }
0xc2: {  	_ =	task.clear_ibuf [dreg:s6], $0x2FFFF;
	_ =	strace $0x9FFFFFFF  }
0xc3: {  	(tm) =	ssettm $0x7FFFFFFF  }
tec
execute0_lowered:
.L_overlay_start_1:
0x0: {  	(tag) =	ssettag $0x1  }
0x1: {  	s0 =	rddreg [dreg:$0x0]  }
0x2: {  	s11 =	stileid.u32;
	s2 =	rddreg [dreg:$0x1]  }
0x3: {  	s1 =	srdreg.scid;
	s3 =	rddreg [dreg:$0x2];
	s12 =	simm.s32 $0x3  }
0x4: {  	s13 =	simm.s32 $0x5000;
	s14 =	simm.s32 $0x6000;
	s5 =	smul.u32 $0xA000, s11  }
0x5: {  	s1 =	sand.u32 $0x1, s1;
	s4 =	sshll.u32 s11, $0x1;
	s10 =	smul.u32 $0x14000, s11  }
0x6: {  	s11 =	sshll.u32 s11, $0x6;
	s6 =	sor.u32 s1, s4;
	s4 =	simm.s32 $0x0  }
0x7: {  	s8 =	smul.u32 $0xA0000, s1;
	s1 =	ssub.s32 $0x2, s1;
	s17 =	sor.u32 $0x1C01, s11  }
0x8: {  	s6 =	smul.u32 $0x500, s6;
	[smem:$0x7FF] =	sst s4;
	s7 =	sshrl.u32 s5, $0x4  }
0x9: {  	s9 =	sshrl.u32 s1, $0x1;
	s16 =	sshrl.u32 s10, $0x2;
	s10 =	simm.s32 $0x2  }
0xa: {  	_ =	strace $0x80000047;
	s7 =	sadd.s32 s7, s0;
	s8 =	sadd.s32 s5, s8  }
0xb: {  	s1 =	ssub.s32 s1, s9;
	s5 =	sshrl.u32 s5, $0x1;
	[dreg:$0x4] =	wrdreg s11  }
0xc: {  	[dreg:$0x6] =	wrdreg s17;
	s9 =	simm.s32 $0x5;
	s11 =	simm.s32 $0x1  }
0xd: {  	s6 =	sadd.s32 s6, s0;
	s8 =	sshrl.u32 s8, $0x4;
	s7 =	sadd.s32 $0x2400, s7  }
0xe: {  	s15 =	sadd.s32 s5, s2;
	s1 =	smax.u32 s1, $0x1;
	[dreg:$0x5] =	wrdreg s7  }
0xf: {  	s19 =	sadd.s32 s5, s3;
	s18 =	sadd.s32 $0x16400, s6;
	[dreg:$0xa] =	wrdreg s1  }
0x10: {  	s0 =	sadd.s32 s8, s0;
	s6 =	sadd.s32 $0xC400, s6;
	[dreg:$0x7] =	wrdreg s18  }
0x11: {  	s8 =	sadd.s32 s16, s3;
	[dreg:$0x8] =	wrdreg s6;
	s0 =	sadd.s32 $0x20400, s0  }
0x12: {  	s5 =	simm.s32 $0x80;
	s20 =	sadd.s32 $0x400, s8;
	[dreg:$0x9] =	wrdreg s0  }
0x13: {  	s7 =	simm.s32 $0x7000;
	s21 =	sadd.s32 $0x800, s8;
	[dreg:$0xb] =	wrdreg s20  }
0x14: {  	s16 =	simm.s32 $0x0;
	s22 =	sadd.s32 $0xC00, s8;
	[dreg:$0xc] =	wrdreg s21  }
0x15: {  	s23 =	sadd.s32 $0x1000, s8;
	s24 =	sadd.s32 $0x1400, s8;
	[dreg:$0xd] =	wrdreg s22  }
0x16: {  	s25 =	sadd.s32 $0x1800, s8;
	s26 =	sadd.s32 $0x1C00, s8;
	[dreg:$0xe] =	wrdreg s23  }
0x17: {  	s28 =	sadd.s32 $0x3400, s8;
	s29 =	sadd.s32 $0x3800, s8;
	[dreg:$0xf] =	wrdreg s24  }
0x18: {  	s30 =	sadd.s32 $0x3C00, s8;
	s31 =	sadd.s32 $0x4000, s8;
	[dreg:$0x10] =	wrdreg s25  }
0x19: {  	s1 =	sadd.s32 $0x4400, s8;
	s6 =	sadd.s32 $0x4C00, s8;
	[dreg:$0x11] =	wrdreg s26  }
0x1a: {  	s20 =	sadd.s32 $0x2000, s8;
	s21 =	sadd.s32 $0x2400, s8;
	s22 =	sadd.s32 $0x2800, s8  }
0x1b: {  	s23 =	sadd.s32 $0x2C00, s8;
	s24 =	sshrl.u32 s15, $0x3;
	s25 =	sshrl.u32 s19, $0x3  }
0x1c: {  	v0 =	vimm.bf16 $0.0e+00;
	s26 =	sadd.s32 $0x3000, s8;
	s0 =	sadd.s32 $0x4800, s8;
	s15 =	simm.s32 $0x4  }
.LBB2_1:
0x1d: {  	s17 =	rddreg [dreg:$0x5]  }
0x1e: {  	s18 =	rddreg [dreg:$0x6]  }
0x1f: {  	[spmem:s24], [sflag:s18] =	dma.local [hbm:s17], $0xA00;
	[tilespmem:$0x7000] =	vst v0  }
0x20: {  	[tilespmem:$0x7010] =	vst v0  }
0x21: {  	[tilespmem:$0x7020] =	vst v0  }
0x22: {  	[tilespmem:$0x7030] =	vst v0  }
0x23: {  	[tilespmem:$0x7040] =	vst v0  }
0x24: {  	[tilespmem:$0x7050] =	vst v0  }
0x25: {  	[tilespmem:$0x7060] =	vst v0  }
0x26: {  	[tilespmem:$0x7070] =	vst v0  }
0x27: {  	[tilespmem:$0x7080] =	vst v0  }
0x28: {  	[tilespmem:$0x7090] =	vst v0  }
0x29: {  	[tilespmem:$0x70A0] =	vst v0  }
0x2a: {  	[tilespmem:$0x70B0] =	vst v0  }
0x2b: {  	[tilespmem:$0x70C0] =	vst v0  }
0x2c: {  	[tilespmem:$0x70D0] =	vst v0  }
0x2d: {  	[tilespmem:$0x70E0] =	vst v0  }
0x2e: {  	[tilespmem:$0x70F0] =	vst v0  }
0x2f: {  	[tilespmem:$0x7100] =	vst v0  }
0x30: {  	[tilespmem:$0x7110] =	vst v0  }
0x31: {  	[tilespmem:$0x7120] =	vst v0  }
0x32: {  	[tilespmem:$0x7130] =	vst v0  }
0x33: {  	[tilespmem:$0x7140] =	vst v0  }
0x34: {  	[tilespmem:$0x7150] =	vst v0  }
0x35: {  	[tilespmem:$0x7160] =	vst v0  }
0x36: {  	[tilespmem:$0x7170] =	vst v0  }
0x37: {  	[tilespmem:$0x7180] =	vst v0  }
0x38: {  	[tilespmem:$0x7190] =	vst v0  }
0x39: {  	[tilespmem:$0x71A0] =	vst v0  }
0x3a: {  	[tilespmem:$0x71B0] =	vst v0  }
0x3b: {  	[tilespmem:$0x71C0] =	vst v0  }
0x3c: {  	[tilespmem:$0x71D0] =	vst v0  }
0x3d: {  	[tilespmem:$0x71E0] =	vst v0  }
0x3e: {  	[tilespmem:$0x71F0] =	vst v0  }
0x3f: {  	[tilespmem:$0x7200] =	vst v0  }
0x40: {  	[tilespmem:$0x7210] =	vst v0  }
0x41: {  	[tilespmem:$0x7220] =	vst v0  }
0x42: {  	[tilespmem:$0x7230] =	vst v0  }
0x43: {  	[tilespmem:$0x7240] =	vst v0  }
0x44: {  	[tilespmem:$0x7250] =	vst v0  }
0x45: {  	[tilespmem:$0x7260] =	vst v0  }
0x46: {  	[tilespmem:$0x7270] =	vst v0  }
0x47: {  	[tilespmem:$0x7280] =	vst v0  }
0x48: {  	[tilespmem:$0x7290] =	vst v0  }
0x49: {  	[tilespmem:$0x72A0] =	vst v0  }
0x4a: {  	[tilespmem:$0x72B0] =	vst v0  }
0x4b: {  	[tilespmem:$0x72C0] =	vst v0  }
0x4c: {  	[tilespmem:$0x72D0] =	vst v0  }
0x4d: {  	[tilespmem:$0x72E0] =	vst v0  }
0x4e: {  	[tilespmem:$0x72F0] =	vst v0  }
0x4f: {  	[tilespmem:$0x7300] =	vst v0  }
0x50: {  	[tilespmem:$0x7310] =	vst v0  }
0x51: {  	[tilespmem:$0x7320] =	vst v0  }
0x52: {  	[tilespmem:$0x7330] =	vst v0  }
0x53: {  	[tilespmem:$0x7340] =	vst v0  }
0x54: {  	[tilespmem:$0x7350] =	vst v0  }
0x55: {  	[tilespmem:$0x7360] =	vst v0  }
0x56: {  	[tilespmem:$0x7370] =	vst v0  }
0x57: {  	[tilespmem:$0x7380] =	vst v0  }
0x58: {  	[tilespmem:$0x7390] =	vst v0  }
0x59: {  	[tilespmem:$0x73A0] =	vst v0  }
0x5a: {  	[tilespmem:$0x73B0] =	vst v0  }
0x5b: {  	[tilespmem:$0x73C0] =	vst v0  }
0x5c: {  	[tilespmem:$0x73D0] =	vst v0  }
0x5d: {  	[tilespmem:$0x73E0] =	vst v0  }
0x5e: {  	[tilespmem:$0x73F0] =	vst v0  }
0x5f: {  	[spmem:s8] =	stream.linear.scatter [tilespmem:s7], [sflag:$0x3], $0x400, $0x38;
	[tilespmem:$0x11400] =	vst v63  }
0x60: {  	s17 =	rddreg [dreg:$0xb]  }
0x61: {  	[spmem:s17] =	stream.linear.scatter [tilespmem:s7], [sflag:$0x3], $0x400, $0x38;
	[tilespmem:$0x11400] =	vst v63  }
0x62: {  	s19 =	rddreg [dreg:$0xc]  }
0x63: {  	[spmem:s19] =	stream.linear.scatter [tilespmem:s7], [sflag:$0x3], $0x400, $0x38;
	[tilespmem:$0x11400] =	vst v63  }
0x64: {  	s18 =	rddreg [dreg:$0xd]  }
0x65: {  	[spmem:s18] =	stream.linear.scatter [tilespmem:s7], [sflag:$0x3], $0x400, $0x38;
	[tilespmem:$0x11400] =	vst v63  }
0x66: {  	s19 =	rddreg [dreg:$0xe]  }
0x67: {  	[spmem:s19] =	stream.linear.scatter [tilespmem:s7], [sflag:$0x3], $0x400, $0x38;
	[tilespmem:$0x11400] =	vst v63  }
0x68: {  	s18 =	rddreg [dreg:$0xf]  }
0x69: {  	[spmem:s18] =	stream.linear.scatter [tilespmem:s7], [sflag:$0x3], $0x400, $0x38;
	[tilespmem:$0x11400] =	vst v63  }
0x6a: {  	s19 =	rddreg [dreg:$0x10]  }
0x6b: {  	[spmem:s19] =	stream.linear.scatter [tilespmem:s7], [sflag:$0x3], $0x400, $0x38;
	[tilespmem:$0x11400] =	vst v63  }
0x6c: {  	s18 =	rddreg [dreg:$0x11]  }
0x6d: {  	[spmem:s18] =	stream.linear.scatter [tilespmem:s7], [sflag:$0x3], $0x400, $0x38;
	[tilespmem:$0x11400] =	vst v63  }
0x6e: {  	_ = 	snop  }
0x6f: {  	[spmem:s20] =	stream.linear.scatter [tilespmem:s7], [sflag:$0x3], $0x400, $0x38;
	[tilespmem:$0x11400] =	vst v63  }
0x70: {  	_ = 	snop  }
0x71: {  	[spmem:s21] =	stream.linear.scatter [tilespmem:s7], [sflag:$0x3], $0x400, $0x38;
	[tilespmem:$0x11400] =	vst v63  }
0x72: {  	_ = 	snop  }
0x73: {  	[spmem:s22] =	stream.linear.scatter [tilespmem:s7], [sflag:$0x3], $0x400, $0x38;
	[tilespmem:$0x11400] =	vst v63  }
0x74: {  	_ = 	snop  }
0x75: {  	[spmem:s23] =	stream.linear.scatter [tilespmem:s7], [sflag:$0x3], $0x400, $0x38;
	[tilespmem:$0x11400] =	vst v63  }
0x76: {  	_ = 	snop  }
0x77: {  	[spmem:s26] =	stream.linear.scatter [tilespmem:s7], [sflag:$0x3], $0x400, $0x38;
	[tilespmem:$0x11400] =	vst v63  }
0x78: {  	_ = 	snop  }
0x79: {  	[spmem:s28] =	stream.linear.scatter [tilespmem:s7], [sflag:$0x3], $0x400, $0x38;
	[tilespmem:$0x11400] =	vst v63  }
0x7a: {  	_ = 	snop  }
0x7b: {  	[spmem:s29] =	stream.linear.scatter [tilespmem:s7], [sflag:$0x3], $0x400, $0x38;
	[tilespmem:$0x11400] =	vst v63  }
0x7c: {  	_ = 	snop  }
0x7d: {  	[spmem:s30] =	stream.linear.scatter [tilespmem:s7], [sflag:$0x3], $0x400, $0x38;
	[tilespmem:$0x11400] =	vst v63  }
0x7e: {  	_ = 	snop  }
0x7f: {  	[spmem:s31] =	stream.linear.scatter [tilespmem:s7], [sflag:$0x3], $0x400, $0x38;
	[tilespmem:$0x11400] =	vst v63  }
0x80: {  	_ = 	snop  }
0x81: {  	[spmem:s1] =	stream.linear.scatter [tilespmem:s7], [sflag:$0x3], $0x400, $0x38;
	[tilespmem:$0x11400] =	vst v63  }
0x82: {  	_ = 	snop  }
0x83: {  	[spmem:s0] =	stream.linear.scatter [tilespmem:s7], [sflag:$0x3], $0x400, $0x38;
	[tilespmem:$0x11400] =	vst v63  }
0x84: {  	_ = 	snop  }
0x85: {  	[spmem:s6] =	stream.linear.scatter [tilespmem:s7], [sflag:$0x3], $0x400, $0x38;
	[tilespmem:$0x11400] =	vst v63  }
0x86: {  	s19 =	rddreg [dreg:$0x7]  }
0x87: {  	[tilespmem:s4], [sflag:$0x2] =	stream.linear.gather [hbm4b:s19+s4], $0x2800, $0x38;
	[tilespmem:$0x11400] =	vst v63  }
0x88: {  	s18 =	rddreg [dreg:$0x8];
	s19 =	simm.s32 $0x2800  }
0x89: {  	[tilespmem:s19], [sflag:$0x5] =	stream.linear.gather [hbm4b:s18+s4], $0x2800, $0x38;
	[tilespmem:$0x11400] =	vst v63  }
0x8a: {  	_ =	swait.ge [sflag:s9], $0x2800  }
0x8b: {  	[sflag:s9] =	ssyncset.done $0x0  }
0x8c: {  	[sflag:s9] =	ssyncadd.s32 $0xFFFFD800  }
0x8d: {  	_ =	swait.ge [sflag:s10], $0x2800  }
0x8e: {  	[sflag:s10] =	ssyncset.done $0x0  }
0x8f: {  	[sflag:s10] =	ssyncadd.s32 $0xFFFFD800  }
0x90: {  	_ =	swait.ge [sflag:s11], $0xA00  }
0x91: {  	[sflag:s11] =	ssyncset.done $0x0  }
0x92: {  	[sflag:s11] =	ssyncadd.s32 $0xFFFFF600  }
0x93: {  	_ =	swait.ge [sflag:s12], $0x400  }
0x94: {  	[sflag:s12] =	ssyncset.done $0x0  }
0x95: {  	[sflag:s12] =	ssyncadd.s32 $0xFFFFFC00  }
0x96: {  	_ =	swait.ge [sflag:s12], $0x400  }
0x97: {  	[sflag:s12] =	ssyncset.done $0x0  }
0x98: {  	[sflag:s12] =	ssyncadd.s32 $0xFFFFFC00  }
0x99: {  	_ =	swait.ge [sflag:s12], $0x400  }
0x9a: {  	[sflag:s12] =	ssyncset.done $0x0  }
0x9b: {  	[sflag:s12] =	ssyncadd.s32 $0xFFFFFC00  }
0x9c: {  	_ =	swait.ge [sflag:s12], $0x400  }
0x9d: {  	[sflag:s12] =	ssyncset.done $0x0  }
0x9e: {  	[sflag:s12] =	ssyncadd.s32 $0xFFFFFC00  }
0x9f: {  	_ =	swait.ge [sflag:s12], $0x400  }
0xa0: {  	[sflag:s12] =	ssyncset.done $0x0  }
0xa1: {  	[sflag:s12] =	ssyncadd.s32 $0xFFFFFC00  }
0xa2: {  	_ =	swait.ge [sflag:s12], $0x400  }
0xa3: {  	[sflag:s12] =	ssyncset.done $0x0  }
0xa4: {  	[sflag:s12] =	ssyncadd.s32 $0xFFFFFC00  }
0xa5: {  	_ =	swait.ge [sflag:s12], $0x400  }
0xa6: {  	[sflag:s12] =	ssyncset.done $0x0  }
0xa7: {  	[sflag:s12] =	ssyncadd.s32 $0xFFFFFC00  }
0xa8: {  	_ =	swait.ge [sflag:s12], $0x400  }
0xa9: {  	[sflag:s12] =	ssyncset.done $0x0  }
0xaa: {  	[sflag:s12] =	ssyncadd.s32 $0xFFFFFC00  }
0xab: {  	_ =	swait.ge [sflag:s12], $0x400  }
0xac: {  	[sflag:s12] =	ssyncset.done $0x0  }
0xad: {  	[sflag:s12] =	ssyncadd.s32 $0xFFFFFC00  }
0xae: {  	_ =	swait.ge [sflag:s12], $0x400  }
0xaf: {  	[sflag:s12] =	ssyncset.done $0x0  }
0xb0: {  	[sflag:s12] =	ssyncadd.s32 $0xFFFFFC00  }
0xb1: {  	_ =	swait.ge [sflag:s12], $0x400  }
0xb2: {  	[sflag:s12] =	ssyncset.done $0x0  }
0xb3: {  	[sflag:s12] =	ssyncadd.s32 $0xFFFFFC00  }
0xb4: {  	_ =	swait.ge [sflag:s12], $0x400  }
0xb5: {  	[sflag:s12] =	ssyncset.done $0x0  }
0xb6: {  	[sflag:s12] =	ssyncadd.s32 $0xFFFFFC00  }
0xb7: {  	_ =	swait.ge [sflag:s12], $0x400  }
0xb8: {  	[sflag:s12] =	ssyncset.done $0x0  }
0xb9: {  	[sflag:s12] =	ssyncadd.s32 $0xFFFFFC00  }
0xba: {  	_ =	swait.ge [sflag:s12], $0x400  }
0xbb: {  	[sflag:s12] =	ssyncset.done $0x0  }
0xbc: {  	[sflag:s12] =	ssyncadd.s32 $0xFFFFFC00  }
0xbd: {  	_ =	swait.ge [sflag:s12], $0x400  }
0xbe: {  	[sflag:s12] =	ssyncset.done $0x0  }
0xbf: {  	[sflag:s12] =	ssyncadd.s32 $0xFFFFFC00  }
0xc0: {  	_ =	swait.ge [sflag:s12], $0x400  }
0xc1: {  	[sflag:s12] =	ssyncset.done $0x0  }
0xc2: {  	[sflag:s12] =	ssyncadd.s32 $0xFFFFFC00  }
0xc3: {  	_ =	swait.ge [sflag:s12], $0x400  }
0xc4: {  	[sflag:s12] =	ssyncset.done $0x0  }
0xc5: {  	[sflag:s12] =	ssyncadd.s32 $0xFFFFFC00  }
0xc6: {  	_ =	swait.ge [sflag:s12], $0x400  }
0xc7: {  	[sflag:s12] =	ssyncset.done $0x0  }
0xc8: {  	[sflag:s12] =	ssyncadd.s32 $0xFFFFFC00  }
0xc9: {  	_ =	swait.ge [sflag:s12], $0x400  }
0xca: {  	[sflag:s12] =	ssyncset.done $0x0  }
0xcb: {  	[sflag:s12] =	ssyncadd.s32 $0xFFFFFC00  }
0xcc: {  	_ =	swait.ge [sflag:s12], $0x400  }
0xcd: {  	[sflag:s12] =	ssyncset.done $0x0  }
0xce: {  	[sflag:s12] =	ssyncadd.s32 $0xFFFFFC00  }
0xcf: {  	[bflag:$0x0] =	sbarrier.arrive $0xFFFF  }
0xd0: {  	[tilespmem:s13], [sflag:$0x1] =	stream.indirect.gather [spmem:s2], $0x20, s4, s5, $0xb8;
	[tilespmem:$0x11400] =	vst v63  }
0xd1: {  	_ = 	snop  }
0xd2: {  	[tilespmem:s14], [sflag:$0x2] =	stream.indirect.gather [spmem:s2], $0x20, s5, s5, $0xb8;
	[tilespmem:$0x11400] =	vst v63  }
0xd3: {  	_ =	swait.ge [sflag:s11], $0x1000  }
0xd4: {  	[sflag:s11] =	ssyncset.done $0x0  }
0xd5: {  	s19 =	simm.s32 $0x2800;
	[sflag:s11] =	ssyncadd.s32 $0xFFFFF000  }
0xd6: {  	[spmem:s3] =	stream.indirect.scatter.add.bf16 [tilespmem:s13], [sflag:$0x3], $0x20, s19, s5, $0xb8;
	[tilespmem:$0x11400] =	vst v63  }
0xd7: {  	_ =	swait.ge [sflag:s10], $0x1000  }
0xd8: {  	[sflag:s10] =	ssyncset.done $0x0  }
0xd9: {  	s18 =	simm.s32 $0x2880;
	[sflag:s10] =	ssyncadd.s32 $0xFFFFF000  }
0xda: {  	[spmem:s3] =	stream.indirect.scatter.add.bf16 [tilespmem:s14], [sflag:$0x4], $0x20, s18, s5, $0xb8;
	[tilespmem:$0x11400] =	vst v63  }
0xdb: {  	_ =	swait.ge [sflag:s12], $0x1000  }
0xdc: {  	[sflag:s12] =	ssyncset.done $0x0  }
0xdd: {  	s19 =	simm.s32 $0x100;
	[sflag:s12] =	ssyncadd.s32 $0xFFFFF000  }
0xde: {  	[tilespmem:s13], [sflag:$0x1] =	stream.indirect.gather [spmem:s2], $0x20, s19, s5, $0xb8;
	[tilespmem:$0x11400] =	vst v63  }
0xdf: {  	_ =	swait.ge [sflag:s15], $0x1000  }
0xe0: {  	[sflag:s15] =	ssyncset.done $0x0  }
0xe1: {  	s17 =	simm.s32 $0x400;
	s18 =	simm.s32 $0x180;
	[sflag:s15] =	ssyncadd.s32 $0xFFFFF000  }
.LBB2_2:
0xe2: {  	[tilespmem:s14], [sflag:$0x2] =	stream.indirect.gather [spmem:s2], $0x20, s18, s5, $0xb8;
	[tilespmem:$0x11400] =	vst v63  }
0xe3: {  	s18 =	smov.u32 s17  }
0xe4: {  	p0 =	sne.s32 s17, $0x9800;
	s17 =	sadd.s32 $0x400, s17;
	_ =	swait.ge [sflag:s11], $0x1000  }
0xe5: {  	s18 =	sshra.s32 s18, $0x2;
	[sflag:s11] =	ssyncset.done $0x0  }
0xe6: {  	s19 =	sadd.s32 $0x2800, s18;
	[sflag:s11] =	ssyncadd.s32 $0xFFFFF000  }
0xe7: {  	[spmem:s3] =	stream.indirect.scatter.add.bf16 [tilespmem:s13], [sflag:$0x3], $0x20, s19, s5, $0xb8;
	[tilespmem:$0x11400] =	vst v63  }
0xe8: {  	_ =	swait.ge [sflag:s10], $0x1000  }
0xe9: {  	[sflag:s10] =	ssyncset.done $0x0  }
0xea: {  	s19 =	sadd.s32 $0x2880, s18;
	[sflag:s10] =	ssyncadd.s32 $0xFFFFF000  }
0xeb: {  	[spmem:s3] =	stream.indirect.scatter.add.bf16 [tilespmem:s14], [sflag:$0x4], $0x20, s19, s5, $0xb8;
	[tilespmem:$0x11400] =	vst v63  }
0xec: {  	_ =	swait.ge [sflag:s12], $0x1000  }
0xed: {  	[sflag:s12] =	ssyncset.done $0x0  }
.Ltmp0:
0xee: {  	s19 =	sadd.s32 $0x100, s18;
	[sflag:s12] =	ssyncadd.s32 $0xFFFFF000;
	(pc) =	sbr.rel @p0 .LBB2_2-.Ltmp0, $4  }
0xef: {  	[tilespmem:s13], [sflag:$0x1] =	stream.indirect.gather [spmem:s2], $0x20, s19, s5, $0xb8;
	[tilespmem:$0x11400] =	vst v63  }
0xf0: {  	_ =	swait.ge [sflag:s15], $0x1000  }
0xf1: {  	[sflag:s15] =	ssyncset.done $0x0  }
0xf2: {  	s18 =	sadd.s32 $0x180, s18;
	[sflag:s15] =	ssyncadd.s32 $0xFFFFF000  }
0xf3: {  	[tilespmem:s14], [sflag:$0x2] =	stream.indirect.gather [spmem:s2], $0x20, s18, s5, $0xb8;
	[tilespmem:$0x11400] =	vst v63  }
0xf4: {  	_ =	swait.ge [sflag:s11], $0x1000  }
0xf5: {  	[sflag:s11] =	ssyncset.done $0x0  }
0xf6: {  	s17 =	simm.s32 $0x4F00;
	[sflag:s11] =	ssyncadd.s32 $0xFFFFF000  }
0xf7: {  	[spmem:s3] =	stream.indirect.scatter.add.bf16 [tilespmem:s13], [sflag:$0x3], $0x20, s17, s5, $0xb8;
	[tilespmem:$0x11400] =	vst v63  }
0xf8: {  	_ =	swait.ge [sflag:s10], $0x1000  }
0xf9: {  	[sflag:s10] =	ssyncset.done $0x0  }
0xfa: {  	s19 =	simm.s32 $0x4F80;
	[sflag:s10] =	ssyncadd.s32 $0xFFFFF000  }
0xfb: {  	[spmem:s3] =	stream.indirect.scatter.add.bf16 [tilespmem:s14], [sflag:$0x4], $0x20, s19, s5, $0xb8;
	[tilespmem:$0x11400] =	vst v63  }
0xfc: {  	_ =	swait.ge [sflag:s12], $0x1000  }
0xfd: {  	[sflag:s12] =	ssyncset.done $0x0  }
0xfe: {  	[sflag:s12] =	ssyncadd.s32 $0xFFFFF000  }
0xff: {  	_ =	swait.ge [sflag:s15], $0x1000  }
0x100: {  	[sflag:s15] =	ssyncset.done $0x0  }
0x101: {  	[sflag:s15] =	ssyncadd.s32 $0xFFFFF000  }
0x102: {  	[bflag:$0x0] =	sbarrier.arrive $0xFFFF  }
0x103: {  	s18 =	rddreg [dreg:$0x4]  }
0x104: {  	s19 =	rddreg [dreg:$0x9];
	s17 =	sor.u32 $0x1C05, s18  }
0x105: {  	[hbm:s19], [sflag:s17] =	dma.local [spmem:s25], $0xA00  }
0x106: {  	_ =	swait.ge [sflag:s9], $0xA00  }
0x107: {  	s16 =	sadd.s32 $0x1, s16;
	s19 =	rddreg [dreg:$0xa]  }
0x108: {  	p0 =	sne.s32 s16, s19  }
.Ltmp1:
0x109: {  	_ = 	snop;
	(pc) =	sbr.rel @p0 .LBB2_1-.Ltmp1, $3  }
0x10a: {  	_ =	sdelay $0x1  }
0x10b: {  	[sflag:s9] =	ssyncset.done $0x0  }
0x10c: {  	[sflag:s9] =	ssyncadd.s32 $0xFFFFF600  }
0x10d: {  	_ =	sfence.sel $0x180000  }
0x10e: {  	[bflag:$0x0] =	sbarrier.arrive $0xFFFF  }
0x10f: {  	_ =	strace $0x90000047  }
0x110: {  	s0 =	stileid.u32;
	[bflag:$0x2] =	sbarrier.arrive $0xFFFF  }
0x111: {  	p0 =	sne.s32 s0, $0x0;
	s0 =	rddreg [dreg:$0x3]  }
0x112: {  	s0 =	sadd.s32 @!p0 $0x100000, s0  }
0x113: {  	[sflag:s0] =	ssyncadd.tile.s32 @!p0 $0x1;
	_ =	shalt  }
.Lfunc_end2:
_tile_overlayer_lowered:
.L_overlay_start_2:
0x114: {  	(tag) =	ssettag $0x2  }
0x115: {  	s0 =	rddreg [dreg:$0x0];
	s2 =	stileid.u32  }
0x116: {  	s1 =	rddreg [dreg:$0x1];
	p0 =	sne.s32 s2, $0x0  }
0x117: {  	s3 =	rddreg [dreg:$0x2];
	[bflag:$0x3] =	sbarrier.arrive $0xFFFF;
	s2 =	simm.s32 @!p0 $0x1C05  }
0x118: {  	[timem:s3], [sflag:s2] =	dma.local @!p0 [hbm:s0], s1  }
0x119: {  	s0 =	simm.s32 @!p0 $0x5  }
0x11a: {  	_ =	swait.ge @!p0 [sflag:s0], s1  }
0x11b: {  	s1 =	ssub.s32 @!p0 $0x0, s1;
	[sflag:s0] =	ssyncset.done @!p0 $0x0  }
0x11c: {  	[sflag:s0] =	ssyncadd.s32 @!p0 s1  }
0x11d: {  	[bflag:$0x3] =	sbarrier.arrive $0xFFFF  }
0x11e: {  	_ =	shalt  }

</sc_bundles>
